<compile_context>
chip_gen: v7x
topology: tpu7x:2x2x1
jax: 0.10.2.dev20260603
libtpu: 0.0.44.dev20260713+nightly
codegen_flags: <defaults>
</compile_context>

<pallas_src>
import functools

import jax
import jax.numpy as jnp
from jax import lax
from jax.experimental import pallas as pl
from jax.experimental.pallas import tpu as pltpu
from jax.experimental.pallas import tpu_sc as plsc

NUM_CORES = 2
NUM_SUBCORES = 16
LANES = 16
DPAD = 128


def kernel(inputs, token_table, pos_table):
    B, S = inputs.shape
    V, D = token_table.shape
    NW = NUM_CORES * NUM_SUBCORES
    seqs_per_w = B // NW
    idx_per_w = seqs_per_w * S
    SP = S // 2

    tab128 = jnp.pad(token_table, ((0, 0), (0, DPAD - D)))
    pos_packed = pos_table.reshape(SP, 2 * D)
    inputs_flat = inputs.reshape(B * S)

    mesh = plsc.VectorSubcoreMesh(core_axis_name="c", subcore_axis_name="s")

    @functools.partial(
        pl.kernel,
        mesh=mesh,
        out_type=jax.ShapeDtypeStruct((B, SP, 2 * D), jnp.float32),
        scratch_types=[
            pltpu.VMEM((idx_per_w,), jnp.int32),
            pltpu.VMEM((2, S, DPAD), jnp.float32),
            pltpu.VMEM((2, SP, 2 * D), jnp.float32),
            pltpu.VMEM((SP, 2 * D), jnp.float32),
        ]
        + [pltpu.SemaphoreType.DMA] * 4,
    )
    def emb_kernel(inp_hbm, tab_hbm, pos_hbm, out_hbm, idx_v, rows_v, st_v, pos_v, *sems):
        gsem = sems[:2]
        ssem = sems[2:]
        wid = lax.axis_index("s") * NUM_CORES + lax.axis_index("c")
        base_idx = wid * idx_per_w
        base_seq = wid * seqs_per_w

        pltpu.sync_copy(pos_hbm, pos_v)
        pltpu.sync_copy(
            inp_hbm.at[pl.ds(pl.multiple_of(base_idx, 128), idx_per_w)], idx_v
        )

        def fire(s, b):
            off = pl.multiple_of(s * S, 8)
            pltpu.async_copy(
                tab_hbm.at[idx_v.at[pl.ds(off, 128)]],
                rows_v.at[b, pl.ds(0, 128)],
                gsem[b],
            )
            pltpu.async_copy(
                tab_hbm.at[idx_v.at[pl.ds(off + 128, S - 128)]],
                rows_v.at[b, pl.ds(128, S - 128)],
                gsem[b],
            )

        def wait_sc(b):
            pltpu.make_async_copy(st_v.at[b], out_hbm.at[0], ssem[b]).wait()

        def process(s, b):
            pltpu.make_async_copy(
                tab_hbm.at[pl.ds(0, S)], rows_v.at[b], gsem[b]
            ).wait()

            @plsc.parallel_loop(0, SP, unroll=2)
            def add_body(r2):
                for half in range(2):
                    for ci in range(D // LANES):
                        dsl = pl.ds(half * D + ci * LANES, LANES)
                        ssl = pl.ds(ci * LANES, LANES)
                        st_v[b, r2, dsl] = rows_v[b, 2 * r2 + half, ssl] + pos_v[r2, dsl]
            pltpu.async_copy(st_v.at[b], out_hbm.at[base_seq + s], ssem[b])

        fire(0, 0)
        fire(1, 1)
        process(0, 0)
        fire(2, 0)
        process(1, 1)

        def super_body(k, carry):
            s = 2 * k
            fire(s + 1, 1)
            wait_sc(0)
            process(s, 0)
            fire(s + 2, 0)
            wait_sc(1)
            process(s + 1, 1)
            return carry

        lax.fori_loop(1, seqs_per_w // 2 - 1, super_body, 0)

        s = seqs_per_w - 2
        fire(s + 1, 1)
        wait_sc(0)
        process(s, 0)
        wait_sc(1)
        process(s + 1, 1)
        wait_sc(0)
        wait_sc(1)

    out = emb_kernel(inputs_flat, tab128, pos_packed)
    return out.reshape(B, S, D)

# --- scband reference (transcript-rebuilt; emitter-appended) ---
"""Pipeline reference for scband-positional-embedding-9775345566081 (READ-ONLY COPY).

The authoritative reference and input builder live on the scoring server;
editing this copy changes nothing except your own understanding.
"""

import jax, jax.numpy as jnp
import numpy as np

SEQUENCE_LENGTH = 200
INPUT_DIM = 100000
OUTPUT_DIM = 64
BATCH = 4096

def setup_inputs(seed: int = 0) -> dict:
    key = jax.random.key(seed)
    k1, k2, k3 = jax.random.split(key, 3)
    inputs = jax.random.randint(k1, (BATCH, SEQUENCE_LENGTH), 0, INPUT_DIM, dtype=jnp.int64 if jax.config.jax_enable_x64 else jnp.int32).astype(jnp.int32)
    token_table = jax.random.normal(k2, (INPUT_DIM, OUTPUT_DIM), dtype=jnp.float32) * 0.05
    pos_table = jax.random.normal(k3, (SEQUENCE_LENGTH, OUTPUT_DIM), dtype=jnp.float32) * 0.05
    return {"inputs": inputs, "token_table": token_table, "pos_table": pos_table}

def reference(inputs, token_table, pos_table):
    length = inputs.shape[-1]
    positions = jnp.arange(length)
    embedded_tokens = jnp.take(token_table, inputs, axis=0)
    embedded_positions = jnp.take(pos_table, positions, axis=0)
    return embedded_tokens + embedded_positions

if __name__ == "__main__":
    import jax
    _d = setup_inputs()
    print(jax.jit(kernel)(*tuple(_d.values())))

</pallas_src>

<mosaic_0001>
#map = affine_map<(d0, d1) -> (0)>
#map1 = affine_map<(d0, d1) -> (0, 0)>
#map2 = affine_map<(d0, d1) -> (0, 0, 0)>
module attributes {stable_mosaic.version = 14 : i64} {
  func.func @emb_kernel(%arg0: i32, %arg1: i32, %arg2: memref<819200xi32, #tpu.memory_space<hbm>>, %arg3: memref<100000x128xf32, #tpu.memory_space<hbm>>, %arg4: memref<100x128xf32, #tpu.memory_space<hbm>>, %arg5: memref<4096x100x128xf32, #tpu.memory_space<hbm>>, %arg6: memref<25600xi32, #tpu.memory_space<vmem>>, %arg7: memref<2x200x128xf32, #tpu.memory_space<vmem>>, %arg8: memref<2x100x128xf32, #tpu.memory_space<vmem>>, %arg9: memref<100x128xf32, #tpu.memory_space<vmem>>, %arg10: memref<!tpu.dma_semaphore, #tpu.memory_space<semaphore_mem>>, %arg11: memref<!tpu.dma_semaphore, #tpu.memory_space<semaphore_mem>>, %arg12: memref<!tpu.dma_semaphore, #tpu.memory_space<semaphore_mem>>, %arg13: memref<!tpu.dma_semaphore, #tpu.memory_space<semaphore_mem>>) attributes {dimension_semantics = [#tpu.dimension_semantics<core_parallel>, #tpu.dimension_semantics<subcore_parallel>], iteration_bounds = array<i64: 2, 16>, scalar_prefetch = 0 : i64, scratch_operands = 8 : i64, tpu.core_type = #tpu.core_type<sc_vector_subcore>, window_params = [{transform_indices = #map}, {transform_indices = #map1}, {transform_indices = #map1}, {transform_indices = #map2}]} {
    %mul3A = arith.constant 2 : i32
    %mul3A_0 = arith.muli %arg1, %mul3A : i32
    %add3A = arith.addi %mul3A_0, %arg0 : i32
    %mul3A_1 = arith.constant 25600 : i32
    %mul3A_2 = arith.muli %add3A, %mul3A_1 : i32
    %mul3A_3 = arith.constant 128 : i32
    %mul3A_4 = arith.muli %add3A, %mul3A_3 : i32
    "tpu.region"() ({
      %run_scoped3A = tpu.sem_alloc : memref<!tpu.dma_semaphore, #tpu.memory_space<semaphore_mem>>
      tpu.enqueue_dma source(%arg4 : memref<100x128xf32, #tpu.memory_space<hbm>>) target(%arg9 : memref<100x128xf32, #tpu.memory_space<vmem>>) target_semaphore(%run_scoped3A : memref<!tpu.dma_semaphore, #tpu.memory_space<semaphore_mem>>)
      tpu.wait_dma2 semaphore(%run_scoped3A : memref<!tpu.dma_semaphore, #tpu.memory_space<semaphore_mem>>) src(%arg4 : memref<100x128xf32, #tpu.memory_space<hbm>>) dst(%arg9 : memref<100x128xf32, #tpu.memory_space<vmem>>)
      tpu.yield
    }) : () -> ()
    %multiple_of3A = tpu.assume_multiple %mul3A_2, 128 : i32
    "tpu.region"() ({
      %run_scoped3A = tpu.sem_alloc : memref<!tpu.dma_semaphore, #tpu.memory_space<semaphore_mem>>
      %dma_start3A_315 = tpu.memref_slice %arg2[%multiple_of3A] : memref<819200xi32, #tpu.memory_space<hbm>> -> memref<25600xi32, #tpu.memory_space<hbm>>
      %dma_start3A_316 = tpu.memref_slice %arg2[%multiple_of3A] : memref<819200xi32, #tpu.memory_space<hbm>> -> memref<25600xi32, #tpu.memory_space<hbm>>
      tpu.enqueue_dma source(%dma_start3A_316 : memref<25600xi32, #tpu.memory_space<hbm>>) target(%arg6 : memref<25600xi32, #tpu.memory_space<vmem>>) target_semaphore(%run_scoped3A : memref<!tpu.dma_semaphore, #tpu.memory_space<semaphore_mem>>)
      %dma_wait3A_317 = tpu.memref_slice %arg2[%multiple_of3A] : memref<819200xi32, #tpu.memory_space<hbm>> -> memref<25600xi32, #tpu.memory_space<hbm>>
      %dma_wait3A_318 = tpu.memref_slice %arg2[%multiple_of3A] : memref<819200xi32, #tpu.memory_space<hbm>> -> memref<25600xi32, #tpu.memory_space<hbm>>
      tpu.wait_dma2 semaphore(%run_scoped3A : memref<!tpu.dma_semaphore, #tpu.memory_space<semaphore_mem>>) src(%dma_wait3A_318 : memref<25600xi32, #tpu.memory_space<hbm>>) dst(%arg6 : memref<25600xi32, #tpu.memory_space<vmem>>)
      tpu.yield
    }) : () -> ()
    %multiple_of3A_5 = arith.constant 0 : i32
    %multiple_of3A_6 = tpu.assume_multiple %multiple_of3A_5, 8 : i32
    %dma_start3A = arith.constant 0 : i32
    %dma_start3A_7 = arith.constant 0 : i32
    %dma_start3A_8 = arith.constant 0 : i32
    %dma_start3A_9 = tpu.memref_slice %arg7[%dma_start3A, %dma_start3A_7, %dma_start3A_8] : memref<2x200x128xf32, #tpu.memory_space<vmem>> -> memref<1x128x128xf32, #tpu.memory_space<vmem>>
    %dma_start3A_10 = tpu.memref_squeeze %dma_start3A_9 : memref<1x128x128xf32, #tpu.memory_space<vmem>> -> memref<128x128xf32, #tpu.memory_space<vmem>>
    %dma_start3A_11 = tpu.memref_slice %arg6[%multiple_of3A_6] : memref<25600xi32, #tpu.memory_space<vmem>> -> memref<128xi32, #tpu.memory_space<vmem>>
    %dma_start3A_12 = arith.constant 0 : i32
    %dma_start3A_13 = arith.constant 0 : i32
    %dma_start3A_14 = tpu.memref_slice %arg3[%dma_start3A_12, %dma_start3A_13] : memref<100000x128xf32, #tpu.memory_space<hbm>> -> memref<100000x128xf32, #tpu.memory_space<hbm>>
    tpu.enqueue_indirect_dma source(%dma_start3A_14 : memref<100000x128xf32, #tpu.memory_space<hbm>>) target(%dma_start3A_10 : memref<128x128xf32, #tpu.memory_space<vmem>>) offsets(%dma_start3A_11 : memref<128xi32, #tpu.memory_space<vmem>>) semaphore(%arg10 : memref<!tpu.dma_semaphore, #tpu.memory_space<semaphore_mem>>)
    %add3A_15 = arith.constant 128 : i32
    %add3A_16 = arith.addi %multiple_of3A_6, %add3A_15 : i32
    %dma_start3A_17 = arith.constant 0 : i32
    %dma_start3A_18 = arith.constant 128 : i32
    %dma_start3A_19 = arith.constant 0 : i32
    %dma_start3A_20 = tpu.memref_slice %arg7[%dma_start3A_17, %dma_start3A_18, %dma_start3A_19] : memref<2x200x128xf32, #tpu.memory_space<vmem>> -> memref<1x72x128xf32, #tpu.memory_space<vmem>>
    %dma_start3A_21 = tpu.memref_squeeze %dma_start3A_20 : memref<1x72x128xf32, #tpu.memory_space<vmem>> -> memref<72x128xf32, #tpu.memory_space<vmem>>
    %dma_start3A_22 = tpu.memref_slice %arg6[%add3A_16] : memref<25600xi32, #tpu.memory_space<vmem>> -> memref<72xi32, #tpu.memory_space<vmem>>
    %dma_start3A_23 = arith.constant 0 : i32
    %dma_start3A_24 = arith.constant 0 : i32
    %dma_start3A_25 = tpu.memref_slice %arg3[%dma_start3A_23, %dma_start3A_24] : memref<100000x128xf32, #tpu.memory_space<hbm>> -> memref<100000x128xf32, #tpu.memory_space<hbm>>
    tpu.enqueue_indirect_dma source(%dma_start3A_25 : memref<100000x128xf32, #tpu.memory_space<hbm>>) target(%dma_start3A_21 : memref<72x128xf32, #tpu.memory_space<vmem>>) offsets(%dma_start3A_22 : memref<72xi32, #tpu.memory_space<vmem>>) semaphore(%arg10 : memref<!tpu.dma_semaphore, #tpu.memory_space<semaphore_mem>>)
    %multiple_of3A_26 = arith.constant 200 : i32
    %multiple_of3A_27 = tpu.assume_multiple %multiple_of3A_26, 8 : i32
    %dma_start3A_28 = arith.constant 1 : i32
    %dma_start3A_29 = arith.constant 0 : i32
    %dma_start3A_30 = arith.constant 0 : i32
    %dma_start3A_31 = tpu.memref_slice %arg7[%dma_start3A_28, %dma_start3A_29, %dma_start3A_30] : memref<2x200x128xf32, #tpu.memory_space<vmem>> -> memref<1x128x128xf32, #tpu.memory_space<vmem>>
    %dma_start3A_32 = tpu.memref_squeeze %dma_start3A_31 : memref<1x128x128xf32, #tpu.memory_space<vmem>> -> memref<128x128xf32, #tpu.memory_space<vmem>>
    %dma_start3A_33 = tpu.memref_slice %arg6[%multiple_of3A_27] : memref<25600xi32, #tpu.memory_space<vmem>> -> memref<128xi32, #tpu.memory_space<vmem>>
    %dma_start3A_34 = arith.constant 0 : i32
    %dma_start3A_35 = arith.constant 0 : i32
    %dma_start3A_36 = tpu.memref_slice %arg3[%dma_start3A_34, %dma_start3A_35] : memref<100000x128xf32, #tpu.memory_space<hbm>> -> memref<100000x128xf32, #tpu.memory_space<hbm>>
    tpu.enqueue_indirect_dma source(%dma_start3A_36 : memref<100000x128xf32, #tpu.memory_space<hbm>>) target(%dma_start3A_32 : memref<128x128xf32, #tpu.memory_space<vmem>>) offsets(%dma_start3A_33 : memref<128xi32, #tpu.memory_space<vmem>>) semaphore(%arg11 : memref<!tpu.dma_semaphore, #tpu.memory_space<semaphore_mem>>)
    %add3A_37 = arith.constant 128 : i32
    %add3A_38 = arith.addi %multiple_of3A_27, %add3A_37 : i32
    %dma_start3A_39 = arith.constant 1 : i32
    %dma_start3A_40 = arith.constant 128 : i32
    %dma_start3A_41 = arith.constant 0 : i32
    %dma_start3A_42 = tpu.memref_slice %arg7[%dma_start3A_39, %dma_start3A_40, %dma_start3A_41] : memref<2x200x128xf32, #tpu.memory_space<vmem>> -> memref<1x72x128xf32, #tpu.memory_space<vmem>>
    %dma_start3A_43 = tpu.memref_squeeze %dma_start3A_42 : memref<1x72x128xf32, #tpu.memory_space<vmem>> -> memref<72x128xf32, #tpu.memory_space<vmem>>
    %dma_start3A_44 = tpu.memref_slice %arg6[%add3A_38] : memref<25600xi32, #tpu.memory_space<vmem>> -> memref<72xi32, #tpu.memory_space<vmem>>
    %dma_start3A_45 = arith.constant 0 : i32
    %dma_start3A_46 = arith.constant 0 : i32
    %dma_start3A_47 = tpu.memref_slice %arg3[%dma_start3A_45, %dma_start3A_46] : memref<100000x128xf32, #tpu.memory_space<hbm>> -> memref<100000x128xf32, #tpu.memory_space<hbm>>
    tpu.enqueue_indirect_dma source(%dma_start3A_47 : memref<100000x128xf32, #tpu.memory_space<hbm>>) target(%dma_start3A_43 : memref<72x128xf32, #tpu.memory_space<vmem>>) offsets(%dma_start3A_44 : memref<72xi32, #tpu.memory_space<vmem>>) semaphore(%arg11 : memref<!tpu.dma_semaphore, #tpu.memory_space<semaphore_mem>>)
    %dma_wait3A = arith.constant 0 : i32
    %dma_wait3A_48 = arith.constant 0 : i32
    %dma_wait3A_49 = arith.constant 0 : i32
    %dma_wait3A_50 = tpu.memref_slice %arg7[%dma_wait3A, %dma_wait3A_48, %dma_wait3A_49] : memref<2x200x128xf32, #tpu.memory_space<vmem>> -> memref<1x200x128xf32, #tpu.memory_space<vmem>>
    %dma_wait3A_51 = tpu.memref_squeeze %dma_wait3A_50 : memref<1x200x128xf32, #tpu.memory_space<vmem>> -> memref<200x128xf32, #tpu.memory_space<vmem>>
    %dma_wait3A_52 = arith.constant 0 : i32
    %dma_wait3A_53 = arith.constant 0 : i32
    %dma_wait3A_54 = tpu.memref_slice %arg3[%dma_wait3A_52, %dma_wait3A_53] : memref<100000x128xf32, #tpu.memory_space<hbm>> -> memref<200x128xf32, #tpu.memory_space<hbm>>
    %dma_wait3A_55 = arith.constant 0 : i32
    %dma_wait3A_56 = arith.constant 0 : i32
    %dma_wait3A_57 = tpu.memref_slice %arg7[%dma_wait3A, %dma_wait3A_55, %dma_wait3A_56] : memref<2x200x128xf32, #tpu.memory_space<vmem>> -> memref<1x200x128xf32, #tpu.memory_space<vmem>>
    %dma_wait3A_58 = tpu.memref_squeeze %dma_wait3A_57 : memref<1x200x128xf32, #tpu.memory_space<vmem>> -> memref<200x128xf32, #tpu.memory_space<vmem>>
    %dma_wait3A_59 = arith.constant 0 : i32
    %dma_wait3A_60 = arith.constant 0 : i32
    %dma_wait3A_61 = tpu.memref_slice %arg3[%dma_wait3A_59, %dma_wait3A_60] : memref<100000x128xf32, #tpu.memory_space<hbm>> -> memref<200x128xf32, #tpu.memory_space<hbm>>
    tpu.wait_dma2 semaphore(%arg10 : memref<!tpu.dma_semaphore, #tpu.memory_space<semaphore_mem>>) src(%dma_wait3A_61 : memref<200x128xf32, #tpu.memory_space<hbm>>) dst(%dma_wait3A_58 : memref<200x128xf32, #tpu.memory_space<vmem>>)
    %parallel_loop3A = arith.constant 0 : i32
    %parallel_loop3A_62 = arith.constant 100 : i32
    %parallel_loop3A_63 = arith.constant 1 : i32
    scf.for %parallel_loop3A_315 = %parallel_loop3A to %parallel_loop3A_62 step %parallel_loop3A_63  : i32 {
      %parallel_loop3A_316 = arith.constant 2 : i32
      %parallel_loop3A_317 = arith.muli %parallel_loop3A_316, %parallel_loop3A_315 : i32
      %parallel_loop3A_318 = arith.constant 0 : i32
      %parallel_loop3A_319 = arith.addi %parallel_loop3A_317, %parallel_loop3A_318 : i32
      %parallel_loop3A_320 = arith.constant 0 : i32
      %parallel_loop3A_321 = arith.index_cast %parallel_loop3A_320 : i32 to index
      %parallel_loop3A_322 = arith.index_cast %parallel_loop3A_319 : i32 to index
      %parallel_loop3A_323 = arith.constant 0 : index
      %parallel_loop3A_324 = tpu.vector_load %arg7[%parallel_loop3A_321, %parallel_loop3A_322, %parallel_loop3A_323] {strides = array<i32>} : memref<2x200x128xf32, #tpu.memory_space<vmem>>, vector<1x1x16xf32>,
      %parallel_loop3A_325 = vector.shape_cast %parallel_loop3A_324 : vector<1x1x16xf32> to vector<16xf32>
      %parallel_loop3A_326 = arith.index_cast %parallel_loop3A_315 : i32 to index
      %parallel_loop3A_327 = arith.constant 0 : index
      %parallel_loop3A_328 = tpu.vector_load %arg9[%parallel_loop3A_326, %parallel_loop3A_327] {strides = array<i32>} : memref<100x128xf32, #tpu.memory_space<vmem>>, vector<1x16xf32>,
      %parallel_loop3A_329 = vector.shape_cast %parallel_loop3A_328 : vector<1x16xf32> to vector<16xf32>
      %parallel_loop3A_330 = arith.addf %parallel_loop3A_325, %parallel_loop3A_329 : vector<16xf32>
      %parallel_loop3A_331 = arith.constant 0 : i32
      %parallel_loop3A_332 = arith.index_cast %parallel_loop3A_331 : i32 to index
      %parallel_loop3A_333 = arith.index_cast %parallel_loop3A_315 : i32 to index
      %parallel_loop3A_334 = arith.constant 0 : index
      %parallel_loop3A_335 = tpu.vector_load %arg8[%parallel_loop3A_332, %parallel_loop3A_333, %parallel_loop3A_334] {strides = array<i32>} : memref<2x100x128xf32, #tpu.memory_space<vmem>>, vector<1x1x16xf32>,
      %parallel_loop3A_336 = vector.shape_cast %parallel_loop3A_335 : vector<1x1x16xf32> to vector<16xf32>
      %parallel_loop3A_337 = vector.shape_cast %parallel_loop3A_330 : vector<16xf32> to vector<1x1x16xf32>
      tpu.vector_store %arg8[%parallel_loop3A_332, %parallel_loop3A_333, %parallel_loop3A_334], %parallel_loop3A_337 {strides = array<i32>} : memref<2x100x128xf32, #tpu.memory_space<vmem>>, vector<1x1x16xf32>,
      %parallel_loop3A_338 = arith.constant 2 : i32
      %parallel_loop3A_339 = arith.muli %parallel_loop3A_338, %parallel_loop3A_315 : i32
      %parallel_loop3A_340 = arith.constant 0 : i32
      %parallel_loop3A_341 = arith.addi %parallel_loop3A_339, %parallel_loop3A_340 : i32
      %parallel_loop3A_342 = arith.constant 0 : i32
      %parallel_loop3A_343 = arith.index_cast %parallel_loop3A_342 : i32 to index
      %parallel_loop3A_344 = arith.index_cast %parallel_loop3A_341 : i32 to index
      %parallel_loop3A_345 = arith.constant 16 : index
      %parallel_loop3A_346 = tpu.vector_load %arg7[%parallel_loop3A_343, %parallel_loop3A_344, %parallel_loop3A_345] {strides = array<i32>} : memref<2x200x128xf32, #tpu.memory_space<vmem>>, vector<1x1x16xf32>,
      %parallel_loop3A_347 = vector.shape_cast %parallel_loop3A_346 : vector<1x1x16xf32> to vector<16xf32>
      %parallel_loop3A_348 = arith.index_cast %parallel_loop3A_315 : i32 to index
      %parallel_loop3A_349 = arith.constant 16 : index
      %parallel_loop3A_350 = tpu.vector_load %arg9[%parallel_loop3A_348, %parallel_loop3A_349] {strides = array<i32>} : memref<100x128xf32, #tpu.memory_space<vmem>>, vector<1x16xf32>,
      %parallel_loop3A_351 = vector.shape_cast %parallel_loop3A_350 : vector<1x16xf32> to vector<16xf32>
      %parallel_loop3A_352 = arith.addf %parallel_loop3A_347, %parallel_loop3A_351 : vector<16xf32>
      %parallel_loop3A_353 = arith.constant 0 : i32
      %parallel_loop3A_354 = arith.index_cast %parallel_loop3A_353 : i32 to index
      %parallel_loop3A_355 = arith.index_cast %parallel_loop3A_315 : i32 to index
      %parallel_loop3A_356 = arith.constant 16 : index
      %parallel_loop3A_357 = tpu.vector_load %arg8[%parallel_loop3A_354, %parallel_loop3A_355, %parallel_loop3A_356] {strides = array<i32>} : memref<2x100x128xf32, #tpu.memory_space<vmem>>, vector<1x1x16xf32>,
      %parallel_loop3A_358 = vector.shape_cast %parallel_loop3A_357 : vector<1x1x16xf32> to vector<16xf32>
      %parallel_loop3A_359 = vector.shape_cast %parallel_loop3A_352 : vector<16xf32> to vector<1x1x16xf32>
      tpu.vector_store %arg8[%parallel_loop3A_354, %parallel_loop3A_355, %parallel_loop3A_356], %parallel_loop3A_359 {strides = array<i32>} : memref<2x100x128xf32, #tpu.memory_space<vmem>>, vector<1x1x16xf32>,
      %parallel_loop3A_360 = arith.constant 2 : i32
      %parallel_loop3A_361 = arith.muli %parallel_loop3A_360, %parallel_loop3A_315 : i32
      %parallel_loop3A_362 = arith.constant 0 : i32
      %parallel_loop3A_363 = arith.addi %parallel_loop3A_361, %parallel_loop3A_362 : i32
      %parallel_loop3A_364 = arith.constant 0 : i32
      %parallel_loop3A_365 = arith.index_cast %parallel_loop3A_364 : i32 to index
      %parallel_loop3A_366 = arith.index_cast %parallel_loop3A_363 : i32 to index
      %parallel_loop3A_367 = arith.constant 32 : index
      %parallel_loop3A_368 = tpu.vector_load %arg7[%parallel_loop3A_365, %parallel_loop3A_366, %parallel_loop3A_367] {strides = array<i32>} : memref<2x200x128xf32, #tpu.memory_space<vmem>>, vector<1x1x16xf32>,
      %parallel_loop3A_369 = vector.shape_cast %parallel_loop3A_368 : vector<1x1x16xf32> to vector<16xf32>
      %parallel_loop3A_370 = arith.index_cast %parallel_loop3A_315 : i32 to index
      %parallel_loop3A_371 = arith.constant 32 : index
      %parallel_loop3A_372 = tpu.vector_load %arg9[%parallel_loop3A_370, %parallel_loop3A_371] {strides = array<i32>} : memref<100x128xf32, #tpu.memory_space<vmem>>, vector<1x16xf32>,
      %parallel_loop3A_373 = vector.shape_cast %parallel_loop3A_372 : vector<1x16xf32> to vector<16xf32>
      %parallel_loop3A_374 = arith.addf %parallel_loop3A_369, %parallel_loop3A_373 : vector<16xf32>
      %parallel_loop3A_375 = arith.constant 0 : i32
      %parallel_loop3A_376 = arith.index_cast %parallel_loop3A_375 : i32 to index
      %parallel_loop3A_377 = arith.index_cast %parallel_loop3A_315 : i32 to index
      %parallel_loop3A_378 = arith.constant 32 : index
      %parallel_loop3A_379 = tpu.vector_load %arg8[%parallel_loop3A_376, %parallel_loop3A_377, %parallel_loop3A_378] {strides = array<i32>} : memref<2x100x128xf32, #tpu.memory_space<vmem>>, vector<1x1x16xf32>,
      %parallel_loop3A_380 = vector.shape_cast %parallel_loop3A_379 : vector<1x1x16xf32> to vector<16xf32>
      %parallel_loop3A_381 = vector.shape_cast %parallel_loop3A_374 : vector<16xf32> to vector<1x1x16xf32>
      tpu.vector_store %arg8[%parallel_loop3A_376, %parallel_loop3A_377, %parallel_loop3A_378], %parallel_loop3A_381 {strides = array<i32>} : memref<2x100x128xf32, #tpu.memory_space<vmem>>, vector<1x1x16xf32>,
      %parallel_loop3A_382 = arith.constant 2 : i32
      %parallel_loop3A_383 = arith.muli %parallel_loop3A_382, %parallel_loop3A_315 : i32
      %parallel_loop3A_384 = arith.constant 0 : i32
      %parallel_loop3A_385 = arith.addi %parallel_loop3A_383, %parallel_loop3A_384 : i32
      %parallel_loop3A_386 = arith.constant 0 : i32
      %parallel_loop3A_387 = arith.index_cast %parallel_loop3A_386 : i32 to index
      %parallel_loop3A_388 = arith.index_cast %parallel_loop3A_385 : i32 to index
      %parallel_loop3A_389 = arith.constant 48 : index
      %parallel_loop3A_390 = tpu.vector_load %arg7[%parallel_loop3A_387, %parallel_loop3A_388, %parallel_loop3A_389] {strides = array<i32>} : memref<2x200x128xf32, #tpu.memory_space<vmem>>, vector<1x1x16xf32>,
      %parallel_loop3A_391 = vector.shape_cast %parallel_loop3A_390 : vector<1x1x16xf32> to vector<16xf32>
      %parallel_loop3A_392 = arith.index_cast %parallel_loop3A_315 : i32 to index
      %parallel_loop3A_393 = arith.constant 48 : index
      %parallel_loop3A_394 = tpu.vector_load %arg9[%parallel_loop3A_392, %parallel_loop3A_393] {strides = array<i32>} : memref<100x128xf32, #tpu.memory_space<vmem>>, vector<1x16xf32>,
      %parallel_loop3A_395 = vector.shape_cast %parallel_loop3A_394 : vector<1x16xf32> to vector<16xf32>
      %parallel_loop3A_396 = arith.addf %parallel_loop3A_391, %parallel_loop3A_395 : vector<16xf32>
      %parallel_loop3A_397 = arith.constant 0 : i32
      %parallel_loop3A_398 = arith.index_cast %parallel_loop3A_397 : i32 to index
      %parallel_loop3A_399 = arith.index_cast %parallel_loop3A_315 : i32 to index
      %parallel_loop3A_400 = arith.constant 48 : index
      %parallel_loop3A_401 = tpu.vector_load %arg8[%parallel_loop3A_398, %parallel_loop3A_399, %parallel_loop3A_400] {strides = array<i32>} : memref<2x100x128xf32, #tpu.memory_space<vmem>>, vector<1x1x16xf32>,
      %parallel_loop3A_402 = vector.shape_cast %parallel_loop3A_401 : vector<1x1x16xf32> to vector<16xf32>
      %parallel_loop3A_403 = vector.shape_cast %parallel_loop3A_396 : vector<16xf32> to vector<1x1x16xf32>
      tpu.vector_store %arg8[%parallel_loop3A_398, %parallel_loop3A_399, %parallel_loop3A_400], %parallel_loop3A_403 {strides = array<i32>} : memref<2x100x128xf32, #tpu.memory_space<vmem>>, vector<1x1x16xf32>,
      %parallel_loop3A_404 = arith.constant 2 : i32
      %parallel_loop3A_405 = arith.muli %parallel_loop3A_404, %parallel_loop3A_315 : i32
      %parallel_loop3A_406 = arith.constant 1 : i32
      %parallel_loop3A_407 = arith.addi %parallel_loop3A_405, %parallel_loop3A_406 : i32
      %parallel_loop3A_408 = arith.constant 0 : i32
      %parallel_loop3A_409 = arith.index_cast %parallel_loop3A_408 : i32 to index
      %parallel_loop3A_410 = arith.index_cast %parallel_loop3A_407 : i32 to index
      %parallel_loop3A_411 = arith.constant 0 : index
      %parallel_loop3A_412 = tpu.vector_load %arg7[%parallel_loop3A_409, %parallel_loop3A_410, %parallel_loop3A_411] {strides = array<i32>} : memref<2x200x128xf32, #tpu.memory_space<vmem>>, vector<1x1x16xf32>,
      %parallel_loop3A_413 = vector.shape_cast %parallel_loop3A_412 : vector<1x1x16xf32> to vector<16xf32>
      %parallel_loop3A_414 = arith.index_cast %parallel_loop3A_315 : i32 to index
      %parallel_loop3A_415 = arith.constant 64 : index
      %parallel_loop3A_416 = tpu.vector_load %arg9[%parallel_loop3A_414, %parallel_loop3A_415] {strides = array<i32>} : memref<100x128xf32, #tpu.memory_space<vmem>>, vector<1x16xf32>,
      %parallel_loop3A_417 = vector.shape_cast %parallel_loop3A_416 : vector<1x16xf32> to vector<16xf32>
      %parallel_loop3A_418 = arith.addf %parallel_loop3A_413, %parallel_loop3A_417 : vector<16xf32>
      %parallel_loop3A_419 = arith.constant 0 : i32
      %parallel_loop3A_420 = arith.index_cast %parallel_loop3A_419 : i32 to index
      %parallel_loop3A_421 = arith.index_cast %parallel_loop3A_315 : i32 to index
      %parallel_loop3A_422 = arith.constant 64 : index
      %parallel_loop3A_423 = tpu.vector_load %arg8[%parallel_loop3A_420, %parallel_loop3A_421, %parallel_loop3A_422] {strides = array<i32>} : memref<2x100x128xf32, #tpu.memory_space<vmem>>, vector<1x1x16xf32>,
      %parallel_loop3A_424 = vector.shape_cast %parallel_loop3A_423 : vector<1x1x16xf32> to vector<16xf32>
      %parallel_loop3A_425 = vector.shape_cast %parallel_loop3A_418 : vector<16xf32> to vector<1x1x16xf32>
      tpu.vector_store %arg8[%parallel_loop3A_420, %parallel_loop3A_421, %parallel_loop3A_422], %parallel_loop3A_425 {strides = array<i32>} : memref<2x100x128xf32, #tpu.memory_space<vmem>>, vector<1x1x16xf32>,
      %parallel_loop3A_426 = arith.constant 2 : i32
      %parallel_loop3A_427 = arith.muli %parallel_loop3A_426, %parallel_loop3A_315 : i32
      %parallel_loop3A_428 = arith.constant 1 : i32
      %parallel_loop3A_429 = arith.addi %parallel_loop3A_427, %parallel_loop3A_428 : i32
      %parallel_loop3A_430 = arith.constant 0 : i32
      %parallel_loop3A_431 = arith.index_cast %parallel_loop3A_430 : i32 to index
      %parallel_loop3A_432 = arith.index_cast %parallel_loop3A_429 : i32 to index
      %parallel_loop3A_433 = arith.constant 16 : index
      %parallel_loop3A_434 = tpu.vector_load %arg7[%parallel_loop3A_431, %parallel_loop3A_432, %parallel_loop3A_433] {strides = array<i32>} : memref<2x200x128xf32, #tpu.memory_space<vmem>>, vector<1x1x16xf32>,
      %parallel_loop3A_435 = vector.shape_cast %parallel_loop3A_434 : vector<1x1x16xf32> to vector<16xf32>
      %parallel_loop3A_436 = arith.index_cast %parallel_loop3A_315 : i32 to index
      %parallel_loop3A_437 = arith.constant 80 : index
      %parallel_loop3A_438 = tpu.vector_load %arg9[%parallel_loop3A_436, %parallel_loop3A_437] {strides = array<i32>} : memref<100x128xf32, #tpu.memory_space<vmem>>, vector<1x16xf32>,
      %parallel_loop3A_439 = vector.shape_cast %parallel_loop3A_438 : vector<1x16xf32> to vector<16xf32>
      %parallel_loop3A_440 = arith.addf %parallel_loop3A_435, %parallel_loop3A_439 : vector<16xf32>
      %parallel_loop3A_441 = arith.constant 0 : i32
      %parallel_loop3A_442 = arith.index_cast %parallel_loop3A_441 : i32 to index
      %parallel_loop3A_443 = arith.index_cast %parallel_loop3A_315 : i32 to index
      %parallel_loop3A_444 = arith.constant 80 : index
      %parallel_loop3A_445 = tpu.vector_load %arg8[%parallel_loop3A_442, %parallel_loop3A_443, %parallel_loop3A_444] {strides = array<i32>} : memref<2x100x128xf32, #tpu.memory_space<vmem>>, vector<1x1x16xf32>,
      %parallel_loop3A_446 = vector.shape_cast %parallel_loop3A_445 : vector<1x1x16xf32> to vector<16xf32>
      %parallel_loop3A_447 = vector.shape_cast %parallel_loop3A_440 : vector<16xf32> to vector<1x1x16xf32>
      tpu.vector_store %arg8[%parallel_loop3A_442, %parallel_loop3A_443, %parallel_loop3A_444], %parallel_loop3A_447 {strides = array<i32>} : memref<2x100x128xf32, #tpu.memory_space<vmem>>, vector<1x1x16xf32>,
      %parallel_loop3A_448 = arith.constant 2 : i32
      %parallel_loop3A_449 = arith.muli %parallel_loop3A_448, %parallel_loop3A_315 : i32
      %parallel_loop3A_450 = arith.constant 1 : i32
      %parallel_loop3A_451 = arith.addi %parallel_loop3A_449, %parallel_loop3A_450 : i32
      %parallel_loop3A_452 = arith.constant 0 : i32
      %parallel_loop3A_453 = arith.index_cast %parallel_loop3A_452 : i32 to index
      %parallel_loop3A_454 = arith.index_cast %parallel_loop3A_451 : i32 to index
      %parallel_loop3A_455 = arith.constant 32 : index
      %parallel_loop3A_456 = tpu.vector_load %arg7[%parallel_loop3A_453, %parallel_loop3A_454, %parallel_loop3A_455] {strides = array<i32>} : memref<2x200x128xf32, #tpu.memory_space<vmem>>, vector<1x1x16xf32>,
      %parallel_loop3A_457 = vector.shape_cast %parallel_loop3A_456 : vector<1x1x16xf32> to vector<16xf32>
      %parallel_loop3A_458 = arith.index_cast %parallel_loop3A_315 : i32 to index
      %parallel_loop3A_459 = arith.constant 96 : index
      %parallel_loop3A_460 = tpu.vector_load %arg9[%parallel_loop3A_458, %parallel_loop3A_459] {strides = array<i32>} : memref<100x128xf32, #tpu.memory_space<vmem>>, vector<1x16xf32>,
      %parallel_loop3A_461 = vector.shape_cast %parallel_loop3A_460 : vector<1x16xf32> to vector<16xf32>
      %parallel_loop3A_462 = arith.addf %parallel_loop3A_457, %parallel_loop3A_461 : vector<16xf32>
      %parallel_loop3A_463 = arith.constant 0 : i32
      %parallel_loop3A_464 = arith.index_cast %parallel_loop3A_463 : i32 to index
      %parallel_loop3A_465 = arith.index_cast %parallel_loop3A_315 : i32 to index
      %parallel_loop3A_466 = arith.constant 96 : index
      %parallel_loop3A_467 = tpu.vector_load %arg8[%parallel_loop3A_464, %parallel_loop3A_465, %parallel_loop3A_466] {strides = array<i32>} : memref<2x100x128xf32, #tpu.memory_space<vmem>>, vector<1x1x16xf32>,
      %parallel_loop3A_468 = vector.shape_cast %parallel_loop3A_467 : vector<1x1x16xf32> to vector<16xf32>
      %parallel_loop3A_469 = vector.shape_cast %parallel_loop3A_462 : vector<16xf32> to vector<1x1x16xf32>
      tpu.vector_store %arg8[%parallel_loop3A_464, %parallel_loop3A_465, %parallel_loop3A_466], %parallel_loop3A_469 {strides = array<i32>} : memref<2x100x128xf32, #tpu.memory_space<vmem>>, vector<1x1x16xf32>,
      %parallel_loop3A_470 = arith.constant 2 : i32
      %parallel_loop3A_471 = arith.muli %parallel_loop3A_470, %parallel_loop3A_315 : i32
      %parallel_loop3A_472 = arith.constant 1 : i32
      %parallel_loop3A_473 = arith.addi %parallel_loop3A_471, %parallel_loop3A_472 : i32
      %parallel_loop3A_474 = arith.constant 0 : i32
      %parallel_loop3A_475 = arith.index_cast %parallel_loop3A_474 : i32 to index
      %parallel_loop3A_476 = arith.index_cast %parallel_loop3A_473 : i32 to index
      %parallel_loop3A_477 = arith.constant 48 : index
      %parallel_loop3A_478 = tpu.vector_load %arg7[%parallel_loop3A_475, %parallel_loop3A_476, %parallel_loop3A_477] {strides = array<i32>} : memref<2x200x128xf32, #tpu.memory_space<vmem>>, vector<1x1x16xf32>,
      %parallel_loop3A_479 = vector.shape_cast %parallel_loop3A_478 : vector<1x1x16xf32> to vector<16xf32>
      %parallel_loop3A_480 = arith.index_cast %parallel_loop3A_315 : i32 to index
      %parallel_loop3A_481 = arith.constant 112 : index
      %parallel_loop3A_482 = tpu.vector_load %arg9[%parallel_loop3A_480, %parallel_loop3A_481] {strides = array<i32>} : memref<100x128xf32, #tpu.memory_space<vmem>>, vector<1x16xf32>,
      %parallel_loop3A_483 = vector.shape_cast %parallel_loop3A_482 : vector<1x16xf32> to vector<16xf32>
      %parallel_loop3A_484 = arith.addf %parallel_loop3A_479, %parallel_loop3A_483 : vector<16xf32>
      %parallel_loop3A_485 = arith.constant 0 : i32
      %parallel_loop3A_486 = arith.index_cast %parallel_loop3A_485 : i32 to index
      %parallel_loop3A_487 = arith.index_cast %parallel_loop3A_315 : i32 to index
      %parallel_loop3A_488 = arith.constant 112 : index
      %parallel_loop3A_489 = tpu.vector_load %arg8[%parallel_loop3A_486, %parallel_loop3A_487, %parallel_loop3A_488] {strides = array<i32>} : memref<2x100x128xf32, #tpu.memory_space<vmem>>, vector<1x1x16xf32>,
      %parallel_loop3A_490 = vector.shape_cast %parallel_loop3A_489 : vector<1x1x16xf32> to vector<16xf32>
      %parallel_loop3A_491 = vector.shape_cast %parallel_loop3A_484 : vector<16xf32> to vector<1x1x16xf32>
      tpu.vector_store %arg8[%parallel_loop3A_486, %parallel_loop3A_487, %parallel_loop3A_488], %parallel_loop3A_491 {strides = array<i32>} : memref<2x100x128xf32, #tpu.memory_space<vmem>>, vector<1x1x16xf32>,
    } {sc.loop_unroll_factor = 2 : i64, sc.parallel_access}
    %add3A_64 = arith.constant 0 : i32
    %add3A_65 = arith.addi %mul3A_4, %add3A_64 : i32
    %dma_start3A_66 = arith.constant 0 : i32
    %dma_start3A_67 = arith.constant 0 : i32
    %dma_start3A_68 = arith.constant 0 : i32
    %dma_start3A_69 = tpu.memref_slice %arg8[%dma_start3A_66, %dma_start3A_67, %dma_start3A_68] : memref<2x100x128xf32, #tpu.memory_space<vmem>> -> memref<1x100x128xf32, #tpu.memory_space<vmem>>
    %dma_start3A_70 = tpu.memref_squeeze %dma_start3A_69 : memref<1x100x128xf32, #tpu.memory_space<vmem>> -> memref<100x128xf32, #tpu.memory_space<vmem>>
    %dma_start3A_71 = arith.constant 0 : i32
    %dma_start3A_72 = arith.constant 0 : i32
    %dma_start3A_73 = tpu.memref_slice %arg5[%add3A_65, %dma_start3A_71, %dma_start3A_72] : memref<4096x100x128xf32, #tpu.memory_space<hbm>> -> memref<1x100x128xf32, #tpu.memory_space<hbm>>
    %dma_start3A_74 = tpu.memref_squeeze %dma_start3A_73 : memref<1x100x128xf32, #tpu.memory_space<hbm>> -> memref<100x128xf32, #tpu.memory_space<hbm>>
    %dma_start3A_75 = arith.constant 0 : i32
    %dma_start3A_76 = arith.constant 0 : i32
    %dma_start3A_77 = tpu.memref_slice %arg5[%add3A_65, %dma_start3A_75, %dma_start3A_76] : memref<4096x100x128xf32, #tpu.memory_space<hbm>> -> memref<1x100x128xf32, #tpu.memory_space<hbm>>
    %dma_start3A_78 = tpu.memref_squeeze %dma_start3A_77 : memref<1x100x128xf32, #tpu.memory_space<hbm>> -> memref<100x128xf32, #tpu.memory_space<hbm>>
    %dma_start3A_79 = arith.constant 0 : i32
    %dma_start3A_80 = arith.constant 0 : i32
    %dma_start3A_81 = tpu.memref_slice %arg8[%dma_start3A_66, %dma_start3A_79, %dma_start3A_80] : memref<2x100x128xf32, #tpu.memory_space<vmem>> -> memref<1x100x128xf32, #tpu.memory_space<vmem>>
    %dma_start3A_82 = tpu.memref_squeeze %dma_start3A_81 : memref<1x100x128xf32, #tpu.memory_space<vmem>> -> memref<100x128xf32, #tpu.memory_space<vmem>>
    tpu.enqueue_dma source(%dma_start3A_82 : memref<100x128xf32, #tpu.memory_space<vmem>>) target(%dma_start3A_78 : memref<100x128xf32, #tpu.memory_space<hbm>>) target_semaphore(%arg12 : memref<!tpu.dma_semaphore, #tpu.memory_space<semaphore_mem>>)
    %multiple_of3A_83 = arith.constant 400 : i32
    %multiple_of3A_84 = tpu.assume_multiple %multiple_of3A_83, 8 : i32
    %dma_start3A_85 = arith.constant 0 : i32
    %dma_start3A_86 = arith.constant 0 : i32
    %dma_start3A_87 = arith.constant 0 : i32
    %dma_start3A_88 = tpu.memref_slice %arg7[%dma_start3A_85, %dma_start3A_86, %dma_start3A_87] : memref<2x200x128xf32, #tpu.memory_space<vmem>> -> memref<1x128x128xf32, #tpu.memory_space<vmem>>
    %dma_start3A_89 = tpu.memref_squeeze %dma_start3A_88 : memref<1x128x128xf32, #tpu.memory_space<vmem>> -> memref<128x128xf32, #tpu.memory_space<vmem>>
    %dma_start3A_90 = tpu.memref_slice %arg6[%multiple_of3A_84] : memref<25600xi32, #tpu.memory_space<vmem>> -> memref<128xi32, #tpu.memory_space<vmem>>
    %dma_start3A_91 = arith.constant 0 : i32
    %dma_start3A_92 = arith.constant 0 : i32
    %dma_start3A_93 = tpu.memref_slice %arg3[%dma_start3A_91, %dma_start3A_92] : memref<100000x128xf32, #tpu.memory_space<hbm>> -> memref<100000x128xf32, #tpu.memory_space<hbm>>
    tpu.enqueue_indirect_dma source(%dma_start3A_93 : memref<100000x128xf32, #tpu.memory_space<hbm>>) target(%dma_start3A_89 : memref<128x128xf32, #tpu.memory_space<vmem>>) offsets(%dma_start3A_90 : memref<128xi32, #tpu.memory_space<vmem>>) semaphore(%arg10 : memref<!tpu.dma_semaphore, #tpu.memory_space<semaphore_mem>>)
    %add3A_94 = arith.constant 128 : i32
    %add3A_95 = arith.addi %multiple_of3A_84, %add3A_94 : i32
    %dma_start3A_96 = arith.constant 0 : i32
    %dma_start3A_97 = arith.constant 128 : i32
    %dma_start3A_98 = arith.constant 0 : i32
    %dma_start3A_99 = tpu.memref_slice %arg7[%dma_start3A_96, %dma_start3A_97, %dma_start3A_98] : memref<2x200x128xf32, #tpu.memory_space<vmem>> -> memref<1x72x128xf32, #tpu.memory_space<vmem>>
    %dma_start3A_100 = tpu.memref_squeeze %dma_start3A_99 : memref<1x72x128xf32, #tpu.memory_space<vmem>> -> memref<72x128xf32, #tpu.memory_space<vmem>>
    %dma_start3A_101 = tpu.memref_slice %arg6[%add3A_95] : memref<25600xi32, #tpu.memory_space<vmem>> -> memref<72xi32, #tpu.memory_space<vmem>>
    %dma_start3A_102 = arith.constant 0 : i32
    %dma_start3A_103 = arith.constant 0 : i32
    %dma_start3A_104 = tpu.memref_slice %arg3[%dma_start3A_102, %dma_start3A_103] : memref<100000x128xf32, #tpu.memory_space<hbm>> -> memref<100000x128xf32, #tpu.memory_space<hbm>>
    tpu.enqueue_indirect_dma source(%dma_start3A_104 : memref<100000x128xf32, #tpu.memory_space<hbm>>) target(%dma_start3A_100 : memref<72x128xf32, #tpu.memory_space<vmem>>) offsets(%dma_start3A_101 : memref<72xi32, #tpu.memory_space<vmem>>) semaphore(%arg10 : memref<!tpu.dma_semaphore, #tpu.memory_space<semaphore_mem>>)
    %dma_wait3A_105 = arith.constant 1 : i32
    %dma_wait3A_106 = arith.constant 0 : i32
    %dma_wait3A_107 = arith.constant 0 : i32
    %dma_wait3A_108 = tpu.memref_slice %arg7[%dma_wait3A_105, %dma_wait3A_106, %dma_wait3A_107] : memref<2x200x128xf32, #tpu.memory_space<vmem>> -> memref<1x200x128xf32, #tpu.memory_space<vmem>>
    %dma_wait3A_109 = tpu.memref_squeeze %dma_wait3A_108 : memref<1x200x128xf32, #tpu.memory_space<vmem>> -> memref<200x128xf32, #tpu.memory_space<vmem>>
    %dma_wait3A_110 = arith.constant 0 : i32
    %dma_wait3A_111 = arith.constant 0 : i32
    %dma_wait3A_112 = tpu.memref_slice %arg3[%dma_wait3A_110, %dma_wait3A_111] : memref<100000x128xf32, #tpu.memory_space<hbm>> -> memref<200x128xf32, #tpu.memory_space<hbm>>
    %dma_wait3A_113 = arith.constant 0 : i32
    %dma_wait3A_114 = arith.constant 0 : i32
    %dma_wait3A_115 = tpu.memref_slice %arg7[%dma_wait3A_105, %dma_wait3A_113, %dma_wait3A_114] : memref<2x200x128xf32, #tpu.memory_space<vmem>> -> memref<1x200x128xf32, #tpu.memory_space<vmem>>
    %dma_wait3A_116 = tpu.memref_squeeze %dma_wait3A_115 : memref<1x200x128xf32, #tpu.memory_space<vmem>> -> memref<200x128xf32, #tpu.memory_space<vmem>>
    %dma_wait3A_117 = arith.constant 0 : i32
    %dma_wait3A_118 = arith.constant 0 : i32
    %dma_wait3A_119 = tpu.memref_slice %arg3[%dma_wait3A_117, %dma_wait3A_118] : memref<100000x128xf32, #tpu.memory_space<hbm>> -> memref<200x128xf32, #tpu.memory_space<hbm>>
    tpu.wait_dma2 semaphore(%arg11 : memref<!tpu.dma_semaphore, #tpu.memory_space<semaphore_mem>>) src(%dma_wait3A_119 : memref<200x128xf32, #tpu.memory_space<hbm>>) dst(%dma_wait3A_116 : memref<200x128xf32, #tpu.memory_space<vmem>>)
    %parallel_loop3A_120 = arith.constant 0 : i32
    %parallel_loop3A_121 = arith.constant 100 : i32
    %parallel_loop3A_122 = arith.constant 1 : i32
    scf.for %parallel_loop3A_315 = %parallel_loop3A_120 to %parallel_loop3A_121 step %parallel_loop3A_122  : i32 {
      %parallel_loop3A_316 = arith.constant 2 : i32
      %parallel_loop3A_317 = arith.muli %parallel_loop3A_316, %parallel_loop3A_315 : i32
      %parallel_loop3A_318 = arith.constant 0 : i32
      %parallel_loop3A_319 = arith.addi %parallel_loop3A_317, %parallel_loop3A_318 : i32
      %parallel_loop3A_320 = arith.constant 1 : i32
      %parallel_loop3A_321 = arith.index_cast %parallel_loop3A_320 : i32 to index
      %parallel_loop3A_322 = arith.index_cast %parallel_loop3A_319 : i32 to index
      %parallel_loop3A_323 = arith.constant 0 : index
      %parallel_loop3A_324 = tpu.vector_load %arg7[%parallel_loop3A_321, %parallel_loop3A_322, %parallel_loop3A_323] {strides = array<i32>} : memref<2x200x128xf32, #tpu.memory_space<vmem>>, vector<1x1x16xf32>,
      %parallel_loop3A_325 = vector.shape_cast %parallel_loop3A_324 : vector<1x1x16xf32> to vector<16xf32>
      %parallel_loop3A_326 = arith.index_cast %parallel_loop3A_315 : i32 to index
      %parallel_loop3A_327 = arith.constant 0 : index
      %parallel_loop3A_328 = tpu.vector_load %arg9[%parallel_loop3A_326, %parallel_loop3A_327] {strides = array<i32>} : memref<100x128xf32, #tpu.memory_space<vmem>>, vector<1x16xf32>,
      %parallel_loop3A_329 = vector.shape_cast %parallel_loop3A_328 : vector<1x16xf32> to vector<16xf32>
      %parallel_loop3A_330 = arith.addf %parallel_loop3A_325, %parallel_loop3A_329 : vector<16xf32>
      %parallel_loop3A_331 = arith.constant 1 : i32
      %parallel_loop3A_332 = arith.index_cast %parallel_loop3A_331 : i32 to index
      %parallel_loop3A_333 = arith.index_cast %parallel_loop3A_315 : i32 to index
      %parallel_loop3A_334 = arith.constant 0 : index
      %parallel_loop3A_335 = tpu.vector_load %arg8[%parallel_loop3A_332, %parallel_loop3A_333, %parallel_loop3A_334] {strides = array<i32>} : memref<2x100x128xf32, #tpu.memory_space<vmem>>, vector<1x1x16xf32>,
      %parallel_loop3A_336 = vector.shape_cast %parallel_loop3A_335 : vector<1x1x16xf32> to vector<16xf32>
      %parallel_loop3A_337 = vector.shape_cast %parallel_loop3A_330 : vector<16xf32> to vector<1x1x16xf32>
      tpu.vector_store %arg8[%parallel_loop3A_332, %parallel_loop3A_333, %parallel_loop3A_334], %parallel_loop3A_337 {strides = array<i32>} : memref<2x100x128xf32, #tpu.memory_space<vmem>>, vector<1x1x16xf32>,
      %parallel_loop3A_338 = arith.constant 2 : i32
      %parallel_loop3A_339 = arith.muli %parallel_loop3A_338, %parallel_loop3A_315 : i32
      %parallel_loop3A_340 = arith.constant 0 : i32
      %parallel_loop3A_341 = arith.addi %parallel_loop3A_339, %parallel_loop3A_340 : i32
      %parallel_loop3A_342 = arith.constant 1 : i32
      %parallel_loop3A_343 = arith.index_cast %parallel_loop3A_342 : i32 to index
      %parallel_loop3A_344 = arith.index_cast %parallel_loop3A_341 : i32 to index
      %parallel_loop3A_345 = arith.constant 16 : index
      %parallel_loop3A_346 = tpu.vector_load %arg7[%parallel_loop3A_343, %parallel_loop3A_344, %parallel_loop3A_345] {strides = array<i32>} : memref<2x200x128xf32, #tpu.memory_space<vmem>>, vector<1x1x16xf32>,
      %parallel_loop3A_347 = vector.shape_cast %parallel_loop3A_346 : vector<1x1x16xf32> to vector<16xf32>
      %parallel_loop3A_348 = arith.index_cast %parallel_loop3A_315 : i32 to index
      %parallel_loop3A_349 = arith.constant 16 : index
      %parallel_loop3A_350 = tpu.vector_load %arg9[%parallel_loop3A_348, %parallel_loop3A_349] {strides = array<i32>} : memref<100x128xf32, #tpu.memory_space<vmem>>, vector<1x16xf32>,
      %parallel_loop3A_351 = vector.shape_cast %parallel_loop3A_350 : vector<1x16xf32> to vector<16xf32>
      %parallel_loop3A_352 = arith.addf %parallel_loop3A_347, %parallel_loop3A_351 : vector<16xf32>
      %parallel_loop3A_353 = arith.constant 1 : i32
      %parallel_loop3A_354 = arith.index_cast %parallel_loop3A_353 : i32 to index
      %parallel_loop3A_355 = arith.index_cast %parallel_loop3A_315 : i32 to index
      %parallel_loop3A_356 = arith.constant 16 : index
      %parallel_loop3A_357 = tpu.vector_load %arg8[%parallel_loop3A_354, %parallel_loop3A_355, %parallel_loop3A_356] {strides = array<i32>} : memref<2x100x128xf32, #tpu.memory_space<vmem>>, vector<1x1x16xf32>,
      %parallel_loop3A_358 = vector.shape_cast %parallel_loop3A_357 : vector<1x1x16xf32> to vector<16xf32>
      %parallel_loop3A_359 = vector.shape_cast %parallel_loop3A_352 : vector<16xf32> to vector<1x1x16xf32>
      tpu.vector_store %arg8[%parallel_loop3A_354, %parallel_loop3A_355, %parallel_loop3A_356], %parallel_loop3A_359 {strides = array<i32>} : memref<2x100x128xf32, #tpu.memory_space<vmem>>, vector<1x1x16xf32>,
      %parallel_loop3A_360 = arith.constant 2 : i32
      %parallel_loop3A_361 = arith.muli %parallel_loop3A_360, %parallel_loop3A_315 : i32
      %parallel_loop3A_362 = arith.constant 0 : i32
      %parallel_loop3A_363 = arith.addi %parallel_loop3A_361, %parallel_loop3A_362 : i32
      %parallel_loop3A_364 = arith.constant 1 : i32
      %parallel_loop3A_365 = arith.index_cast %parallel_loop3A_364 : i32 to index
      %parallel_loop3A_366 = arith.index_cast %parallel_loop3A_363 : i32 to index
      %parallel_loop3A_367 = arith.constant 32 : index
      %parallel_loop3A_368 = tpu.vector_load %arg7[%parallel_loop3A_365, %parallel_loop3A_366, %parallel_loop3A_367] {strides = array<i32>} : memref<2x200x128xf32, #tpu.memory_space<vmem>>, vector<1x1x16xf32>,
      %parallel_loop3A_369 = vector.shape_cast %parallel_loop3A_368 : vector<1x1x16xf32> to vector<16xf32>
      %parallel_loop3A_370 = arith.index_cast %parallel_loop3A_315 : i32 to index
      %parallel_loop3A_371 = arith.constant 32 : index
      %parallel_loop3A_372 = tpu.vector_load %arg9[%parallel_loop3A_370, %parallel_loop3A_371] {strides = array<i32>} : memref<100x128xf32, #tpu.memory_space<vmem>>, vector<1x16xf32>,
      %parallel_loop3A_373 = vector.shape_cast %parallel_loop3A_372 : vector<1x16xf32> to vector<16xf32>
      %parallel_loop3A_374 = arith.addf %parallel_loop3A_369, %parallel_loop3A_373 : vector<16xf32>
      %parallel_loop3A_375 = arith.constant 1 : i32
      %parallel_loop3A_376 = arith.index_cast %parallel_loop3A_375 : i32 to index
      %parallel_loop3A_377 = arith.index_cast %parallel_loop3A_315 : i32 to index
      %parallel_loop3A_378 = arith.constant 32 : index
      %parallel_loop3A_379 = tpu.vector_load %arg8[%parallel_loop3A_376, %parallel_loop3A_377, %parallel_loop3A_378] {strides = array<i32>} : memref<2x100x128xf32, #tpu.memory_space<vmem>>, vector<1x1x16xf32>,
      %parallel_loop3A_380 = vector.shape_cast %parallel_loop3A_379 : vector<1x1x16xf32> to vector<16xf32>
      %parallel_loop3A_381 = vector.shape_cast %parallel_loop3A_374 : vector<16xf32> to vector<1x1x16xf32>
      tpu.vector_store %arg8[%parallel_loop3A_376, %parallel_loop3A_377, %parallel_loop3A_378], %parallel_loop3A_381 {strides = array<i32>} : memref<2x100x128xf32, #tpu.memory_space<vmem>>, vector<1x1x16xf32>,
      %parallel_loop3A_382 = arith.constant 2 : i32
      %parallel_loop3A_383 = arith.muli %parallel_loop3A_382, %parallel_loop3A_315 : i32
      %parallel_loop3A_384 = arith.constant 0 : i32
      %parallel_loop3A_385 = arith.addi %parallel_loop3A_383, %parallel_loop3A_384 : i32
      %parallel_loop3A_386 = arith.constant 1 : i32
      %parallel_loop3A_387 = arith.index_cast %parallel_loop3A_386 : i32 to index
      %parallel_loop3A_388 = arith.index_cast %parallel_loop3A_385 : i32 to index
      %parallel_loop3A_389 = arith.constant 48 : index
      %parallel_loop3A_390 = tpu.vector_load %arg7[%parallel_loop3A_387, %parallel_loop3A_388, %parallel_loop3A_389] {strides = array<i32>} : memref<2x200x128xf32, #tpu.memory_space<vmem>>, vector<1x1x16xf32>,
      %parallel_loop3A_391 = vector.shape_cast %parallel_loop3A_390 : vector<1x1x16xf32> to vector<16xf32>
      %parallel_loop3A_392 = arith.index_cast %parallel_loop3A_315 : i32 to index
      %parallel_loop3A_393 = arith.constant 48 : index
      %parallel_loop3A_394 = tpu.vector_load %arg9[%parallel_loop3A_392, %parallel_loop3A_393] {strides = array<i32>} : memref<100x128xf32, #tpu.memory_space<vmem>>, vector<1x16xf32>,
      %parallel_loop3A_395 = vector.shape_cast %parallel_loop3A_394 : vector<1x16xf32> to vector<16xf32>
      %parallel_loop3A_396 = arith.addf %parallel_loop3A_391, %parallel_loop3A_395 : vector<16xf32>
      %parallel_loop3A_397 = arith.constant 1 : i32
      %parallel_loop3A_398 = arith.index_cast %parallel_loop3A_397 : i32 to index
      %parallel_loop3A_399 = arith.index_cast %parallel_loop3A_315 : i32 to index
      %parallel_loop3A_400 = arith.constant 48 : index
      %parallel_loop3A_401 = tpu.vector_load %arg8[%parallel_loop3A_398, %parallel_loop3A_399, %parallel_loop3A_400] {strides = array<i32>} : memref<2x100x128xf32, #tpu.memory_space<vmem>>, vector<1x1x16xf32>,
      %parallel_loop3A_402 = vector.shape_cast %parallel_loop3A_401 : vector<1x1x16xf32> to vector<16xf32>
      %parallel_loop3A_403 = vector.shape_cast %parallel_loop3A_396 : vector<16xf32> to vector<1x1x16xf32>
      tpu.vector_store %arg8[%parallel_loop3A_398, %parallel_loop3A_399, %parallel_loop3A_400], %parallel_loop3A_403 {strides = array<i32>} : memref<2x100x128xf32, #tpu.memory_space<vmem>>, vector<1x1x16xf32>,
      %parallel_loop3A_404 = arith.constant 2 : i32
      %parallel_loop3A_405 = arith.muli %parallel_loop3A_404, %parallel_loop3A_315 : i32
      %parallel_loop3A_406 = arith.constant 1 : i32
      %parallel_loop3A_407 = arith.addi %parallel_loop3A_405, %parallel_loop3A_406 : i32
      %parallel_loop3A_408 = arith.constant 1 : i32
      %parallel_loop3A_409 = arith.index_cast %parallel_loop3A_408 : i32 to index
      %parallel_loop3A_410 = arith.index_cast %parallel_loop3A_407 : i32 to index
      %parallel_loop3A_411 = arith.constant 0 : index
      %parallel_loop3A_412 = tpu.vector_load %arg7[%parallel_loop3A_409, %parallel_loop3A_410, %parallel_loop3A_411] {strides = array<i32>} : memref<2x200x128xf32, #tpu.memory_space<vmem>>, vector<1x1x16xf32>,
      %parallel_loop3A_413 = vector.shape_cast %parallel_loop3A_412 : vector<1x1x16xf32> to vector<16xf32>
      %parallel_loop3A_414 = arith.index_cast %parallel_loop3A_315 : i32 to index
      %parallel_loop3A_415 = arith.constant 64 : index
      %parallel_loop3A_416 = tpu.vector_load %arg9[%parallel_loop3A_414, %parallel_loop3A_415] {strides = array<i32>} : memref<100x128xf32, #tpu.memory_space<vmem>>, vector<1x16xf32>,
      %parallel_loop3A_417 = vector.shape_cast %parallel_loop3A_416 : vector<1x16xf32> to vector<16xf32>
      %parallel_loop3A_418 = arith.addf %parallel_loop3A_413, %parallel_loop3A_417 : vector<16xf32>
      %parallel_loop3A_419 = arith.constant 1 : i32
      %parallel_loop3A_420 = arith.index_cast %parallel_loop3A_419 : i32 to index
      %parallel_loop3A_421 = arith.index_cast %parallel_loop3A_315 : i32 to index
      %parallel_loop3A_422 = arith.constant 64 : index
      %parallel_loop3A_423 = tpu.vector_load %arg8[%parallel_loop3A_420, %parallel_loop3A_421, %parallel_loop3A_422] {strides = array<i32>} : memref<2x100x128xf32, #tpu.memory_space<vmem>>, vector<1x1x16xf32>,
      %parallel_loop3A_424 = vector.shape_cast %parallel_loop3A_423 : vector<1x1x16xf32> to vector<16xf32>
      %parallel_loop3A_425 = vector.shape_cast %parallel_loop3A_418 : vector<16xf32> to vector<1x1x16xf32>
      tpu.vector_store %arg8[%parallel_loop3A_420, %parallel_loop3A_421, %parallel_loop3A_422], %parallel_loop3A_425 {strides = array<i32>} : memref<2x100x128xf32, #tpu.memory_space<vmem>>, vector<1x1x16xf32>,
      %parallel_loop3A_426 = arith.constant 2 : i32
      %parallel_loop3A_427 = arith.muli %parallel_loop3A_426, %parallel_loop3A_315 : i32
      %parallel_loop3A_428 = arith.constant 1 : i32
      %parallel_loop3A_429 = arith.addi %parallel_loop3A_427, %parallel_loop3A_428 : i32
      %parallel_loop3A_430 = arith.constant 1 : i32
      %parallel_loop3A_431 = arith.index_cast %parallel_loop3A_430 : i32 to index
      %parallel_loop3A_432 = arith.index_cast %parallel_loop3A_429 : i32 to index
      %parallel_loop3A_433 = arith.constant 16 : index
      %parallel_loop3A_434 = tpu.vector_load %arg7[%parallel_loop3A_431, %parallel_loop3A_432, %parallel_loop3A_433] {strides = array<i32>} : memref<2x200x128xf32, #tpu.memory_space<vmem>>, vector<1x1x16xf32>,
      %parallel_loop3A_435 = vector.shape_cast %parallel_loop3A_434 : vector<1x1x16xf32> to vector<16xf32>
      %parallel_loop3A_436 = arith.index_cast %parallel_loop3A_315 : i32 to index
      %parallel_loop3A_437 = arith.constant 80 : index
      %parallel_loop3A_438 = tpu.vector_load %arg9[%parallel_loop3A_436, %parallel_loop3A_437] {strides = array<i32>} : memref<100x128xf32, #tpu.memory_space<vmem>>, vector<1x16xf32>,
      %parallel_loop3A_439 = vector.shape_cast %parallel_loop3A_438 : vector<1x16xf32> to vector<16xf32>
      %parallel_loop3A_440 = arith.addf %parallel_loop3A_435, %parallel_loop3A_439 : vector<16xf32>
      %parallel_loop3A_441 = arith.constant 1 : i32
      %parallel_loop3A_442 = arith.index_cast %parallel_loop3A_441 : i32 to index
      %parallel_loop3A_443 = arith.index_cast %parallel_loop3A_315 : i32 to index
      %parallel_loop3A_444 = arith.constant 80 : index
      %parallel_loop3A_445 = tpu.vector_load %arg8[%parallel_loop3A_442, %parallel_loop3A_443, %parallel_loop3A_444] {strides = array<i32>} : memref<2x100x128xf32, #tpu.memory_space<vmem>>, vector<1x1x16xf32>,
      %parallel_loop3A_446 = vector.shape_cast %parallel_loop3A_445 : vector<1x1x16xf32> to vector<16xf32>
      %parallel_loop3A_447 = vector.shape_cast %parallel_loop3A_440 : vector<16xf32> to vector<1x1x16xf32>
      tpu.vector_store %arg8[%parallel_loop3A_442, %parallel_loop3A_443, %parallel_loop3A_444], %parallel_loop3A_447 {strides = array<i32>} : memref<2x100x128xf32, #tpu.memory_space<vmem>>, vector<1x1x16xf32>,
      %parallel_loop3A_448 = arith.constant 2 : i32
      %parallel_loop3A_449 = arith.muli %parallel_loop3A_448, %parallel_loop3A_315 : i32
      %parallel_loop3A_450 = arith.constant 1 : i32
      %parallel_loop3A_451 = arith.addi %parallel_loop3A_449, %parallel_loop3A_450 : i32
      %parallel_loop3A_452 = arith.constant 1 : i32
      %parallel_loop3A_453 = arith.index_cast %parallel_loop3A_452 : i32 to index
      %parallel_loop3A_454 = arith.index_cast %parallel_loop3A_451 : i32 to index
      %parallel_loop3A_455 = arith.constant 32 : index
      %parallel_loop3A_456 = tpu.vector_load %arg7[%parallel_loop3A_453, %parallel_loop3A_454, %parallel_loop3A_455] {strides = array<i32>} : memref<2x200x128xf32, #tpu.memory_space<vmem>>, vector<1x1x16xf32>,
      %parallel_loop3A_457 = vector.shape_cast %parallel_loop3A_456 : vector<1x1x16xf32> to vector<16xf32>
      %parallel_loop3A_458 = arith.index_cast %parallel_loop3A_315 : i32 to index
      %parallel_loop3A_459 = arith.constant 96 : index
      %parallel_loop3A_460 = tpu.vector_load %arg9[%parallel_loop3A_458, %parallel_loop3A_459] {strides = array<i32>} : memref<100x128xf32, #tpu.memory_space<vmem>>, vector<1x16xf32>,
      %parallel_loop3A_461 = vector.shape_cast %parallel_loop3A_460 : vector<1x16xf32> to vector<16xf32>
      %parallel_loop3A_462 = arith.addf %parallel_loop3A_457, %parallel_loop3A_461 : vector<16xf32>
      %parallel_loop3A_463 = arith.constant 1 : i32
      %parallel_loop3A_464 = arith.index_cast %parallel_loop3A_463 : i32 to index
      %parallel_loop3A_465 = arith.index_cast %parallel_loop3A_315 : i32 to index
      %parallel_loop3A_466 = arith.constant 96 : index
      %parallel_loop3A_467 = tpu.vector_load %arg8[%parallel_loop3A_464, %parallel_loop3A_465, %parallel_loop3A_466] {strides = array<i32>} : memref<2x100x128xf32, #tpu.memory_space<vmem>>, vector<1x1x16xf32>,
      %parallel_loop3A_468 = vector.shape_cast %parallel_loop3A_467 : vector<1x1x16xf32> to vector<16xf32>
      %parallel_loop3A_469 = vector.shape_cast %parallel_loop3A_462 : vector<16xf32> to vector<1x1x16xf32>
      tpu.vector_store %arg8[%parallel_loop3A_464, %parallel_loop3A_465, %parallel_loop3A_466], %parallel_loop3A_469 {strides = array<i32>} : memref<2x100x128xf32, #tpu.memory_space<vmem>>, vector<1x1x16xf32>,
      %parallel_loop3A_470 = arith.constant 2 : i32
      %parallel_loop3A_471 = arith.muli %parallel_loop3A_470, %parallel_loop3A_315 : i32
      %parallel_loop3A_472 = arith.constant 1 : i32
      %parallel_loop3A_473 = arith.addi %parallel_loop3A_471, %parallel_loop3A_472 : i32
      %parallel_loop3A_474 = arith.constant 1 : i32
      %parallel_loop3A_475 = arith.index_cast %parallel_loop3A_474 : i32 to index
      %parallel_loop3A_476 = arith.index_cast %parallel_loop3A_473 : i32 to index
      %parallel_loop3A_477 = arith.constant 48 : index
      %parallel_loop3A_478 = tpu.vector_load %arg7[%parallel_loop3A_475, %parallel_loop3A_476, %parallel_loop3A_477] {strides = array<i32>} : memref<2x200x128xf32, #tpu.memory_space<vmem>>, vector<1x1x16xf32>,
      %parallel_loop3A_479 = vector.shape_cast %parallel_loop3A_478 : vector<1x1x16xf32> to vector<16xf32>
      %parallel_loop3A_480 = arith.index_cast %parallel_loop3A_315 : i32 to index
      %parallel_loop3A_481 = arith.constant 112 : index
      %parallel_loop3A_482 = tpu.vector_load %arg9[%parallel_loop3A_480, %parallel_loop3A_481] {strides = array<i32>} : memref<100x128xf32, #tpu.memory_space<vmem>>, vector<1x16xf32>,
      %parallel_loop3A_483 = vector.shape_cast %parallel_loop3A_482 : vector<1x16xf32> to vector<16xf32>
      %parallel_loop3A_484 = arith.addf %parallel_loop3A_479, %parallel_loop3A_483 : vector<16xf32>
      %parallel_loop3A_485 = arith.constant 1 : i32
      %parallel_loop3A_486 = arith.index_cast %parallel_loop3A_485 : i32 to index
      %parallel_loop3A_487 = arith.index_cast %parallel_loop3A_315 : i32 to index
      %parallel_loop3A_488 = arith.constant 112 : index
      %parallel_loop3A_489 = tpu.vector_load %arg8[%parallel_loop3A_486, %parallel_loop3A_487, %parallel_loop3A_488] {strides = array<i32>} : memref<2x100x128xf32, #tpu.memory_space<vmem>>, vector<1x1x16xf32>,
      %parallel_loop3A_490 = vector.shape_cast %parallel_loop3A_489 : vector<1x1x16xf32> to vector<16xf32>
      %parallel_loop3A_491 = vector.shape_cast %parallel_loop3A_484 : vector<16xf32> to vector<1x1x16xf32>
      tpu.vector_store %arg8[%parallel_loop3A_486, %parallel_loop3A_487, %parallel_loop3A_488], %parallel_loop3A_491 {strides = array<i32>} : memref<2x100x128xf32, #tpu.memory_space<vmem>>, vector<1x1x16xf32>,
    } {sc.loop_unroll_factor = 2 : i64, sc.parallel_access}
    %add3A_123 = arith.constant 1 : i32
    %add3A_124 = arith.addi %mul3A_4, %add3A_123 : i32
    %dma_start3A_125 = arith.constant 1 : i32
    %dma_start3A_126 = arith.constant 0 : i32
    %dma_start3A_127 = arith.constant 0 : i32
    %dma_start3A_128 = tpu.memref_slice %arg8[%dma_start3A_125, %dma_start3A_126, %dma_start3A_127] : memref<2x100x128xf32, #tpu.memory_space<vmem>> -> memref<1x100x128xf32, #tpu.memory_space<vmem>>
    %dma_start3A_129 = tpu.memref_squeeze %dma_start3A_128 : memref<1x100x128xf32, #tpu.memory_space<vmem>> -> memref<100x128xf32, #tpu.memory_space<vmem>>
    %dma_start3A_130 = arith.constant 0 : i32
    %dma_start3A_131 = arith.constant 0 : i32
    %dma_start3A_132 = tpu.memref_slice %arg5[%add3A_124, %dma_start3A_130, %dma_start3A_131] : memref<4096x100x128xf32, #tpu.memory_space<hbm>> -> memref<1x100x128xf32, #tpu.memory_space<hbm>>
    %dma_start3A_133 = tpu.memref_squeeze %dma_start3A_132 : memref<1x100x128xf32, #tpu.memory_space<hbm>> -> memref<100x128xf32, #tpu.memory_space<hbm>>
    %dma_start3A_134 = arith.constant 0 : i32
    %dma_start3A_135 = arith.constant 0 : i32
    %dma_start3A_136 = tpu.memref_slice %arg5[%add3A_124, %dma_start3A_134, %dma_start3A_135] : memref<4096x100x128xf32, #tpu.memory_space<hbm>> -> memref<1x100x128xf32, #tpu.memory_space<hbm>>
    %dma_start3A_137 = tpu.memref_squeeze %dma_start3A_136 : memref<1x100x128xf32, #tpu.memory_space<hbm>> -> memref<100x128xf32, #tpu.memory_space<hbm>>
    %dma_start3A_138 = arith.constant 0 : i32
    %dma_start3A_139 = arith.constant 0 : i32
    %dma_start3A_140 = tpu.memref_slice %arg8[%dma_start3A_125, %dma_start3A_138, %dma_start3A_139] : memref<2x100x128xf32, #tpu.memory_space<vmem>> -> memref<1x100x128xf32, #tpu.memory_space<vmem>>
    %dma_start3A_141 = tpu.memref_squeeze %dma_start3A_140 : memref<1x100x128xf32, #tpu.memory_space<vmem>> -> memref<100x128xf32, #tpu.memory_space<vmem>>
    tpu.enqueue_dma source(%dma_start3A_141 : memref<100x128xf32, #tpu.memory_space<vmem>>) target(%dma_start3A_137 : memref<100x128xf32, #tpu.memory_space<hbm>>) target_semaphore(%arg13 : memref<!tpu.dma_semaphore, #tpu.memory_space<semaphore_mem>>)
    %scan3A = arith.constant 0 : i32
    %scan3A_142 = arith.constant 1 : i32
    %scan3A_143 = arith.constant 62 : i32
    %scan3A_144 = arith.addi %scan3A_142, %scan3A_143 : i32
    %scan3A_145 = arith.constant 1 : i32
    scf.for %scan3A_315 = %scan3A_142 to %scan3A_144 step %scan3A_145  : i32 {
      %mul3A_316 = arith.constant 2 : i32
      %mul3A_317 = arith.muli %mul3A_316, %scan3A_315 : i32
      %add3A_318 = arith.constant 1 : i32
      %add3A_319 = arith.addi %mul3A_317, %add3A_318 : i32
      %mul3A_320 = arith.constant 200 : i32
      %mul3A_321 = arith.muli %add3A_319, %mul3A_320 : i32
      %multiple_of3A_322 = tpu.assume_multiple %mul3A_321, 8 : i32
      %dma_start3A_323 = arith.constant 1 : i32
      %dma_start3A_324 = arith.constant 0 : i32
      %dma_start3A_325 = arith.constant 0 : i32
      %dma_start3A_326 = tpu.memref_slice %arg7[%dma_start3A_323, %dma_start3A_324, %dma_start3A_325] : memref<2x200x128xf32, #tpu.memory_space<vmem>> -> memref<1x128x128xf32, #tpu.memory_space<vmem>>
      %dma_start3A_327 = tpu.memref_squeeze %dma_start3A_326 : memref<1x128x128xf32, #tpu.memory_space<vmem>> -> memref<128x128xf32, #tpu.memory_space<vmem>>
      %dma_start3A_328 = tpu.memref_slice %arg6[%multiple_of3A_322] : memref<25600xi32, #tpu.memory_space<vmem>> -> memref<128xi32, #tpu.memory_space<vmem>>
      %dma_start3A_329 = arith.constant 0 : i32
      %dma_start3A_330 = arith.constant 0 : i32
      %dma_start3A_331 = tpu.memref_slice %arg3[%dma_start3A_329, %dma_start3A_330] : memref<100000x128xf32, #tpu.memory_space<hbm>> -> memref<100000x128xf32, #tpu.memory_space<hbm>>
      tpu.enqueue_indirect_dma source(%dma_start3A_331 : memref<100000x128xf32, #tpu.memory_space<hbm>>) target(%dma_start3A_327 : memref<128x128xf32, #tpu.memory_space<vmem>>) offsets(%dma_start3A_328 : memref<128xi32, #tpu.memory_space<vmem>>) semaphore(%arg11 : memref<!tpu.dma_semaphore, #tpu.memory_space<semaphore_mem>>)
      %add3A_332 = arith.constant 128 : i32
      %add3A_333 = arith.addi %multiple_of3A_322, %add3A_332 : i32
      %dma_start3A_334 = arith.constant 1 : i32
      %dma_start3A_335 = arith.constant 128 : i32
      %dma_start3A_336 = arith.constant 0 : i32
      %dma_start3A_337 = tpu.memref_slice %arg7[%dma_start3A_334, %dma_start3A_335, %dma_start3A_336] : memref<2x200x128xf32, #tpu.memory_space<vmem>> -> memref<1x72x128xf32, #tpu.memory_space<vmem>>
      %dma_start3A_338 = tpu.memref_squeeze %dma_start3A_337 : memref<1x72x128xf32, #tpu.memory_space<vmem>> -> memref<72x128xf32, #tpu.memory_space<vmem>>
      %dma_start3A_339 = tpu.memref_slice %arg6[%add3A_333] : memref<25600xi32, #tpu.memory_space<vmem>> -> memref<72xi32, #tpu.memory_space<vmem>>
      %dma_start3A_340 = arith.constant 0 : i32
      %dma_start3A_341 = arith.constant 0 : i32
      %dma_start3A_342 = tpu.memref_slice %arg3[%dma_start3A_340, %dma_start3A_341] : memref<100000x128xf32, #tpu.memory_space<hbm>> -> memref<100000x128xf32, #tpu.memory_space<hbm>>
      tpu.enqueue_indirect_dma source(%dma_start3A_342 : memref<100000x128xf32, #tpu.memory_space<hbm>>) target(%dma_start3A_338 : memref<72x128xf32, #tpu.memory_space<vmem>>) offsets(%dma_start3A_339 : memref<72xi32, #tpu.memory_space<vmem>>) semaphore(%arg11 : memref<!tpu.dma_semaphore, #tpu.memory_space<semaphore_mem>>)
      %dma_wait3A_343 = arith.constant 0 : i32
      %dma_wait3A_344 = arith.constant 0 : i32
      %dma_wait3A_345 = arith.constant 0 : i32
      %dma_wait3A_346 = arith.constant 0 : i32
      %dma_wait3A_347 = tpu.memref_slice %arg8[%dma_wait3A_343, %dma_wait3A_345, %dma_wait3A_346] : memref<2x100x128xf32, #tpu.memory_space<vmem>> -> memref<1x100x128xf32, #tpu.memory_space<vmem>>
      %dma_wait3A_348 = tpu.memref_squeeze %dma_wait3A_347 : memref<1x100x128xf32, #tpu.memory_space<vmem>> -> memref<100x128xf32, #tpu.memory_space<vmem>>
      %dma_wait3A_349 = arith.constant 0 : i32
      %dma_wait3A_350 = arith.constant 0 : i32
      %dma_wait3A_351 = tpu.memref_slice %arg5[%dma_wait3A_344, %dma_wait3A_349, %dma_wait3A_350] : memref<4096x100x128xf32, #tpu.memory_space<hbm>> -> memref<1x100x128xf32, #tpu.memory_space<hbm>>
      %dma_wait3A_352 = tpu.memref_squeeze %dma_wait3A_351 : memref<1x100x128xf32, #tpu.memory_space<hbm>> -> memref<100x128xf32, #tpu.memory_space<hbm>>
      %dma_wait3A_353 = arith.constant 0 : i32
      %dma_wait3A_354 = arith.constant 0 : i32
      %dma_wait3A_355 = tpu.memref_slice %arg5[%dma_wait3A_344, %dma_wait3A_353, %dma_wait3A_354] : memref<4096x100x128xf32, #tpu.memory_space<hbm>> -> memref<1x100x128xf32, #tpu.memory_space<hbm>>
      %dma_wait3A_356 = tpu.memref_squeeze %dma_wait3A_355 : memref<1x100x128xf32, #tpu.memory_space<hbm>> -> memref<100x128xf32, #tpu.memory_space<hbm>>
      %dma_wait3A_357 = arith.constant 0 : i32
      %dma_wait3A_358 = arith.constant 0 : i32
      %dma_wait3A_359 = tpu.memref_slice %arg8[%dma_wait3A_343, %dma_wait3A_357, %dma_wait3A_358] : memref<2x100x128xf32, #tpu.memory_space<vmem>> -> memref<1x100x128xf32, #tpu.memory_space<vmem>>
      %dma_wait3A_360 = tpu.memref_squeeze %dma_wait3A_359 : memref<1x100x128xf32, #tpu.memory_space<vmem>> -> memref<100x128xf32, #tpu.memory_space<vmem>>
      tpu.wait_dma2 semaphore(%arg12 : memref<!tpu.dma_semaphore, #tpu.memory_space<semaphore_mem>>) src(%dma_wait3A_360 : memref<100x128xf32, #tpu.memory_space<vmem>>) dst(%dma_wait3A_356 : memref<100x128xf32, #tpu.memory_space<hbm>>)
      %dma_wait3A_361 = arith.constant 0 : i32
      %dma_wait3A_362 = arith.constant 0 : i32
      %dma_wait3A_363 = arith.constant 0 : i32
      %dma_wait3A_364 = tpu.memref_slice %arg7[%dma_wait3A_361, %dma_wait3A_362, %dma_wait3A_363] : memref<2x200x128xf32, #tpu.memory_space<vmem>> -> memref<1x200x128xf32, #tpu.memory_space<vmem>>
      %dma_wait3A_365 = tpu.memref_squeeze %dma_wait3A_364 : memref<1x200x128xf32, #tpu.memory_space<vmem>> -> memref<200x128xf32, #tpu.memory_space<vmem>>
      %dma_wait3A_366 = arith.constant 0 : i32
      %dma_wait3A_367 = arith.constant 0 : i32
      %dma_wait3A_368 = tpu.memref_slice %arg3[%dma_wait3A_366, %dma_wait3A_367] : memref<100000x128xf32, #tpu.memory_space<hbm>> -> memref<200x128xf32, #tpu.memory_space<hbm>>
      %dma_wait3A_369 = arith.constant 0 : i32
      %dma_wait3A_370 = arith.constant 0 : i32
      %dma_wait3A_371 = tpu.memref_slice %arg7[%dma_wait3A_361, %dma_wait3A_369, %dma_wait3A_370] : memref<2x200x128xf32, #tpu.memory_space<vmem>> -> memref<1x200x128xf32, #tpu.memory_space<vmem>>
      %dma_wait3A_372 = tpu.memref_squeeze %dma_wait3A_371 : memref<1x200x128xf32, #tpu.memory_space<vmem>> -> memref<200x128xf32, #tpu.memory_space<vmem>>
      %dma_wait3A_373 = arith.constant 0 : i32
      %dma_wait3A_374 = arith.constant 0 : i32
      %dma_wait3A_375 = tpu.memref_slice %arg3[%dma_wait3A_373, %dma_wait3A_374] : memref<100000x128xf32, #tpu.memory_space<hbm>> -> memref<200x128xf32, #tpu.memory_space<hbm>>
      tpu.wait_dma2 semaphore(%arg10 : memref<!tpu.dma_semaphore, #tpu.memory_space<semaphore_mem>>) src(%dma_wait3A_375 : memref<200x128xf32, #tpu.memory_space<hbm>>) dst(%dma_wait3A_372 : memref<200x128xf32, #tpu.memory_space<vmem>>)
      %parallel_loop3A_376 = arith.constant 0 : i32
      %parallel_loop3A_377 = arith.constant 100 : i32
      %parallel_loop3A_378 = arith.constant 1 : i32
      scf.for %parallel_loop3A_478 = %parallel_loop3A_376 to %parallel_loop3A_377 step %parallel_loop3A_378  : i32 {
        %parallel_loop3A_479 = arith.constant 2 : i32
        %parallel_loop3A_480 = arith.muli %parallel_loop3A_479, %parallel_loop3A_478 : i32
        %parallel_loop3A_481 = arith.constant 0 : i32
        %parallel_loop3A_482 = arith.addi %parallel_loop3A_480, %parallel_loop3A_481 : i32
        %parallel_loop3A_483 = arith.constant 0 : i32
        %parallel_loop3A_484 = arith.index_cast %parallel_loop3A_483 : i32 to index
        %parallel_loop3A_485 = arith.index_cast %parallel_loop3A_482 : i32 to index
        %parallel_loop3A_486 = arith.constant 0 : index
        %parallel_loop3A_487 = tpu.vector_load %arg7[%parallel_loop3A_484, %parallel_loop3A_485, %parallel_loop3A_486] {strides = array<i32>} : memref<2x200x128xf32, #tpu.memory_space<vmem>>, vector<1x1x16xf32>,
        %parallel_loop3A_488 = vector.shape_cast %parallel_loop3A_487 : vector<1x1x16xf32> to vector<16xf32>
        %parallel_loop3A_489 = arith.index_cast %parallel_loop3A_478 : i32 to index
        %parallel_loop3A_490 = arith.constant 0 : index
        %parallel_loop3A_491 = tpu.vector_load %arg9[%parallel_loop3A_489, %parallel_loop3A_490] {strides = array<i32>} : memref<100x128xf32, #tpu.memory_space<vmem>>, vector<1x16xf32>,
        %parallel_loop3A_492 = vector.shape_cast %parallel_loop3A_491 : vector<1x16xf32> to vector<16xf32>
        %parallel_loop3A_493 = arith.addf %parallel_loop3A_488, %parallel_loop3A_492 : vector<16xf32>
        %parallel_loop3A_494 = arith.constant 0 : i32
        %parallel_loop3A_495 = arith.index_cast %parallel_loop3A_494 : i32 to index
        %parallel_loop3A_496 = arith.index_cast %parallel_loop3A_478 : i32 to index
        %parallel_loop3A_497 = arith.constant 0 : index
        %parallel_loop3A_498 = tpu.vector_load %arg8[%parallel_loop3A_495, %parallel_loop3A_496, %parallel_loop3A_497] {strides = array<i32>} : memref<2x100x128xf32, #tpu.memory_space<vmem>>, vector<1x1x16xf32>,
        %parallel_loop3A_499 = vector.shape_cast %parallel_loop3A_498 : vector<1x1x16xf32> to vector<16xf32>
        %parallel_loop3A_500 = vector.shape_cast %parallel_loop3A_493 : vector<16xf32> to vector<1x1x16xf32>
        tpu.vector_store %arg8[%parallel_loop3A_495, %parallel_loop3A_496, %parallel_loop3A_497], %parallel_loop3A_500 {strides = array<i32>} : memref<2x100x128xf32, #tpu.memory_space<vmem>>, vector<1x1x16xf32>,
        %parallel_loop3A_501 = arith.constant 2 : i32
        %parallel_loop3A_502 = arith.muli %parallel_loop3A_501, %parallel_loop3A_478 : i32
        %parallel_loop3A_503 = arith.constant 0 : i32
        %parallel_loop3A_504 = arith.addi %parallel_loop3A_502, %parallel_loop3A_503 : i32
        %parallel_loop3A_505 = arith.constant 0 : i32
        %parallel_loop3A_506 = arith.index_cast %parallel_loop3A_505 : i32 to index
        %parallel_loop3A_507 = arith.index_cast %parallel_loop3A_504 : i32 to index
        %parallel_loop3A_508 = arith.constant 16 : index
        %parallel_loop3A_509 = tpu.vector_load %arg7[%parallel_loop3A_506, %parallel_loop3A_507, %parallel_loop3A_508] {strides = array<i32>} : memref<2x200x128xf32, #tpu.memory_space<vmem>>, vector<1x1x16xf32>,
        %parallel_loop3A_510 = vector.shape_cast %parallel_loop3A_509 : vector<1x1x16xf32> to vector<16xf32>
        %parallel_loop3A_511 = arith.index_cast %parallel_loop3A_478 : i32 to index
        %parallel_loop3A_512 = arith.constant 16 : index
        %parallel_loop3A_513 = tpu.vector_load %arg9[%parallel_loop3A_511, %parallel_loop3A_512] {strides = array<i32>} : memref<100x128xf32, #tpu.memory_space<vmem>>, vector<1x16xf32>,
        %parallel_loop3A_514 = vector.shape_cast %parallel_loop3A_513 : vector<1x16xf32> to vector<16xf32>
        %parallel_loop3A_515 = arith.addf %parallel_loop3A_510, %parallel_loop3A_514 : vector<16xf32>
        %parallel_loop3A_516 = arith.constant 0 : i32
        %parallel_loop3A_517 = arith.index_cast %parallel_loop3A_516 : i32 to index
        %parallel_loop3A_518 = arith.index_cast %parallel_loop3A_478 : i32 to index
        %parallel_loop3A_519 = arith.constant 16 : index
        %parallel_loop3A_520 = tpu.vector_load %arg8[%parallel_loop3A_517, %parallel_loop3A_518, %parallel_loop3A_519] {strides = array<i32>} : memref<2x100x128xf32, #tpu.memory_space<vmem>>, vector<1x1x16xf32>,
        %parallel_loop3A_521 = vector.shape_cast %parallel_loop3A_520 : vector<1x1x16xf32> to vector<16xf32>
        %parallel_loop3A_522 = vector.shape_cast %parallel_loop3A_515 : vector<16xf32> to vector<1x1x16xf32>
        tpu.vector_store %arg8[%parallel_loop3A_517, %parallel_loop3A_518, %parallel_loop3A_519], %parallel_loop3A_522 {strides = array<i32>} : memref<2x100x128xf32, #tpu.memory_space<vmem>>, vector<1x1x16xf32>,
        %parallel_loop3A_523 = arith.constant 2 : i32
        %parallel_loop3A_524 = arith.muli %parallel_loop3A_523, %parallel_loop3A_478 : i32
        %parallel_loop3A_525 = arith.constant 0 : i32
        %parallel_loop3A_526 = arith.addi %parallel_loop3A_524, %parallel_loop3A_525 : i32
        %parallel_loop3A_527 = arith.constant 0 : i32
        %parallel_loop3A_528 = arith.index_cast %parallel_loop3A_527 : i32 to index
        %parallel_loop3A_529 = arith.index_cast %parallel_loop3A_526 : i32 to index
        %parallel_loop3A_530 = arith.constant 32 : index
        %parallel_loop3A_531 = tpu.vector_load %arg7[%parallel_loop3A_528, %parallel_loop3A_529, %parallel_loop3A_530] {strides = array<i32>} : memref<2x200x128xf32, #tpu.memory_space<vmem>>, vector<1x1x16xf32>,
        %parallel_loop3A_532 = vector.shape_cast %parallel_loop3A_531 : vector<1x1x16xf32> to vector<16xf32>
        %parallel_loop3A_533 = arith.index_cast %parallel_loop3A_478 : i32 to index
        %parallel_loop3A_534 = arith.constant 32 : index
        %parallel_loop3A_535 = tpu.vector_load %arg9[%parallel_loop3A_533, %parallel_loop3A_534] {strides = array<i32>} : memref<100x128xf32, #tpu.memory_space<vmem>>, vector<1x16xf32>,
        %parallel_loop3A_536 = vector.shape_cast %parallel_loop3A_535 : vector<1x16xf32> to vector<16xf32>
        %parallel_loop3A_537 = arith.addf %parallel_loop3A_532, %parallel_loop3A_536 : vector<16xf32>
        %parallel_loop3A_538 = arith.constant 0 : i32
        %parallel_loop3A_539 = arith.index_cast %parallel_loop3A_538 : i32 to index
        %parallel_loop3A_540 = arith.index_cast %parallel_loop3A_478 : i32 to index
        %parallel_loop3A_541 = arith.constant 32 : index
        %parallel_loop3A_542 = tpu.vector_load %arg8[%parallel_loop3A_539, %parallel_loop3A_540, %parallel_loop3A_541] {strides = array<i32>} : memref<2x100x128xf32, #tpu.memory_space<vmem>>, vector<1x1x16xf32>,
        %parallel_loop3A_543 = vector.shape_cast %parallel_loop3A_542 : vector<1x1x16xf32> to vector<16xf32>
        %parallel_loop3A_544 = vector.shape_cast %parallel_loop3A_537 : vector<16xf32> to vector<1x1x16xf32>
        tpu.vector_store %arg8[%parallel_loop3A_539, %parallel_loop3A_540, %parallel_loop3A_541], %parallel_loop3A_544 {strides = array<i32>} : memref<2x100x128xf32, #tpu.memory_space<vmem>>, vector<1x1x16xf32>,
        %parallel_loop3A_545 = arith.constant 2 : i32
        %parallel_loop3A_546 = arith.muli %parallel_loop3A_545, %parallel_loop3A_478 : i32
        %parallel_loop3A_547 = arith.constant 0 : i32
        %parallel_loop3A_548 = arith.addi %parallel_loop3A_546, %parallel_loop3A_547 : i32
        %parallel_loop3A_549 = arith.constant 0 : i32
        %parallel_loop3A_550 = arith.index_cast %parallel_loop3A_549 : i32 to index
        %parallel_loop3A_551 = arith.index_cast %parallel_loop3A_548 : i32 to index
        %parallel_loop3A_552 = arith.constant 48 : index
        %parallel_loop3A_553 = tpu.vector_load %arg7[%parallel_loop3A_550, %parallel_loop3A_551, %parallel_loop3A_552] {strides = array<i32>} : memref<2x200x128xf32, #tpu.memory_space<vmem>>, vector<1x1x16xf32>,
        %parallel_loop3A_554 = vector.shape_cast %parallel_loop3A_553 : vector<1x1x16xf32> to vector<16xf32>
        %parallel_loop3A_555 = arith.index_cast %parallel_loop3A_478 : i32 to index
        %parallel_loop3A_556 = arith.constant 48 : index
        %parallel_loop3A_557 = tpu.vector_load %arg9[%parallel_loop3A_555, %parallel_loop3A_556] {strides = array<i32>} : memref<100x128xf32, #tpu.memory_space<vmem>>, vector<1x16xf32>,
        %parallel_loop3A_558 = vector.shape_cast %parallel_loop3A_557 : vector<1x16xf32> to vector<16xf32>
        %parallel_loop3A_559 = arith.addf %parallel_loop3A_554, %parallel_loop3A_558 : vector<16xf32>
        %parallel_loop3A_560 = arith.constant 0 : i32
        %parallel_loop3A_561 = arith.index_cast %parallel_loop3A_560 : i32 to index
        %parallel_loop3A_562 = arith.index_cast %parallel_loop3A_478 : i32 to index
        %parallel_loop3A_563 = arith.constant 48 : index
        %parallel_loop3A_564 = tpu.vector_load %arg8[%parallel_loop3A_561, %parallel_loop3A_562, %parallel_loop3A_563] {strides = array<i32>} : memref<2x100x128xf32, #tpu.memory_space<vmem>>, vector<1x1x16xf32>,
        %parallel_loop3A_565 = vector.shape_cast %parallel_loop3A_564 : vector<1x1x16xf32> to vector<16xf32>
        %parallel_loop3A_566 = vector.shape_cast %parallel_loop3A_559 : vector<16xf32> to vector<1x1x16xf32>
        tpu.vector_store %arg8[%parallel_loop3A_561, %parallel_loop3A_562, %parallel_loop3A_563], %parallel_loop3A_566 {strides = array<i32>} : memref<2x100x128xf32, #tpu.memory_space<vmem>>, vector<1x1x16xf32>,
        %parallel_loop3A_567 = arith.constant 2 : i32
        %parallel_loop3A_568 = arith.muli %parallel_loop3A_567, %parallel_loop3A_478 : i32
        %parallel_loop3A_569 = arith.constant 1 : i32
        %parallel_loop3A_570 = arith.addi %parallel_loop3A_568, %parallel_loop3A_569 : i32
        %parallel_loop3A_571 = arith.constant 0 : i32
        %parallel_loop3A_572 = arith.index_cast %parallel_loop3A_571 : i32 to index
        %parallel_loop3A_573 = arith.index_cast %parallel_loop3A_570 : i32 to index
        %parallel_loop3A_574 = arith.constant 0 : index
        %parallel_loop3A_575 = tpu.vector_load %arg7[%parallel_loop3A_572, %parallel_loop3A_573, %parallel_loop3A_574] {strides = array<i32>} : memref<2x200x128xf32, #tpu.memory_space<vmem>>, vector<1x1x16xf32>,
        %parallel_loop3A_576 = vector.shape_cast %parallel_loop3A_575 : vector<1x1x16xf32> to vector<16xf32>
        %parallel_loop3A_577 = arith.index_cast %parallel_loop3A_478 : i32 to index
        %parallel_loop3A_578 = arith.constant 64 : index
        %parallel_loop3A_579 = tpu.vector_load %arg9[%parallel_loop3A_577, %parallel_loop3A_578] {strides = array<i32>} : memref<100x128xf32, #tpu.memory_space<vmem>>, vector<1x16xf32>,
        %parallel_loop3A_580 = vector.shape_cast %parallel_loop3A_579 : vector<1x16xf32> to vector<16xf32>
        %parallel_loop3A_581 = arith.addf %parallel_loop3A_576, %parallel_loop3A_580 : vector<16xf32>
        %parallel_loop3A_582 = arith.constant 0 : i32
        %parallel_loop3A_583 = arith.index_cast %parallel_loop3A_582 : i32 to index
        %parallel_loop3A_584 = arith.index_cast %parallel_loop3A_478 : i32 to index
        %parallel_loop3A_585 = arith.constant 64 : index
        %parallel_loop3A_586 = tpu.vector_load %arg8[%parallel_loop3A_583, %parallel_loop3A_584, %parallel_loop3A_585] {strides = array<i32>} : memref<2x100x128xf32, #tpu.memory_space<vmem>>, vector<1x1x16xf32>,
        %parallel_loop3A_587 = vector.shape_cast %parallel_loop3A_586 : vector<1x1x16xf32> to vector<16xf32>
        %parallel_loop3A_588 = vector.shape_cast %parallel_loop3A_581 : vector<16xf32> to vector<1x1x16xf32>
        tpu.vector_store %arg8[%parallel_loop3A_583, %parallel_loop3A_584, %parallel_loop3A_585], %parallel_loop3A_588 {strides = array<i32>} : memref<2x100x128xf32, #tpu.memory_space<vmem>>, vector<1x1x16xf32>,
        %parallel_loop3A_589 = arith.constant 2 : i32
        %parallel_loop3A_590 = arith.muli %parallel_loop3A_589, %parallel_loop3A_478 : i32
        %parallel_loop3A_591 = arith.constant 1 : i32
        %parallel_loop3A_592 = arith.addi %parallel_loop3A_590, %parallel_loop3A_591 : i32
        %parallel_loop3A_593 = arith.constant 0 : i32
        %parallel_loop3A_594 = arith.index_cast %parallel_loop3A_593 : i32 to index
        %parallel_loop3A_595 = arith.index_cast %parallel_loop3A_592 : i32 to index
        %parallel_loop3A_596 = arith.constant 16 : index
        %parallel_loop3A_597 = tpu.vector_load %arg7[%parallel_loop3A_594, %parallel_loop3A_595, %parallel_loop3A_596] {strides = array<i32>} : memref<2x200x128xf32, #tpu.memory_space<vmem>>, vector<1x1x16xf32>,
        %parallel_loop3A_598 = vector.shape_cast %parallel_loop3A_597 : vector<1x1x16xf32> to vector<16xf32>
        %parallel_loop3A_599 = arith.index_cast %parallel_loop3A_478 : i32 to index
        %parallel_loop3A_600 = arith.constant 80 : index
        %parallel_loop3A_601 = tpu.vector_load %arg9[%parallel_loop3A_599, %parallel_loop3A_600] {strides = array<i32>} : memref<100x128xf32, #tpu.memory_space<vmem>>, vector<1x16xf32>,
        %parallel_loop3A_602 = vector.shape_cast %parallel_loop3A_601 : vector<1x16xf32> to vector<16xf32>
        %parallel_loop3A_603 = arith.addf %parallel_loop3A_598, %parallel_loop3A_602 : vector<16xf32>
        %parallel_loop3A_604 = arith.constant 0 : i32
        %parallel_loop3A_605 = arith.index_cast %parallel_loop3A_604 : i32 to index
        %parallel_loop3A_606 = arith.index_cast %parallel_loop3A_478 : i32 to index
        %parallel_loop3A_607 = arith.constant 80 : index
        %parallel_loop3A_608 = tpu.vector_load %arg8[%parallel_loop3A_605, %parallel_loop3A_606, %parallel_loop3A_607] {strides = array<i32>} : memref<2x100x128xf32, #tpu.memory_space<vmem>>, vector<1x1x16xf32>,
        %parallel_loop3A_609 = vector.shape_cast %parallel_loop3A_608 : vector<1x1x16xf32> to vector<16xf32>
        %parallel_loop3A_610 = vector.shape_cast %parallel_loop3A_603 : vector<16xf32> to vector<1x1x16xf32>
        tpu.vector_store %arg8[%parallel_loop3A_605, %parallel_loop3A_606, %parallel_loop3A_607], %parallel_loop3A_610 {strides = array<i32>} : memref<2x100x128xf32, #tpu.memory_space<vmem>>, vector<1x1x16xf32>,
        %parallel_loop3A_611 = arith.constant 2 : i32
        %parallel_loop3A_612 = arith.muli %parallel_loop3A_611, %parallel_loop3A_478 : i32
        %parallel_loop3A_613 = arith.constant 1 : i32
        %parallel_loop3A_614 = arith.addi %parallel_loop3A_612, %parallel_loop3A_613 : i32
        %parallel_loop3A_615 = arith.constant 0 : i32
        %parallel_loop3A_616 = arith.index_cast %parallel_loop3A_615 : i32 to index
        %parallel_loop3A_617 = arith.index_cast %parallel_loop3A_614 : i32 to index
        %parallel_loop3A_618 = arith.constant 32 : index
        %parallel_loop3A_619 = tpu.vector_load %arg7[%parallel_loop3A_616, %parallel_loop3A_617, %parallel_loop3A_618] {strides = array<i32>} : memref<2x200x128xf32, #tpu.memory_space<vmem>>, vector<1x1x16xf32>,
        %parallel_loop3A_620 = vector.shape_cast %parallel_loop3A_619 : vector<1x1x16xf32> to vector<16xf32>
        %parallel_loop3A_621 = arith.index_cast %parallel_loop3A_478 : i32 to index
        %parallel_loop3A_622 = arith.constant 96 : index
        %parallel_loop3A_623 = tpu.vector_load %arg9[%parallel_loop3A_621, %parallel_loop3A_622] {strides = array<i32>} : memref<100x128xf32, #tpu.memory_space<vmem>>, vector<1x16xf32>,
        %parallel_loop3A_624 = vector.shape_cast %parallel_loop3A_623 : vector<1x16xf32> to vector<16xf32>
        %parallel_loop3A_625 = arith.addf %parallel_loop3A_620, %parallel_loop3A_624 : vector<16xf32>
        %parallel_loop3A_626 = arith.constant 0 : i32
        %parallel_loop3A_627 = arith.index_cast %parallel_loop3A_626 : i32 to index
        %parallel_loop3A_628 = arith.index_cast %parallel_loop3A_478 : i32 to index
        %parallel_loop3A_629 = arith.constant 96 : index
        %parallel_loop3A_630 = tpu.vector_load %arg8[%parallel_loop3A_627, %parallel_loop3A_628, %parallel_loop3A_629] {strides = array<i32>} : memref<2x100x128xf32, #tpu.memory_space<vmem>>, vector<1x1x16xf32>,
        %parallel_loop3A_631 = vector.shape_cast %parallel_loop3A_630 : vector<1x1x16xf32> to vector<16xf32>
        %parallel_loop3A_632 = vector.shape_cast %parallel_loop3A_625 : vector<16xf32> to vector<1x1x16xf32>
        tpu.vector_store %arg8[%parallel_loop3A_627, %parallel_loop3A_628, %parallel_loop3A_629], %parallel_loop3A_632 {strides = array<i32>} : memref<2x100x128xf32, #tpu.memory_space<vmem>>, vector<1x1x16xf32>,
        %parallel_loop3A_633 = arith.constant 2 : i32
        %parallel_loop3A_634 = arith.muli %parallel_loop3A_633, %parallel_loop3A_478 : i32
        %parallel_loop3A_635 = arith.constant 1 : i32
        %parallel_loop3A_636 = arith.addi %parallel_loop3A_634, %parallel_loop3A_635 : i32
        %parallel_loop3A_637 = arith.constant 0 : i32
        %parallel_loop3A_638 = arith.index_cast %parallel_loop3A_637 : i32 to index
        %parallel_loop3A_639 = arith.index_cast %parallel_loop3A_636 : i32 to index
        %parallel_loop3A_640 = arith.constant 48 : index
        %parallel_loop3A_641 = tpu.vector_load %arg7[%parallel_loop3A_638, %parallel_loop3A_639, %parallel_loop3A_640] {strides = array<i32>} : memref<2x200x128xf32, #tpu.memory_space<vmem>>, vector<1x1x16xf32>,
        %parallel_loop3A_642 = vector.shape_cast %parallel_loop3A_641 : vector<1x1x16xf32> to vector<16xf32>
        %parallel_loop3A_643 = arith.index_cast %parallel_loop3A_478 : i32 to index
        %parallel_loop3A_644 = arith.constant 112 : index
        %parallel_loop3A_645 = tpu.vector_load %arg9[%parallel_loop3A_643, %parallel_loop3A_644] {strides = array<i32>} : memref<100x128xf32, #tpu.memory_space<vmem>>, vector<1x16xf32>,
        %parallel_loop3A_646 = vector.shape_cast %parallel_loop3A_645 : vector<1x16xf32> to vector<16xf32>
        %parallel_loop3A_647 = arith.addf %parallel_loop3A_642, %parallel_loop3A_646 : vector<16xf32>
        %parallel_loop3A_648 = arith.constant 0 : i32
        %parallel_loop3A_649 = arith.index_cast %parallel_loop3A_648 : i32 to index
        %parallel_loop3A_650 = arith.index_cast %parallel_loop3A_478 : i32 to index
        %parallel_loop3A_651 = arith.constant 112 : index
        %parallel_loop3A_652 = tpu.vector_load %arg8[%parallel_loop3A_649, %parallel_loop3A_650, %parallel_loop3A_651] {strides = array<i32>} : memref<2x100x128xf32, #tpu.memory_space<vmem>>, vector<1x1x16xf32>,
        %parallel_loop3A_653 = vector.shape_cast %parallel_loop3A_652 : vector<1x1x16xf32> to vector<16xf32>
        %parallel_loop3A_654 = vector.shape_cast %parallel_loop3A_647 : vector<16xf32> to vector<1x1x16xf32>
        tpu.vector_store %arg8[%parallel_loop3A_649, %parallel_loop3A_650, %parallel_loop3A_651], %parallel_loop3A_654 {strides = array<i32>} : memref<2x100x128xf32, #tpu.memory_space<vmem>>, vector<1x1x16xf32>,
      } {sc.loop_unroll_factor = 2 : i64, sc.parallel_access}
      %add3A_379 = arith.addi %mul3A_4, %mul3A_317 : i32
      %dma_start3A_380 = arith.constant 0 : i32
      %dma_start3A_381 = arith.constant 0 : i32
      %dma_start3A_382 = arith.constant 0 : i32
      %dma_start3A_383 = tpu.memref_slice %arg8[%dma_start3A_380, %dma_start3A_381, %dma_start3A_382] : memref<2x100x128xf32, #tpu.memory_space<vmem>> -> memref<1x100x128xf32, #tpu.memory_space<vmem>>
      %dma_start3A_384 = tpu.memref_squeeze %dma_start3A_383 : memref<1x100x128xf32, #tpu.memory_space<vmem>> -> memref<100x128xf32, #tpu.memory_space<vmem>>
      %dma_start3A_385 = arith.constant 0 : i32
      %dma_start3A_386 = arith.constant 0 : i32
      %dma_start3A_387 = tpu.memref_slice %arg5[%add3A_379, %dma_start3A_385, %dma_start3A_386] : memref<4096x100x128xf32, #tpu.memory_space<hbm>> -> memref<1x100x128xf32, #tpu.memory_space<hbm>>
      %dma_start3A_388 = tpu.memref_squeeze %dma_start3A_387 : memref<1x100x128xf32, #tpu.memory_space<hbm>> -> memref<100x128xf32, #tpu.memory_space<hbm>>
      %dma_start3A_389 = arith.constant 0 : i32
      %dma_start3A_390 = arith.constant 0 : i32
      %dma_start3A_391 = tpu.memref_slice %arg5[%add3A_379, %dma_start3A_389, %dma_start3A_390] : memref<4096x100x128xf32, #tpu.memory_space<hbm>> -> memref<1x100x128xf32, #tpu.memory_space<hbm>>
      %dma_start3A_392 = tpu.memref_squeeze %dma_start3A_391 : memref<1x100x128xf32, #tpu.memory_space<hbm>> -> memref<100x128xf32, #tpu.memory_space<hbm>>
      %dma_start3A_393 = arith.constant 0 : i32
      %dma_start3A_394 = arith.constant 0 : i32
      %dma_start3A_395 = tpu.memref_slice %arg8[%dma_start3A_380, %dma_start3A_393, %dma_start3A_394] : memref<2x100x128xf32, #tpu.memory_space<vmem>> -> memref<1x100x128xf32, #tpu.memory_space<vmem>>
      %dma_start3A_396 = tpu.memref_squeeze %dma_start3A_395 : memref<1x100x128xf32, #tpu.memory_space<vmem>> -> memref<100x128xf32, #tpu.memory_space<vmem>>
      tpu.enqueue_dma source(%dma_start3A_396 : memref<100x128xf32, #tpu.memory_space<vmem>>) target(%dma_start3A_392 : memref<100x128xf32, #tpu.memory_space<hbm>>) target_semaphore(%arg12 : memref<!tpu.dma_semaphore, #tpu.memory_space<semaphore_mem>>)
      %add3A_397 = arith.constant 2 : i32
      %add3A_398 = arith.addi %mul3A_317, %add3A_397 : i32
      %mul3A_399 = arith.constant 200 : i32
      %mul3A_400 = arith.muli %add3A_398, %mul3A_399 : i32
      %multiple_of3A_401 = tpu.assume_multiple %mul3A_400, 8 : i32
      %dma_start3A_402 = arith.constant 0 : i32
      %dma_start3A_403 = arith.constant 0 : i32
      %dma_start3A_404 = arith.constant 0 : i32
      %dma_start3A_405 = tpu.memref_slice %arg7[%dma_start3A_402, %dma_start3A_403, %dma_start3A_404] : memref<2x200x128xf32, #tpu.memory_space<vmem>> -> memref<1x128x128xf32, #tpu.memory_space<vmem>>
      %dma_start3A_406 = tpu.memref_squeeze %dma_start3A_405 : memref<1x128x128xf32, #tpu.memory_space<vmem>> -> memref<128x128xf32, #tpu.memory_space<vmem>>
      %dma_start3A_407 = tpu.memref_slice %arg6[%multiple_of3A_401] : memref<25600xi32, #tpu.memory_space<vmem>> -> memref<128xi32, #tpu.memory_space<vmem>>
      %dma_start3A_408 = arith.constant 0 : i32
      %dma_start3A_409 = arith.constant 0 : i32
      %dma_start3A_410 = tpu.memref_slice %arg3[%dma_start3A_408, %dma_start3A_409] : memref<100000x128xf32, #tpu.memory_space<hbm>> -> memref<100000x128xf32, #tpu.memory_space<hbm>>
      tpu.enqueue_indirect_dma source(%dma_start3A_410 : memref<100000x128xf32, #tpu.memory_space<hbm>>) target(%dma_start3A_406 : memref<128x128xf32, #tpu.memory_space<vmem>>) offsets(%dma_start3A_407 : memref<128xi32, #tpu.memory_space<vmem>>) semaphore(%arg10 : memref<!tpu.dma_semaphore, #tpu.memory_space<semaphore_mem>>)
      %add3A_411 = arith.constant 128 : i32
      %add3A_412 = arith.addi %multiple_of3A_401, %add3A_411 : i32
      %dma_start3A_413 = arith.constant 0 : i32
      %dma_start3A_414 = arith.constant 128 : i32
      %dma_start3A_415 = arith.constant 0 : i32
      %dma_start3A_416 = tpu.memref_slice %arg7[%dma_start3A_413, %dma_start3A_414, %dma_start3A_415] : memref<2x200x128xf32, #tpu.memory_space<vmem>> -> memref<1x72x128xf32, #tpu.memory_space<vmem>>
      %dma_start3A_417 = tpu.memref_squeeze %dma_start3A_416 : memref<1x72x128xf32, #tpu.memory_space<vmem>> -> memref<72x128xf32, #tpu.memory_space<vmem>>
      %dma_start3A_418 = tpu.memref_slice %arg6[%add3A_412] : memref<25600xi32, #tpu.memory_space<vmem>> -> memref<72xi32, #tpu.memory_space<vmem>>
      %dma_start3A_419 = arith.constant 0 : i32
      %dma_start3A_420 = arith.constant 0 : i32
      %dma_start3A_421 = tpu.memref_slice %arg3[%dma_start3A_419, %dma_start3A_420] : memref<100000x128xf32, #tpu.memory_space<hbm>> -> memref<100000x128xf32, #tpu.memory_space<hbm>>
      tpu.enqueue_indirect_dma source(%dma_start3A_421 : memref<100000x128xf32, #tpu.memory_space<hbm>>) target(%dma_start3A_417 : memref<72x128xf32, #tpu.memory_space<vmem>>) offsets(%dma_start3A_418 : memref<72xi32, #tpu.memory_space<vmem>>) semaphore(%arg10 : memref<!tpu.dma_semaphore, #tpu.memory_space<semaphore_mem>>)
      %dma_wait3A_422 = arith.constant 1 : i32
      %dma_wait3A_423 = arith.constant 0 : i32
      %dma_wait3A_424 = arith.constant 0 : i32
      %dma_wait3A_425 = arith.constant 0 : i32
      %dma_wait3A_426 = tpu.memref_slice %arg8[%dma_wait3A_422, %dma_wait3A_424, %dma_wait3A_425] : memref<2x100x128xf32, #tpu.memory_space<vmem>> -> memref<1x100x128xf32, #tpu.memory_space<vmem>>
      %dma_wait3A_427 = tpu.memref_squeeze %dma_wait3A_426 : memref<1x100x128xf32, #tpu.memory_space<vmem>> -> memref<100x128xf32, #tpu.memory_space<vmem>>
      %dma_wait3A_428 = arith.constant 0 : i32
      %dma_wait3A_429 = arith.constant 0 : i32
      %dma_wait3A_430 = tpu.memref_slice %arg5[%dma_wait3A_423, %dma_wait3A_428, %dma_wait3A_429] : memref<4096x100x128xf32, #tpu.memory_space<hbm>> -> memref<1x100x128xf32, #tpu.memory_space<hbm>>
      %dma_wait3A_431 = tpu.memref_squeeze %dma_wait3A_430 : memref<1x100x128xf32, #tpu.memory_space<hbm>> -> memref<100x128xf32, #tpu.memory_space<hbm>>
      %dma_wait3A_432 = arith.constant 0 : i32
      %dma_wait3A_433 = arith.constant 0 : i32
      %dma_wait3A_434 = tpu.memref_slice %arg5[%dma_wait3A_423, %dma_wait3A_432, %dma_wait3A_433] : memref<4096x100x128xf32, #tpu.memory_space<hbm>> -> memref<1x100x128xf32, #tpu.memory_space<hbm>>
      %dma_wait3A_435 = tpu.memref_squeeze %dma_wait3A_434 : memref<1x100x128xf32, #tpu.memory_space<hbm>> -> memref<100x128xf32, #tpu.memory_space<hbm>>
      %dma_wait3A_436 = arith.constant 0 : i32
      %dma_wait3A_437 = arith.constant 0 : i32
      %dma_wait3A_438 = tpu.memref_slice %arg8[%dma_wait3A_422, %dma_wait3A_436, %dma_wait3A_437] : memref<2x100x128xf32, #tpu.memory_space<vmem>> -> memref<1x100x128xf32, #tpu.memory_space<vmem>>
      %dma_wait3A_439 = tpu.memref_squeeze %dma_wait3A_438 : memref<1x100x128xf32, #tpu.memory_space<vmem>> -> memref<100x128xf32, #tpu.memory_space<vmem>>
      tpu.wait_dma2 semaphore(%arg13 : memref<!tpu.dma_semaphore, #tpu.memory_space<semaphore_mem>>) src(%dma_wait3A_439 : memref<100x128xf32, #tpu.memory_space<vmem>>) dst(%dma_wait3A_435 : memref<100x128xf32, #tpu.memory_space<hbm>>)
      %add3A_440 = arith.constant 1 : i32
      %add3A_441 = arith.addi %mul3A_317, %add3A_440 : i32
      %dma_wait3A_442 = arith.constant 1 : i32
      %dma_wait3A_443 = arith.constant 0 : i32
      %dma_wait3A_444 = arith.constant 0 : i32
      %dma_wait3A_445 = tpu.memref_slice %arg7[%dma_wait3A_442, %dma_wait3A_443, %dma_wait3A_444] : memref<2x200x128xf32, #tpu.memory_space<vmem>> -> memref<1x200x128xf32, #tpu.memory_space<vmem>>
      %dma_wait3A_446 = tpu.memref_squeeze %dma_wait3A_445 : memref<1x200x128xf32, #tpu.memory_space<vmem>> -> memref<200x128xf32, #tpu.memory_space<vmem>>
      %dma_wait3A_447 = arith.constant 0 : i32
      %dma_wait3A_448 = arith.constant 0 : i32
      %dma_wait3A_449 = tpu.memref_slice %arg3[%dma_wait3A_447, %dma_wait3A_448] : memref<100000x128xf32, #tpu.memory_space<hbm>> -> memref<200x128xf32, #tpu.memory_space<hbm>>
      %dma_wait3A_450 = arith.constant 0 : i32
      %dma_wait3A_451 = arith.constant 0 : i32
      %dma_wait3A_452 = tpu.memref_slice %arg7[%dma_wait3A_442, %dma_wait3A_450, %dma_wait3A_451] : memref<2x200x128xf32, #tpu.memory_space<vmem>> -> memref<1x200x128xf32, #tpu.memory_space<vmem>>
      %dma_wait3A_453 = tpu.memref_squeeze %dma_wait3A_452 : memref<1x200x128xf32, #tpu.memory_space<vmem>> -> memref<200x128xf32, #tpu.memory_space<vmem>>
      %dma_wait3A_454 = arith.constant 0 : i32
      %dma_wait3A_455 = arith.constant 0 : i32
      %dma_wait3A_456 = tpu.memref_slice %arg3[%dma_wait3A_454, %dma_wait3A_455] : memref<100000x128xf32, #tpu.memory_space<hbm>> -> memref<200x128xf32, #tpu.memory_space<hbm>>
      tpu.wait_dma2 semaphore(%arg11 : memref<!tpu.dma_semaphore, #tpu.memory_space<semaphore_mem>>) src(%dma_wait3A_456 : memref<200x128xf32, #tpu.memory_space<hbm>>) dst(%dma_wait3A_453 : memref<200x128xf32, #tpu.memory_space<vmem>>)
      %parallel_loop3A_457 = arith.constant 0 : i32
      %parallel_loop3A_458 = arith.constant 100 : i32
      %parallel_loop3A_459 = arith.constant 1 : i32
      scf.for %parallel_loop3A_478 = %parallel_loop3A_457 to %parallel_loop3A_458 step %parallel_loop3A_459  : i32 {
        %parallel_loop3A_479 = arith.constant 2 : i32
        %parallel_loop3A_480 = arith.muli %parallel_loop3A_479, %parallel_loop3A_478 : i32
        %parallel_loop3A_481 = arith.constant 0 : i32
        %parallel_loop3A_482 = arith.addi %parallel_loop3A_480, %parallel_loop3A_481 : i32
        %parallel_loop3A_483 = arith.constant 1 : i32
        %parallel_loop3A_484 = arith.index_cast %parallel_loop3A_483 : i32 to index
        %parallel_loop3A_485 = arith.index_cast %parallel_loop3A_482 : i32 to index
        %parallel_loop3A_486 = arith.constant 0 : index
        %parallel_loop3A_487 = tpu.vector_load %arg7[%parallel_loop3A_484, %parallel_loop3A_485, %parallel_loop3A_486] {strides = array<i32>} : memref<2x200x128xf32, #tpu.memory_space<vmem>>, vector<1x1x16xf32>,
        %parallel_loop3A_488 = vector.shape_cast %parallel_loop3A_487 : vector<1x1x16xf32> to vector<16xf32>
        %parallel_loop3A_489 = arith.index_cast %parallel_loop3A_478 : i32 to index
        %parallel_loop3A_490 = arith.constant 0 : index
        %parallel_loop3A_491 = tpu.vector_load %arg9[%parallel_loop3A_489, %parallel_loop3A_490] {strides = array<i32>} : memref<100x128xf32, #tpu.memory_space<vmem>>, vector<1x16xf32>,
        %parallel_loop3A_492 = vector.shape_cast %parallel_loop3A_491 : vector<1x16xf32> to vector<16xf32>
        %parallel_loop3A_493 = arith.addf %parallel_loop3A_488, %parallel_loop3A_492 : vector<16xf32>
        %parallel_loop3A_494 = arith.constant 1 : i32
        %parallel_loop3A_495 = arith.index_cast %parallel_loop3A_494 : i32 to index
        %parallel_loop3A_496 = arith.index_cast %parallel_loop3A_478 : i32 to index
        %parallel_loop3A_497 = arith.constant 0 : index
        %parallel_loop3A_498 = tpu.vector_load %arg8[%parallel_loop3A_495, %parallel_loop3A_496, %parallel_loop3A_497] {strides = array<i32>} : memref<2x100x128xf32, #tpu.memory_space<vmem>>, vector<1x1x16xf32>,
        %parallel_loop3A_499 = vector.shape_cast %parallel_loop3A_498 : vector<1x1x16xf32> to vector<16xf32>
        %parallel_loop3A_500 = vector.shape_cast %parallel_loop3A_493 : vector<16xf32> to vector<1x1x16xf32>
        tpu.vector_store %arg8[%parallel_loop3A_495, %parallel_loop3A_496, %parallel_loop3A_497], %parallel_loop3A_500 {strides = array<i32>} : memref<2x100x128xf32, #tpu.memory_space<vmem>>, vector<1x1x16xf32>,
        %parallel_loop3A_501 = arith.constant 2 : i32
        %parallel_loop3A_502 = arith.muli %parallel_loop3A_501, %parallel_loop3A_478 : i32
        %parallel_loop3A_503 = arith.constant 0 : i32
        %parallel_loop3A_504 = arith.addi %parallel_loop3A_502, %parallel_loop3A_503 : i32
        %parallel_loop3A_505 = arith.constant 1 : i32
        %parallel_loop3A_506 = arith.index_cast %parallel_loop3A_505 : i32 to index
        %parallel_loop3A_507 = arith.index_cast %parallel_loop3A_504 : i32 to index
        %parallel_loop3A_508 = arith.constant 16 : index
        %parallel_loop3A_509 = tpu.vector_load %arg7[%parallel_loop3A_506, %parallel_loop3A_507, %parallel_loop3A_508] {strides = array<i32>} : memref<2x200x128xf32, #tpu.memory_space<vmem>>, vector<1x1x16xf32>,
        %parallel_loop3A_510 = vector.shape_cast %parallel_loop3A_509 : vector<1x1x16xf32> to vector<16xf32>
        %parallel_loop3A_511 = arith.index_cast %parallel_loop3A_478 : i32 to index
        %parallel_loop3A_512 = arith.constant 16 : index
        %parallel_loop3A_513 = tpu.vector_load %arg9[%parallel_loop3A_511, %parallel_loop3A_512] {strides = array<i32>} : memref<100x128xf32, #tpu.memory_space<vmem>>, vector<1x16xf32>,
        %parallel_loop3A_514 = vector.shape_cast %parallel_loop3A_513 : vector<1x16xf32> to vector<16xf32>
        %parallel_loop3A_515 = arith.addf %parallel_loop3A_510, %parallel_loop3A_514 : vector<16xf32>
        %parallel_loop3A_516 = arith.constant 1 : i32
        %parallel_loop3A_517 = arith.index_cast %parallel_loop3A_516 : i32 to index
        %parallel_loop3A_518 = arith.index_cast %parallel_loop3A_478 : i32 to index
        %parallel_loop3A_519 = arith.constant 16 : index
        %parallel_loop3A_520 = tpu.vector_load %arg8[%parallel_loop3A_517, %parallel_loop3A_518, %parallel_loop3A_519] {strides = array<i32>} : memref<2x100x128xf32, #tpu.memory_space<vmem>>, vector<1x1x16xf32>,
        %parallel_loop3A_521 = vector.shape_cast %parallel_loop3A_520 : vector<1x1x16xf32> to vector<16xf32>
        %parallel_loop3A_522 = vector.shape_cast %parallel_loop3A_515 : vector<16xf32> to vector<1x1x16xf32>
        tpu.vector_store %arg8[%parallel_loop3A_517, %parallel_loop3A_518, %parallel_loop3A_519], %parallel_loop3A_522 {strides = array<i32>} : memref<2x100x128xf32, #tpu.memory_space<vmem>>, vector<1x1x16xf32>,
        %parallel_loop3A_523 = arith.constant 2 : i32
        %parallel_loop3A_524 = arith.muli %parallel_loop3A_523, %parallel_loop3A_478 : i32
        %parallel_loop3A_525 = arith.constant 0 : i32
        %parallel_loop3A_526 = arith.addi %parallel_loop3A_524, %parallel_loop3A_525 : i32
        %parallel_loop3A_527 = arith.constant 1 : i32
        %parallel_loop3A_528 = arith.index_cast %parallel_loop3A_527 : i32 to index
        %parallel_loop3A_529 = arith.index_cast %parallel_loop3A_526 : i32 to index
        %parallel_loop3A_530 = arith.constant 32 : index
        %parallel_loop3A_531 = tpu.vector_load %arg7[%parallel_loop3A_528, %parallel_loop3A_529, %parallel_loop3A_530] {strides = array<i32>} : memref<2x200x128xf32, #tpu.memory_space<vmem>>, vector<1x1x16xf32>,
        %parallel_loop3A_532 = vector.shape_cast %parallel_loop3A_531 : vector<1x1x16xf32> to vector<16xf32>
        %parallel_loop3A_533 = arith.index_cast %parallel_loop3A_478 : i32 to index
        %parallel_loop3A_534 = arith.constant 32 : index
        %parallel_loop3A_535 = tpu.vector_load %arg9[%parallel_loop3A_533, %parallel_loop3A_534] {strides = array<i32>} : memref<100x128xf32, #tpu.memory_space<vmem>>, vector<1x16xf32>,
        %parallel_loop3A_536 = vector.shape_cast %parallel_loop3A_535 : vector<1x16xf32> to vector<16xf32>
        %parallel_loop3A_537 = arith.addf %parallel_loop3A_532, %parallel_loop3A_536 : vector<16xf32>
        %parallel_loop3A_538 = arith.constant 1 : i32
        %parallel_loop3A_539 = arith.index_cast %parallel_loop3A_538 : i32 to index
        %parallel_loop3A_540 = arith.index_cast %parallel_loop3A_478 : i32 to index
        %parallel_loop3A_541 = arith.constant 32 : index
        %parallel_loop3A_542 = tpu.vector_load %arg8[%parallel_loop3A_539, %parallel_loop3A_540, %parallel_loop3A_541] {strides = array<i32>} : memref<2x100x128xf32, #tpu.memory_space<vmem>>, vector<1x1x16xf32>,
        %parallel_loop3A_543 = vector.shape_cast %parallel_loop3A_542 : vector<1x1x16xf32> to vector<16xf32>
        %parallel_loop3A_544 = vector.shape_cast %parallel_loop3A_537 : vector<16xf32> to vector<1x1x16xf32>
        tpu.vector_store %arg8[%parallel_loop3A_539, %parallel_loop3A_540, %parallel_loop3A_541], %parallel_loop3A_544 {strides = array<i32>} : memref<2x100x128xf32, #tpu.memory_space<vmem>>, vector<1x1x16xf32>,
        %parallel_loop3A_545 = arith.constant 2 : i32
        %parallel_loop3A_546 = arith.muli %parallel_loop3A_545, %parallel_loop3A_478 : i32
        %parallel_loop3A_547 = arith.constant 0 : i32
        %parallel_loop3A_548 = arith.addi %parallel_loop3A_546, %parallel_loop3A_547 : i32
        %parallel_loop3A_549 = arith.constant 1 : i32
        %parallel_loop3A_550 = arith.index_cast %parallel_loop3A_549 : i32 to index
        %parallel_loop3A_551 = arith.index_cast %parallel_loop3A_548 : i32 to index
        %parallel_loop3A_552 = arith.constant 48 : index
        %parallel_loop3A_553 = tpu.vector_load %arg7[%parallel_loop3A_550, %parallel_loop3A_551, %parallel_loop3A_552] {strides = array<i32>} : memref<2x200x128xf32, #tpu.memory_space<vmem>>, vector<1x1x16xf32>,
        %parallel_loop3A_554 = vector.shape_cast %parallel_loop3A_553 : vector<1x1x16xf32> to vector<16xf32>
        %parallel_loop3A_555 = arith.index_cast %parallel_loop3A_478 : i32 to index
        %parallel_loop3A_556 = arith.constant 48 : index
        %parallel_loop3A_557 = tpu.vector_load %arg9[%parallel_loop3A_555, %parallel_loop3A_556] {strides = array<i32>} : memref<100x128xf32, #tpu.memory_space<vmem>>, vector<1x16xf32>,
        %parallel_loop3A_558 = vector.shape_cast %parallel_loop3A_557 : vector<1x16xf32> to vector<16xf32>
        %parallel_loop3A_559 = arith.addf %parallel_loop3A_554, %parallel_loop3A_558 : vector<16xf32>
        %parallel_loop3A_560 = arith.constant 1 : i32
        %parallel_loop3A_561 = arith.index_cast %parallel_loop3A_560 : i32 to index
        %parallel_loop3A_562 = arith.index_cast %parallel_loop3A_478 : i32 to index
        %parallel_loop3A_563 = arith.constant 48 : index
        %parallel_loop3A_564 = tpu.vector_load %arg8[%parallel_loop3A_561, %parallel_loop3A_562, %parallel_loop3A_563] {strides = array<i32>} : memref<2x100x128xf32, #tpu.memory_space<vmem>>, vector<1x1x16xf32>,
        %parallel_loop3A_565 = vector.shape_cast %parallel_loop3A_564 : vector<1x1x16xf32> to vector<16xf32>
        %parallel_loop3A_566 = vector.shape_cast %parallel_loop3A_559 : vector<16xf32> to vector<1x1x16xf32>
        tpu.vector_store %arg8[%parallel_loop3A_561, %parallel_loop3A_562, %parallel_loop3A_563], %parallel_loop3A_566 {strides = array<i32>} : memref<2x100x128xf32, #tpu.memory_space<vmem>>, vector<1x1x16xf32>,
        %parallel_loop3A_567 = arith.constant 2 : i32
        %parallel_loop3A_568 = arith.muli %parallel_loop3A_567, %parallel_loop3A_478 : i32
        %parallel_loop3A_569 = arith.constant 1 : i32
        %parallel_loop3A_570 = arith.addi %parallel_loop3A_568, %parallel_loop3A_569 : i32
        %parallel_loop3A_571 = arith.constant 1 : i32
        %parallel_loop3A_572 = arith.index_cast %parallel_loop3A_571 : i32 to index
        %parallel_loop3A_573 = arith.index_cast %parallel_loop3A_570 : i32 to index
        %parallel_loop3A_574 = arith.constant 0 : index
        %parallel_loop3A_575 = tpu.vector_load %arg7[%parallel_loop3A_572, %parallel_loop3A_573, %parallel_loop3A_574] {strides = array<i32>} : memref<2x200x128xf32, #tpu.memory_space<vmem>>, vector<1x1x16xf32>,
        %parallel_loop3A_576 = vector.shape_cast %parallel_loop3A_575 : vector<1x1x16xf32> to vector<16xf32>
        %parallel_loop3A_577 = arith.index_cast %parallel_loop3A_478 : i32 to index
        %parallel_loop3A_578 = arith.constant 64 : index
        %parallel_loop3A_579 = tpu.vector_load %arg9[%parallel_loop3A_577, %parallel_loop3A_578] {strides = array<i32>} : memref<100x128xf32, #tpu.memory_space<vmem>>, vector<1x16xf32>,
        %parallel_loop3A_580 = vector.shape_cast %parallel_loop3A_579 : vector<1x16xf32> to vector<16xf32>
        %parallel_loop3A_581 = arith.addf %parallel_loop3A_576, %parallel_loop3A_580 : vector<16xf32>
        %parallel_loop3A_582 = arith.constant 1 : i32
        %parallel_loop3A_583 = arith.index_cast %parallel_loop3A_582 : i32 to index
        %parallel_loop3A_584 = arith.index_cast %parallel_loop3A_478 : i32 to index
        %parallel_loop3A_585 = arith.constant 64 : index
        %parallel_loop3A_586 = tpu.vector_load %arg8[%parallel_loop3A_583, %parallel_loop3A_584, %parallel_loop3A_585] {strides = array<i32>} : memref<2x100x128xf32, #tpu.memory_space<vmem>>, vector<1x1x16xf32>,
        %parallel_loop3A_587 = vector.shape_cast %parallel_loop3A_586 : vector<1x1x16xf32> to vector<16xf32>
        %parallel_loop3A_588 = vector.shape_cast %parallel_loop3A_581 : vector<16xf32> to vector<1x1x16xf32>
        tpu.vector_store %arg8[%parallel_loop3A_583, %parallel_loop3A_584, %parallel_loop3A_585], %parallel_loop3A_588 {strides = array<i32>} : memref<2x100x128xf32, #tpu.memory_space<vmem>>, vector<1x1x16xf32>,
        %parallel_loop3A_589 = arith.constant 2 : i32
        %parallel_loop3A_590 = arith.muli %parallel_loop3A_589, %parallel_loop3A_478 : i32
        %parallel_loop3A_591 = arith.constant 1 : i32
        %parallel_loop3A_592 = arith.addi %parallel_loop3A_590, %parallel_loop3A_591 : i32
        %parallel_loop3A_593 = arith.constant 1 : i32
        %parallel_loop3A_594 = arith.index_cast %parallel_loop3A_593 : i32 to index
        %parallel_loop3A_595 = arith.index_cast %parallel_loop3A_592 : i32 to index
        %parallel_loop3A_596 = arith.constant 16 : index
        %parallel_loop3A_597 = tpu.vector_load %arg7[%parallel_loop3A_594, %parallel_loop3A_595, %parallel_loop3A_596] {strides = array<i32>} : memref<2x200x128xf32, #tpu.memory_space<vmem>>, vector<1x1x16xf32>,
        %parallel_loop3A_598 = vector.shape_cast %parallel_loop3A_597 : vector<1x1x16xf32> to vector<16xf32>
        %parallel_loop3A_599 = arith.index_cast %parallel_loop3A_478 : i32 to index
        %parallel_loop3A_600 = arith.constant 80 : index
        %parallel_loop3A_601 = tpu.vector_load %arg9[%parallel_loop3A_599, %parallel_loop3A_600] {strides = array<i32>} : memref<100x128xf32, #tpu.memory_space<vmem>>, vector<1x16xf32>,
        %parallel_loop3A_602 = vector.shape_cast %parallel_loop3A_601 : vector<1x16xf32> to vector<16xf32>
        %parallel_loop3A_603 = arith.addf %parallel_loop3A_598, %parallel_loop3A_602 : vector<16xf32>
        %parallel_loop3A_604 = arith.constant 1 : i32
        %parallel_loop3A_605 = arith.index_cast %parallel_loop3A_604 : i32 to index
        %parallel_loop3A_606 = arith.index_cast %parallel_loop3A_478 : i32 to index
        %parallel_loop3A_607 = arith.constant 80 : index
        %parallel_loop3A_608 = tpu.vector_load %arg8[%parallel_loop3A_605, %parallel_loop3A_606, %parallel_loop3A_607] {strides = array<i32>} : memref<2x100x128xf32, #tpu.memory_space<vmem>>, vector<1x1x16xf32>,
        %parallel_loop3A_609 = vector.shape_cast %parallel_loop3A_608 : vector<1x1x16xf32> to vector<16xf32>
        %parallel_loop3A_610 = vector.shape_cast %parallel_loop3A_603 : vector<16xf32> to vector<1x1x16xf32>
        tpu.vector_store %arg8[%parallel_loop3A_605, %parallel_loop3A_606, %parallel_loop3A_607], %parallel_loop3A_610 {strides = array<i32>} : memref<2x100x128xf32, #tpu.memory_space<vmem>>, vector<1x1x16xf32>,
        %parallel_loop3A_611 = arith.constant 2 : i32
        %parallel_loop3A_612 = arith.muli %parallel_loop3A_611, %parallel_loop3A_478 : i32
        %parallel_loop3A_613 = arith.constant 1 : i32
        %parallel_loop3A_614 = arith.addi %parallel_loop3A_612, %parallel_loop3A_613 : i32
        %parallel_loop3A_615 = arith.constant 1 : i32
        %parallel_loop3A_616 = arith.index_cast %parallel_loop3A_615 : i32 to index
        %parallel_loop3A_617 = arith.index_cast %parallel_loop3A_614 : i32 to index
        %parallel_loop3A_618 = arith.constant 32 : index
        %parallel_loop3A_619 = tpu.vector_load %arg7[%parallel_loop3A_616, %parallel_loop3A_617, %parallel_loop3A_618] {strides = array<i32>} : memref<2x200x128xf32, #tpu.memory_space<vmem>>, vector<1x1x16xf32>,
        %parallel_loop3A_620 = vector.shape_cast %parallel_loop3A_619 : vector<1x1x16xf32> to vector<16xf32>
        %parallel_loop3A_621 = arith.index_cast %parallel_loop3A_478 : i32 to index
        %parallel_loop3A_622 = arith.constant 96 : index
        %parallel_loop3A_623 = tpu.vector_load %arg9[%parallel_loop3A_621, %parallel_loop3A_622] {strides = array<i32>} : memref<100x128xf32, #tpu.memory_space<vmem>>, vector<1x16xf32>,
        %parallel_loop3A_624 = vector.shape_cast %parallel_loop3A_623 : vector<1x16xf32> to vector<16xf32>
        %parallel_loop3A_625 = arith.addf %parallel_loop3A_620, %parallel_loop3A_624 : vector<16xf32>
        %parallel_loop3A_626 = arith.constant 1 : i32
        %parallel_loop3A_627 = arith.index_cast %parallel_loop3A_626 : i32 to index
        %parallel_loop3A_628 = arith.index_cast %parallel_loop3A_478 : i32 to index
        %parallel_loop3A_629 = arith.constant 96 : index
        %parallel_loop3A_630 = tpu.vector_load %arg8[%parallel_loop3A_627, %parallel_loop3A_628, %parallel_loop3A_629] {strides = array<i32>} : memref<2x100x128xf32, #tpu.memory_space<vmem>>, vector<1x1x16xf32>,
        %parallel_loop3A_631 = vector.shape_cast %parallel_loop3A_630 : vector<1x1x16xf32> to vector<16xf32>
        %parallel_loop3A_632 = vector.shape_cast %parallel_loop3A_625 : vector<16xf32> to vector<1x1x16xf32>
        tpu.vector_store %arg8[%parallel_loop3A_627, %parallel_loop3A_628, %parallel_loop3A_629], %parallel_loop3A_632 {strides = array<i32>} : memref<2x100x128xf32, #tpu.memory_space<vmem>>, vector<1x1x16xf32>,
        %parallel_loop3A_633 = arith.constant 2 : i32
        %parallel_loop3A_634 = arith.muli %parallel_loop3A_633, %parallel_loop3A_478 : i32
        %parallel_loop3A_635 = arith.constant 1 : i32
        %parallel_loop3A_636 = arith.addi %parallel_loop3A_634, %parallel_loop3A_635 : i32
        %parallel_loop3A_637 = arith.constant 1 : i32
        %parallel_loop3A_638 = arith.index_cast %parallel_loop3A_637 : i32 to index
        %parallel_loop3A_639 = arith.index_cast %parallel_loop3A_636 : i32 to index
        %parallel_loop3A_640 = arith.constant 48 : index
        %parallel_loop3A_641 = tpu.vector_load %arg7[%parallel_loop3A_638, %parallel_loop3A_639, %parallel_loop3A_640] {strides = array<i32>} : memref<2x200x128xf32, #tpu.memory_space<vmem>>, vector<1x1x16xf32>,
        %parallel_loop3A_642 = vector.shape_cast %parallel_loop3A_641 : vector<1x1x16xf32> to vector<16xf32>
        %parallel_loop3A_643 = arith.index_cast %parallel_loop3A_478 : i32 to index
        %parallel_loop3A_644 = arith.constant 112 : index
        %parallel_loop3A_645 = tpu.vector_load %arg9[%parallel_loop3A_643, %parallel_loop3A_644] {strides = array<i32>} : memref<100x128xf32, #tpu.memory_space<vmem>>, vector<1x16xf32>,
        %parallel_loop3A_646 = vector.shape_cast %parallel_loop3A_645 : vector<1x16xf32> to vector<16xf32>
        %parallel_loop3A_647 = arith.addf %parallel_loop3A_642, %parallel_loop3A_646 : vector<16xf32>
        %parallel_loop3A_648 = arith.constant 1 : i32
        %parallel_loop3A_649 = arith.index_cast %parallel_loop3A_648 : i32 to index
        %parallel_loop3A_650 = arith.index_cast %parallel_loop3A_478 : i32 to index
        %parallel_loop3A_651 = arith.constant 112 : index
        %parallel_loop3A_652 = tpu.vector_load %arg8[%parallel_loop3A_649, %parallel_loop3A_650, %parallel_loop3A_651] {strides = array<i32>} : memref<2x100x128xf32, #tpu.memory_space<vmem>>, vector<1x1x16xf32>,
        %parallel_loop3A_653 = vector.shape_cast %parallel_loop3A_652 : vector<1x1x16xf32> to vector<16xf32>
        %parallel_loop3A_654 = vector.shape_cast %parallel_loop3A_647 : vector<16xf32> to vector<1x1x16xf32>
        tpu.vector_store %arg8[%parallel_loop3A_649, %parallel_loop3A_650, %parallel_loop3A_651], %parallel_loop3A_654 {strides = array<i32>} : memref<2x100x128xf32, #tpu.memory_space<vmem>>, vector<1x1x16xf32>,
      } {sc.loop_unroll_factor = 2 : i64, sc.parallel_access}
      %add3A_460 = arith.addi %mul3A_4, %add3A_441 : i32
      %dma_start3A_461 = arith.constant 1 : i32
      %dma_start3A_462 = arith.constant 0 : i32
      %dma_start3A_463 = arith.constant 0 : i32
      %dma_start3A_464 = tpu.memref_slice %arg8[%dma_start3A_461, %dma_start3A_462, %dma_start3A_463] : memref<2x100x128xf32, #tpu.memory_space<vmem>> -> memref<1x100x128xf32, #tpu.memory_space<vmem>>
      %dma_start3A_465 = tpu.memref_squeeze %dma_start3A_464 : memref<1x100x128xf32, #tpu.memory_space<vmem>> -> memref<100x128xf32, #tpu.memory_space<vmem>>
      %dma_start3A_466 = arith.constant 0 : i32
      %dma_start3A_467 = arith.constant 0 : i32
      %dma_start3A_468 = tpu.memref_slice %arg5[%add3A_460, %dma_start3A_466, %dma_start3A_467] : memref<4096x100x128xf32, #tpu.memory_space<hbm>> -> memref<1x100x128xf32, #tpu.memory_space<hbm>>
      %dma_start3A_469 = tpu.memref_squeeze %dma_start3A_468 : memref<1x100x128xf32, #tpu.memory_space<hbm>> -> memref<100x128xf32, #tpu.memory_space<hbm>>
      %dma_start3A_470 = arith.constant 0 : i32
      %dma_start3A_471 = arith.constant 0 : i32
      %dma_start3A_472 = tpu.memref_slice %arg5[%add3A_460, %dma_start3A_470, %dma_start3A_471] : memref<4096x100x128xf32, #tpu.memory_space<hbm>> -> memref<1x100x128xf32, #tpu.memory_space<hbm>>
      %dma_start3A_473 = tpu.memref_squeeze %dma_start3A_472 : memref<1x100x128xf32, #tpu.memory_space<hbm>> -> memref<100x128xf32, #tpu.memory_space<hbm>>
      %dma_start3A_474 = arith.constant 0 : i32
      %dma_start3A_475 = arith.constant 0 : i32
      %dma_start3A_476 = tpu.memref_slice %arg8[%dma_start3A_461, %dma_start3A_474, %dma_start3A_475] : memref<2x100x128xf32, #tpu.memory_space<vmem>> -> memref<1x100x128xf32, #tpu.memory_space<vmem>>
      %dma_start3A_477 = tpu.memref_squeeze %dma_start3A_476 : memref<1x100x128xf32, #tpu.memory_space<vmem>> -> memref<100x128xf32, #tpu.memory_space<vmem>>
      tpu.enqueue_dma source(%dma_start3A_477 : memref<100x128xf32, #tpu.memory_space<vmem>>) target(%dma_start3A_473 : memref<100x128xf32, #tpu.memory_space<hbm>>) target_semaphore(%arg13 : memref<!tpu.dma_semaphore, #tpu.memory_space<semaphore_mem>>)
    }
    %scan3A_146 = arith.constant 62 : i32
    %multiple_of3A_147 = arith.constant 25400 : i32
    %multiple_of3A_148 = tpu.assume_multiple %multiple_of3A_147, 8 : i32
    %dma_start3A_149 = arith.constant 1 : i32
    %dma_start3A_150 = arith.constant 0 : i32
    %dma_start3A_151 = arith.constant 0 : i32
    %dma_start3A_152 = tpu.memref_slice %arg7[%dma_start3A_149, %dma_start3A_150, %dma_start3A_151] : memref<2x200x128xf32, #tpu.memory_space<vmem>> -> memref<1x128x128xf32, #tpu.memory_space<vmem>>
    %dma_start3A_153 = tpu.memref_squeeze %dma_start3A_152 : memref<1x128x128xf32, #tpu.memory_space<vmem>> -> memref<128x128xf32, #tpu.memory_space<vmem>>
    %dma_start3A_154 = tpu.memref_slice %arg6[%multiple_of3A_148] : memref<25600xi32, #tpu.memory_space<vmem>> -> memref<128xi32, #tpu.memory_space<vmem>>
    %dma_start3A_155 = arith.constant 0 : i32
    %dma_start3A_156 = arith.constant 0 : i32
    %dma_start3A_157 = tpu.memref_slice %arg3[%dma_start3A_155, %dma_start3A_156] : memref<100000x128xf32, #tpu.memory_space<hbm>> -> memref<100000x128xf32, #tpu.memory_space<hbm>>
    tpu.enqueue_indirect_dma source(%dma_start3A_157 : memref<100000x128xf32, #tpu.memory_space<hbm>>) target(%dma_start3A_153 : memref<128x128xf32, #tpu.memory_space<vmem>>) offsets(%dma_start3A_154 : memref<128xi32, #tpu.memory_space<vmem>>) semaphore(%arg11 : memref<!tpu.dma_semaphore, #tpu.memory_space<semaphore_mem>>)
    %add3A_158 = arith.constant 128 : i32
    %add3A_159 = arith.addi %multiple_of3A_148, %add3A_158 : i32
    %dma_start3A_160 = arith.constant 1 : i32
    %dma_start3A_161 = arith.constant 128 : i32
    %dma_start3A_162 = arith.constant 0 : i32
    %dma_start3A_163 = tpu.memref_slice %arg7[%dma_start3A_160, %dma_start3A_161, %dma_start3A_162] : memref<2x200x128xf32, #tpu.memory_space<vmem>> -> memref<1x72x128xf32, #tpu.memory_space<vmem>>
    %dma_start3A_164 = tpu.memref_squeeze %dma_start3A_163 : memref<1x72x128xf32, #tpu.memory_space<vmem>> -> memref<72x128xf32, #tpu.memory_space<vmem>>
    %dma_start3A_165 = tpu.memref_slice %arg6[%add3A_159] : memref<25600xi32, #tpu.memory_space<vmem>> -> memref<72xi32, #tpu.memory_space<vmem>>
    %dma_start3A_166 = arith.constant 0 : i32
    %dma_start3A_167 = arith.constant 0 : i32
    %dma_start3A_168 = tpu.memref_slice %arg3[%dma_start3A_166, %dma_start3A_167] : memref<100000x128xf32, #tpu.memory_space<hbm>> -> memref<100000x128xf32, #tpu.memory_space<hbm>>
    tpu.enqueue_indirect_dma source(%dma_start3A_168 : memref<100000x128xf32, #tpu.memory_space<hbm>>) target(%dma_start3A_164 : memref<72x128xf32, #tpu.memory_space<vmem>>) offsets(%dma_start3A_165 : memref<72xi32, #tpu.memory_space<vmem>>) semaphore(%arg11 : memref<!tpu.dma_semaphore, #tpu.memory_space<semaphore_mem>>)
    %dma_wait3A_169 = arith.constant 0 : i32
    %dma_wait3A_170 = arith.constant 0 : i32
    %dma_wait3A_171 = arith.constant 0 : i32
    %dma_wait3A_172 = arith.constant 0 : i32
    %dma_wait3A_173 = tpu.memref_slice %arg8[%dma_wait3A_169, %dma_wait3A_171, %dma_wait3A_172] : memref<2x100x128xf32, #tpu.memory_space<vmem>> -> memref<1x100x128xf32, #tpu.memory_space<vmem>>
    %dma_wait3A_174 = tpu.memref_squeeze %dma_wait3A_173 : memref<1x100x128xf32, #tpu.memory_space<vmem>> -> memref<100x128xf32, #tpu.memory_space<vmem>>
    %dma_wait3A_175 = arith.constant 0 : i32
    %dma_wait3A_176 = arith.constant 0 : i32
    %dma_wait3A_177 = tpu.memref_slice %arg5[%dma_wait3A_170, %dma_wait3A_175, %dma_wait3A_176] : memref<4096x100x128xf32, #tpu.memory_space<hbm>> -> memref<1x100x128xf32, #tpu.memory_space<hbm>>
    %dma_wait3A_178 = tpu.memref_squeeze %dma_wait3A_177 : memref<1x100x128xf32, #tpu.memory_space<hbm>> -> memref<100x128xf32, #tpu.memory_space<hbm>>
    %dma_wait3A_179 = arith.constant 0 : i32
    %dma_wait3A_180 = arith.constant 0 : i32
    %dma_wait3A_181 = tpu.memref_slice %arg5[%dma_wait3A_170, %dma_wait3A_179, %dma_wait3A_180] : memref<4096x100x128xf32, #tpu.memory_space<hbm>> -> memref<1x100x128xf32, #tpu.memory_space<hbm>>
    %dma_wait3A_182 = tpu.memref_squeeze %dma_wait3A_181 : memref<1x100x128xf32, #tpu.memory_space<hbm>> -> memref<100x128xf32, #tpu.memory_space<hbm>>
    %dma_wait3A_183 = arith.constant 0 : i32
    %dma_wait3A_184 = arith.constant 0 : i32
    %dma_wait3A_185 = tpu.memref_slice %arg8[%dma_wait3A_169, %dma_wait3A_183, %dma_wait3A_184] : memref<2x100x128xf32, #tpu.memory_space<vmem>> -> memref<1x100x128xf32, #tpu.memory_space<vmem>>
    %dma_wait3A_186 = tpu.memref_squeeze %dma_wait3A_185 : memref<1x100x128xf32, #tpu.memory_space<vmem>> -> memref<100x128xf32, #tpu.memory_space<vmem>>
    tpu.wait_dma2 semaphore(%arg12 : memref<!tpu.dma_semaphore, #tpu.memory_space<semaphore_mem>>) src(%dma_wait3A_186 : memref<100x128xf32, #tpu.memory_space<vmem>>) dst(%dma_wait3A_182 : memref<100x128xf32, #tpu.memory_space<hbm>>)
    %dma_wait3A_187 = arith.constant 0 : i32
    %dma_wait3A_188 = arith.constant 0 : i32
    %dma_wait3A_189 = arith.constant 0 : i32
    %dma_wait3A_190 = tpu.memref_slice %arg7[%dma_wait3A_187, %dma_wait3A_188, %dma_wait3A_189] : memref<2x200x128xf32, #tpu.memory_space<vmem>> -> memref<1x200x128xf32, #tpu.memory_space<vmem>>
    %dma_wait3A_191 = tpu.memref_squeeze %dma_wait3A_190 : memref<1x200x128xf32, #tpu.memory_space<vmem>> -> memref<200x128xf32, #tpu.memory_space<vmem>>
    %dma_wait3A_192 = arith.constant 0 : i32
    %dma_wait3A_193 = arith.constant 0 : i32
    %dma_wait3A_194 = tpu.memref_slice %arg3[%dma_wait3A_192, %dma_wait3A_193] : memref<100000x128xf32, #tpu.memory_space<hbm>> -> memref<200x128xf32, #tpu.memory_space<hbm>>
    %dma_wait3A_195 = arith.constant 0 : i32
    %dma_wait3A_196 = arith.constant 0 : i32
    %dma_wait3A_197 = tpu.memref_slice %arg7[%dma_wait3A_187, %dma_wait3A_195, %dma_wait3A_196] : memref<2x200x128xf32, #tpu.memory_space<vmem>> -> memref<1x200x128xf32, #tpu.memory_space<vmem>>
    %dma_wait3A_198 = tpu.memref_squeeze %dma_wait3A_197 : memref<1x200x128xf32, #tpu.memory_space<vmem>> -> memref<200x128xf32, #tpu.memory_space<vmem>>
    %dma_wait3A_199 = arith.constant 0 : i32
    %dma_wait3A_200 = arith.constant 0 : i32
    %dma_wait3A_201 = tpu.memref_slice %arg3[%dma_wait3A_199, %dma_wait3A_200] : memref<100000x128xf32, #tpu.memory_space<hbm>> -> memref<200x128xf32, #tpu.memory_space<hbm>>
    tpu.wait_dma2 semaphore(%arg10 : memref<!tpu.dma_semaphore, #tpu.memory_space<semaphore_mem>>) src(%dma_wait3A_201 : memref<200x128xf32, #tpu.memory_space<hbm>>) dst(%dma_wait3A_198 : memref<200x128xf32, #tpu.memory_space<vmem>>)
    %parallel_loop3A_202 = arith.constant 0 : i32
    %parallel_loop3A_203 = arith.constant 100 : i32
    %parallel_loop3A_204 = arith.constant 1 : i32
    scf.for %parallel_loop3A_315 = %parallel_loop3A_202 to %parallel_loop3A_203 step %parallel_loop3A_204  : i32 {
      %parallel_loop3A_316 = arith.constant 2 : i32
      %parallel_loop3A_317 = arith.muli %parallel_loop3A_316, %parallel_loop3A_315 : i32
      %parallel_loop3A_318 = arith.constant 0 : i32
      %parallel_loop3A_319 = arith.addi %parallel_loop3A_317, %parallel_loop3A_318 : i32
      %parallel_loop3A_320 = arith.constant 0 : i32
      %parallel_loop3A_321 = arith.index_cast %parallel_loop3A_320 : i32 to index
      %parallel_loop3A_322 = arith.index_cast %parallel_loop3A_319 : i32 to index
      %parallel_loop3A_323 = arith.constant 0 : index
      %parallel_loop3A_324 = tpu.vector_load %arg7[%parallel_loop3A_321, %parallel_loop3A_322, %parallel_loop3A_323] {strides = array<i32>} : memref<2x200x128xf32, #tpu.memory_space<vmem>>, vector<1x1x16xf32>,
      %parallel_loop3A_325 = vector.shape_cast %parallel_loop3A_324 : vector<1x1x16xf32> to vector<16xf32>
      %parallel_loop3A_326 = arith.index_cast %parallel_loop3A_315 : i32 to index
      %parallel_loop3A_327 = arith.constant 0 : index
      %parallel_loop3A_328 = tpu.vector_load %arg9[%parallel_loop3A_326, %parallel_loop3A_327] {strides = array<i32>} : memref<100x128xf32, #tpu.memory_space<vmem>>, vector<1x16xf32>,
      %parallel_loop3A_329 = vector.shape_cast %parallel_loop3A_328 : vector<1x16xf32> to vector<16xf32>
      %parallel_loop3A_330 = arith.addf %parallel_loop3A_325, %parallel_loop3A_329 : vector<16xf32>
      %parallel_loop3A_331 = arith.constant 0 : i32
      %parallel_loop3A_332 = arith.index_cast %parallel_loop3A_331 : i32 to index
      %parallel_loop3A_333 = arith.index_cast %parallel_loop3A_315 : i32 to index
      %parallel_loop3A_334 = arith.constant 0 : index
      %parallel_loop3A_335 = tpu.vector_load %arg8[%parallel_loop3A_332, %parallel_loop3A_333, %parallel_loop3A_334] {strides = array<i32>} : memref<2x100x128xf32, #tpu.memory_space<vmem>>, vector<1x1x16xf32>,
      %parallel_loop3A_336 = vector.shape_cast %parallel_loop3A_335 : vector<1x1x16xf32> to vector<16xf32>
      %parallel_loop3A_337 = vector.shape_cast %parallel_loop3A_330 : vector<16xf32> to vector<1x1x16xf32>
      tpu.vector_store %arg8[%parallel_loop3A_332, %parallel_loop3A_333, %parallel_loop3A_334], %parallel_loop3A_337 {strides = array<i32>} : memref<2x100x128xf32, #tpu.memory_space<vmem>>, vector<1x1x16xf32>,
      %parallel_loop3A_338 = arith.constant 2 : i32
      %parallel_loop3A_339 = arith.muli %parallel_loop3A_338, %parallel_loop3A_315 : i32
      %parallel_loop3A_340 = arith.constant 0 : i32
      %parallel_loop3A_341 = arith.addi %parallel_loop3A_339, %parallel_loop3A_340 : i32
      %parallel_loop3A_342 = arith.constant 0 : i32
      %parallel_loop3A_343 = arith.index_cast %parallel_loop3A_342 : i32 to index
      %parallel_loop3A_344 = arith.index_cast %parallel_loop3A_341 : i32 to index
      %parallel_loop3A_345 = arith.constant 16 : index
      %parallel_loop3A_346 = tpu.vector_load %arg7[%parallel_loop3A_343, %parallel_loop3A_344, %parallel_loop3A_345] {strides = array<i32>} : memref<2x200x128xf32, #tpu.memory_space<vmem>>, vector<1x1x16xf32>,
      %parallel_loop3A_347 = vector.shape_cast %parallel_loop3A_346 : vector<1x1x16xf32> to vector<16xf32>
      %parallel_loop3A_348 = arith.index_cast %parallel_loop3A_315 : i32 to index
      %parallel_loop3A_349 = arith.constant 16 : index
      %parallel_loop3A_350 = tpu.vector_load %arg9[%parallel_loop3A_348, %parallel_loop3A_349] {strides = array<i32>} : memref<100x128xf32, #tpu.memory_space<vmem>>, vector<1x16xf32>,
      %parallel_loop3A_351 = vector.shape_cast %parallel_loop3A_350 : vector<1x16xf32> to vector<16xf32>
      %parallel_loop3A_352 = arith.addf %parallel_loop3A_347, %parallel_loop3A_351 : vector<16xf32>
      %parallel_loop3A_353 = arith.constant 0 : i32
      %parallel_loop3A_354 = arith.index_cast %parallel_loop3A_353 : i32 to index
      %parallel_loop3A_355 = arith.index_cast %parallel_loop3A_315 : i32 to index
      %parallel_loop3A_356 = arith.constant 16 : index
      %parallel_loop3A_357 = tpu.vector_load %arg8[%parallel_loop3A_354, %parallel_loop3A_355, %parallel_loop3A_356] {strides = array<i32>} : memref<2x100x128xf32, #tpu.memory_space<vmem>>, vector<1x1x16xf32>,
      %parallel_loop3A_358 = vector.shape_cast %parallel_loop3A_357 : vector<1x1x16xf32> to vector<16xf32>
      %parallel_loop3A_359 = vector.shape_cast %parallel_loop3A_352 : vector<16xf32> to vector<1x1x16xf32>
      tpu.vector_store %arg8[%parallel_loop3A_354, %parallel_loop3A_355, %parallel_loop3A_356], %parallel_loop3A_359 {strides = array<i32>} : memref<2x100x128xf32, #tpu.memory_space<vmem>>, vector<1x1x16xf32>,
      %parallel_loop3A_360 = arith.constant 2 : i32
      %parallel_loop3A_361 = arith.muli %parallel_loop3A_360, %parallel_loop3A_315 : i32
      %parallel_loop3A_362 = arith.constant 0 : i32
      %parallel_loop3A_363 = arith.addi %parallel_loop3A_361, %parallel_loop3A_362 : i32
      %parallel_loop3A_364 = arith.constant 0 : i32
      %parallel_loop3A_365 = arith.index_cast %parallel_loop3A_364 : i32 to index
      %parallel_loop3A_366 = arith.index_cast %parallel_loop3A_363 : i32 to index
      %parallel_loop3A_367 = arith.constant 32 : index
      %parallel_loop3A_368 = tpu.vector_load %arg7[%parallel_loop3A_365, %parallel_loop3A_366, %parallel_loop3A_367] {strides = array<i32>} : memref<2x200x128xf32, #tpu.memory_space<vmem>>, vector<1x1x16xf32>,
      %parallel_loop3A_369 = vector.shape_cast %parallel_loop3A_368 : vector<1x1x16xf32> to vector<16xf32>
      %parallel_loop3A_370 = arith.index_cast %parallel_loop3A_315 : i32 to index
      %parallel_loop3A_371 = arith.constant 32 : index
      %parallel_loop3A_372 = tpu.vector_load %arg9[%parallel_loop3A_370, %parallel_loop3A_371] {strides = array<i32>} : memref<100x128xf32, #tpu.memory_space<vmem>>, vector<1x16xf32>,
      %parallel_loop3A_373 = vector.shape_cast %parallel_loop3A_372 : vector<1x16xf32> to vector<16xf32>
      %parallel_loop3A_374 = arith.addf %parallel_loop3A_369, %parallel_loop3A_373 : vector<16xf32>
      %parallel_loop3A_375 = arith.constant 0 : i32
      %parallel_loop3A_376 = arith.index_cast %parallel_loop3A_375 : i32 to index
      %parallel_loop3A_377 = arith.index_cast %parallel_loop3A_315 : i32 to index
      %parallel_loop3A_378 = arith.constant 32 : index
      %parallel_loop3A_379 = tpu.vector_load %arg8[%parallel_loop3A_376, %parallel_loop3A_377, %parallel_loop3A_378] {strides = array<i32>} : memref<2x100x128xf32, #tpu.memory_space<vmem>>, vector<1x1x16xf32>,
      %parallel_loop3A_380 = vector.shape_cast %parallel_loop3A_379 : vector<1x1x16xf32> to vector<16xf32>
      %parallel_loop3A_381 = vector.shape_cast %parallel_loop3A_374 : vector<16xf32> to vector<1x1x16xf32>
      tpu.vector_store %arg8[%parallel_loop3A_376, %parallel_loop3A_377, %parallel_loop3A_378], %parallel_loop3A_381 {strides = array<i32>} : memref<2x100x128xf32, #tpu.memory_space<vmem>>, vector<1x1x16xf32>,
      %parallel_loop3A_382 = arith.constant 2 : i32
      %parallel_loop3A_383 = arith.muli %parallel_loop3A_382, %parallel_loop3A_315 : i32
      %parallel_loop3A_384 = arith.constant 0 : i32
      %parallel_loop3A_385 = arith.addi %parallel_loop3A_383, %parallel_loop3A_384 : i32
      %parallel_loop3A_386 = arith.constant 0 : i32
      %parallel_loop3A_387 = arith.index_cast %parallel_loop3A_386 : i32 to index
      %parallel_loop3A_388 = arith.index_cast %parallel_loop3A_385 : i32 to index
      %parallel_loop3A_389 = arith.constant 48 : index
      %parallel_loop3A_390 = tpu.vector_load %arg7[%parallel_loop3A_387, %parallel_loop3A_388, %parallel_loop3A_389] {strides = array<i32>} : memref<2x200x128xf32, #tpu.memory_space<vmem>>, vector<1x1x16xf32>,
      %parallel_loop3A_391 = vector.shape_cast %parallel_loop3A_390 : vector<1x1x16xf32> to vector<16xf32>
      %parallel_loop3A_392 = arith.index_cast %parallel_loop3A_315 : i32 to index
      %parallel_loop3A_393 = arith.constant 48 : index
      %parallel_loop3A_394 = tpu.vector_load %arg9[%parallel_loop3A_392, %parallel_loop3A_393] {strides = array<i32>} : memref<100x128xf32, #tpu.memory_space<vmem>>, vector<1x16xf32>,
      %parallel_loop3A_395 = vector.shape_cast %parallel_loop3A_394 : vector<1x16xf32> to vector<16xf32>
      %parallel_loop3A_396 = arith.addf %parallel_loop3A_391, %parallel_loop3A_395 : vector<16xf32>
      %parallel_loop3A_397 = arith.constant 0 : i32
      %parallel_loop3A_398 = arith.index_cast %parallel_loop3A_397 : i32 to index
      %parallel_loop3A_399 = arith.index_cast %parallel_loop3A_315 : i32 to index
      %parallel_loop3A_400 = arith.constant 48 : index
      %parallel_loop3A_401 = tpu.vector_load %arg8[%parallel_loop3A_398, %parallel_loop3A_399, %parallel_loop3A_400] {strides = array<i32>} : memref<2x100x128xf32, #tpu.memory_space<vmem>>, vector<1x1x16xf32>,
      %parallel_loop3A_402 = vector.shape_cast %parallel_loop3A_401 : vector<1x1x16xf32> to vector<16xf32>
      %parallel_loop3A_403 = vector.shape_cast %parallel_loop3A_396 : vector<16xf32> to vector<1x1x16xf32>
      tpu.vector_store %arg8[%parallel_loop3A_398, %parallel_loop3A_399, %parallel_loop3A_400], %parallel_loop3A_403 {strides = array<i32>} : memref<2x100x128xf32, #tpu.memory_space<vmem>>, vector<1x1x16xf32>,
      %parallel_loop3A_404 = arith.constant 2 : i32
      %parallel_loop3A_405 = arith.muli %parallel_loop3A_404, %parallel_loop3A_315 : i32
      %parallel_loop3A_406 = arith.constant 1 : i32
      %parallel_loop3A_407 = arith.addi %parallel_loop3A_405, %parallel_loop3A_406 : i32
      %parallel_loop3A_408 = arith.constant 0 : i32
      %parallel_loop3A_409 = arith.index_cast %parallel_loop3A_408 : i32 to index
      %parallel_loop3A_410 = arith.index_cast %parallel_loop3A_407 : i32 to index
      %parallel_loop3A_411 = arith.constant 0 : index
      %parallel_loop3A_412 = tpu.vector_load %arg7[%parallel_loop3A_409, %parallel_loop3A_410, %parallel_loop3A_411] {strides = array<i32>} : memref<2x200x128xf32, #tpu.memory_space<vmem>>, vector<1x1x16xf32>,
      %parallel_loop3A_413 = vector.shape_cast %parallel_loop3A_412 : vector<1x1x16xf32> to vector<16xf32>
      %parallel_loop3A_414 = arith.index_cast %parallel_loop3A_315 : i32 to index
      %parallel_loop3A_415 = arith.constant 64 : index
      %parallel_loop3A_416 = tpu.vector_load %arg9[%parallel_loop3A_414, %parallel_loop3A_415] {strides = array<i32>} : memref<100x128xf32, #tpu.memory_space<vmem>>, vector<1x16xf32>,
      %parallel_loop3A_417 = vector.shape_cast %parallel_loop3A_416 : vector<1x16xf32> to vector<16xf32>
      %parallel_loop3A_418 = arith.addf %parallel_loop3A_413, %parallel_loop3A_417 : vector<16xf32>
      %parallel_loop3A_419 = arith.constant 0 : i32
      %parallel_loop3A_420 = arith.index_cast %parallel_loop3A_419 : i32 to index
      %parallel_loop3A_421 = arith.index_cast %parallel_loop3A_315 : i32 to index
      %parallel_loop3A_422 = arith.constant 64 : index
      %parallel_loop3A_423 = tpu.vector_load %arg8[%parallel_loop3A_420, %parallel_loop3A_421, %parallel_loop3A_422] {strides = array<i32>} : memref<2x100x128xf32, #tpu.memory_space<vmem>>, vector<1x1x16xf32>,
      %parallel_loop3A_424 = vector.shape_cast %parallel_loop3A_423 : vector<1x1x16xf32> to vector<16xf32>
      %parallel_loop3A_425 = vector.shape_cast %parallel_loop3A_418 : vector<16xf32> to vector<1x1x16xf32>
      tpu.vector_store %arg8[%parallel_loop3A_420, %parallel_loop3A_421, %parallel_loop3A_422], %parallel_loop3A_425 {strides = array<i32>} : memref<2x100x128xf32, #tpu.memory_space<vmem>>, vector<1x1x16xf32>,
      %parallel_loop3A_426 = arith.constant 2 : i32
      %parallel_loop3A_427 = arith.muli %parallel_loop3A_426, %parallel_loop3A_315 : i32
      %parallel_loop3A_428 = arith.constant 1 : i32
      %parallel_loop3A_429 = arith.addi %parallel_loop3A_427, %parallel_loop3A_428 : i32
      %parallel_loop3A_430 = arith.constant 0 : i32
      %parallel_loop3A_431 = arith.index_cast %parallel_loop3A_430 : i32 to index
      %parallel_loop3A_432 = arith.index_cast %parallel_loop3A_429 : i32 to index
      %parallel_loop3A_433 = arith.constant 16 : index
      %parallel_loop3A_434 = tpu.vector_load %arg7[%parallel_loop3A_431, %parallel_loop3A_432, %parallel_loop3A_433] {strides = array<i32>} : memref<2x200x128xf32, #tpu.memory_space<vmem>>, vector<1x1x16xf32>,
      %parallel_loop3A_435 = vector.shape_cast %parallel_loop3A_434 : vector<1x1x16xf32> to vector<16xf32>
      %parallel_loop3A_436 = arith.index_cast %parallel_loop3A_315 : i32 to index
      %parallel_loop3A_437 = arith.constant 80 : index
      %parallel_loop3A_438 = tpu.vector_load %arg9[%parallel_loop3A_436, %parallel_loop3A_437] {strides = array<i32>} : memref<100x128xf32, #tpu.memory_space<vmem>>, vector<1x16xf32>,
      %parallel_loop3A_439 = vector.shape_cast %parallel_loop3A_438 : vector<1x16xf32> to vector<16xf32>
      %parallel_loop3A_440 = arith.addf %parallel_loop3A_435, %parallel_loop3A_439 : vector<16xf32>
      %parallel_loop3A_441 = arith.constant 0 : i32
      %parallel_loop3A_442 = arith.index_cast %parallel_loop3A_441 : i32 to index
      %parallel_loop3A_443 = arith.index_cast %parallel_loop3A_315 : i32 to index
      %parallel_loop3A_444 = arith.constant 80 : index
      %parallel_loop3A_445 = tpu.vector_load %arg8[%parallel_loop3A_442, %parallel_loop3A_443, %parallel_loop3A_444] {strides = array<i32>} : memref<2x100x128xf32, #tpu.memory_space<vmem>>, vector<1x1x16xf32>,
      %parallel_loop3A_446 = vector.shape_cast %parallel_loop3A_445 : vector<1x1x16xf32> to vector<16xf32>
      %parallel_loop3A_447 = vector.shape_cast %parallel_loop3A_440 : vector<16xf32> to vector<1x1x16xf32>
      tpu.vector_store %arg8[%parallel_loop3A_442, %parallel_loop3A_443, %parallel_loop3A_444], %parallel_loop3A_447 {strides = array<i32>} : memref<2x100x128xf32, #tpu.memory_space<vmem>>, vector<1x1x16xf32>,
      %parallel_loop3A_448 = arith.constant 2 : i32
      %parallel_loop3A_449 = arith.muli %parallel_loop3A_448, %parallel_loop3A_315 : i32
      %parallel_loop3A_450 = arith.constant 1 : i32
      %parallel_loop3A_451 = arith.addi %parallel_loop3A_449, %parallel_loop3A_450 : i32
      %parallel_loop3A_452 = arith.constant 0 : i32
      %parallel_loop3A_453 = arith.index_cast %parallel_loop3A_452 : i32 to index
      %parallel_loop3A_454 = arith.index_cast %parallel_loop3A_451 : i32 to index
      %parallel_loop3A_455 = arith.constant 32 : index
      %parallel_loop3A_456 = tpu.vector_load %arg7[%parallel_loop3A_453, %parallel_loop3A_454, %parallel_loop3A_455] {strides = array<i32>} : memref<2x200x128xf32, #tpu.memory_space<vmem>>, vector<1x1x16xf32>,
      %parallel_loop3A_457 = vector.shape_cast %parallel_loop3A_456 : vector<1x1x16xf32> to vector<16xf32>
      %parallel_loop3A_458 = arith.index_cast %parallel_loop3A_315 : i32 to index
      %parallel_loop3A_459 = arith.constant 96 : index
      %parallel_loop3A_460 = tpu.vector_load %arg9[%parallel_loop3A_458, %parallel_loop3A_459] {strides = array<i32>} : memref<100x128xf32, #tpu.memory_space<vmem>>, vector<1x16xf32>,
      %parallel_loop3A_461 = vector.shape_cast %parallel_loop3A_460 : vector<1x16xf32> to vector<16xf32>
      %parallel_loop3A_462 = arith.addf %parallel_loop3A_457, %parallel_loop3A_461 : vector<16xf32>
      %parallel_loop3A_463 = arith.constant 0 : i32
      %parallel_loop3A_464 = arith.index_cast %parallel_loop3A_463 : i32 to index
      %parallel_loop3A_465 = arith.index_cast %parallel_loop3A_315 : i32 to index
      %parallel_loop3A_466 = arith.constant 96 : index
      %parallel_loop3A_467 = tpu.vector_load %arg8[%parallel_loop3A_464, %parallel_loop3A_465, %parallel_loop3A_466] {strides = array<i32>} : memref<2x100x128xf32, #tpu.memory_space<vmem>>, vector<1x1x16xf32>,
      %parallel_loop3A_468 = vector.shape_cast %parallel_loop3A_467 : vector<1x1x16xf32> to vector<16xf32>
      %parallel_loop3A_469 = vector.shape_cast %parallel_loop3A_462 : vector<16xf32> to vector<1x1x16xf32>
      tpu.vector_store %arg8[%parallel_loop3A_464, %parallel_loop3A_465, %parallel_loop3A_466], %parallel_loop3A_469 {strides = array<i32>} : memref<2x100x128xf32, #tpu.memory_space<vmem>>, vector<1x1x16xf32>,
      %parallel_loop3A_470 = arith.constant 2 : i32
      %parallel_loop3A_471 = arith.muli %parallel_loop3A_470, %parallel_loop3A_315 : i32
      %parallel_loop3A_472 = arith.constant 1 : i32
      %parallel_loop3A_473 = arith.addi %parallel_loop3A_471, %parallel_loop3A_472 : i32
      %parallel_loop3A_474 = arith.constant 0 : i32
      %parallel_loop3A_475 = arith.index_cast %parallel_loop3A_474 : i32 to index
      %parallel_loop3A_476 = arith.index_cast %parallel_loop3A_473 : i32 to index
      %parallel_loop3A_477 = arith.constant 48 : index
      %parallel_loop3A_478 = tpu.vector_load %arg7[%parallel_loop3A_475, %parallel_loop3A_476, %parallel_loop3A_477] {strides = array<i32>} : memref<2x200x128xf32, #tpu.memory_space<vmem>>, vector<1x1x16xf32>,
      %parallel_loop3A_479 = vector.shape_cast %parallel_loop3A_478 : vector<1x1x16xf32> to vector<16xf32>
      %parallel_loop3A_480 = arith.index_cast %parallel_loop3A_315 : i32 to index
      %parallel_loop3A_481 = arith.constant 112 : index
      %parallel_loop3A_482 = tpu.vector_load %arg9[%parallel_loop3A_480, %parallel_loop3A_481] {strides = array<i32>} : memref<100x128xf32, #tpu.memory_space<vmem>>, vector<1x16xf32>,
      %parallel_loop3A_483 = vector.shape_cast %parallel_loop3A_482 : vector<1x16xf32> to vector<16xf32>
      %parallel_loop3A_484 = arith.addf %parallel_loop3A_479, %parallel_loop3A_483 : vector<16xf32>
      %parallel_loop3A_485 = arith.constant 0 : i32
      %parallel_loop3A_486 = arith.index_cast %parallel_loop3A_485 : i32 to index
      %parallel_loop3A_487 = arith.index_cast %parallel_loop3A_315 : i32 to index
      %parallel_loop3A_488 = arith.constant 112 : index
      %parallel_loop3A_489 = tpu.vector_load %arg8[%parallel_loop3A_486, %parallel_loop3A_487, %parallel_loop3A_488] {strides = array<i32>} : memref<2x100x128xf32, #tpu.memory_space<vmem>>, vector<1x1x16xf32>,
      %parallel_loop3A_490 = vector.shape_cast %parallel_loop3A_489 : vector<1x1x16xf32> to vector<16xf32>
      %parallel_loop3A_491 = vector.shape_cast %parallel_loop3A_484 : vector<16xf32> to vector<1x1x16xf32>
      tpu.vector_store %arg8[%parallel_loop3A_486, %parallel_loop3A_487, %parallel_loop3A_488], %parallel_loop3A_491 {strides = array<i32>} : memref<2x100x128xf32, #tpu.memory_space<vmem>>, vector<1x1x16xf32>,
    } {sc.loop_unroll_factor = 2 : i64, sc.parallel_access}
    %add3A_205 = arith.constant 126 : i32
    %add3A_206 = arith.addi %mul3A_4, %add3A_205 : i32
    %dma_start3A_207 = arith.constant 0 : i32
    %dma_start3A_208 = arith.constant 0 : i32
    %dma_start3A_209 = arith.constant 0 : i32
    %dma_start3A_210 = tpu.memref_slice %arg8[%dma_start3A_207, %dma_start3A_208, %dma_start3A_209] : memref<2x100x128xf32, #tpu.memory_space<vmem>> -> memref<1x100x128xf32, #tpu.memory_space<vmem>>
    %dma_start3A_211 = tpu.memref_squeeze %dma_start3A_210 : memref<1x100x128xf32, #tpu.memory_space<vmem>> -> memref<100x128xf32, #tpu.memory_space<vmem>>
    %dma_start3A_212 = arith.constant 0 : i32
    %dma_start3A_213 = arith.constant 0 : i32
    %dma_start3A_214 = tpu.memref_slice %arg5[%add3A_206, %dma_start3A_212, %dma_start3A_213] : memref<4096x100x128xf32, #tpu.memory_space<hbm>> -> memref<1x100x128xf32, #tpu.memory_space<hbm>>
    %dma_start3A_215 = tpu.memref_squeeze %dma_start3A_214 : memref<1x100x128xf32, #tpu.memory_space<hbm>> -> memref<100x128xf32, #tpu.memory_space<hbm>>
    %dma_start3A_216 = arith.constant 0 : i32
    %dma_start3A_217 = arith.constant 0 : i32
    %dma_start3A_218 = tpu.memref_slice %arg5[%add3A_206, %dma_start3A_216, %dma_start3A_217] : memref<4096x100x128xf32, #tpu.memory_space<hbm>> -> memref<1x100x128xf32, #tpu.memory_space<hbm>>
    %dma_start3A_219 = tpu.memref_squeeze %dma_start3A_218 : memref<1x100x128xf32, #tpu.memory_space<hbm>> -> memref<100x128xf32, #tpu.memory_space<hbm>>
    %dma_start3A_220 = arith.constant 0 : i32
    %dma_start3A_221 = arith.constant 0 : i32
    %dma_start3A_222 = tpu.memref_slice %arg8[%dma_start3A_207, %dma_start3A_220, %dma_start3A_221] : memref<2x100x128xf32, #tpu.memory_space<vmem>> -> memref<1x100x128xf32, #tpu.memory_space<vmem>>
    %dma_start3A_223 = tpu.memref_squeeze %dma_start3A_222 : memref<1x100x128xf32, #tpu.memory_space<vmem>> -> memref<100x128xf32, #tpu.memory_space<vmem>>
    tpu.enqueue_dma source(%dma_start3A_223 : memref<100x128xf32, #tpu.memory_space<vmem>>) target(%dma_start3A_219 : memref<100x128xf32, #tpu.memory_space<hbm>>) target_semaphore(%arg12 : memref<!tpu.dma_semaphore, #tpu.memory_space<semaphore_mem>>)
    %dma_wait3A_224 = arith.constant 1 : i32
    %dma_wait3A_225 = arith.constant 0 : i32
    %dma_wait3A_226 = arith.constant 0 : i32
    %dma_wait3A_227 = arith.constant 0 : i32
    %dma_wait3A_228 = tpu.memref_slice %arg8[%dma_wait3A_224, %dma_wait3A_226, %dma_wait3A_227] : memref<2x100x128xf32, #tpu.memory_space<vmem>> -> memref<1x100x128xf32, #tpu.memory_space<vmem>>
    %dma_wait3A_229 = tpu.memref_squeeze %dma_wait3A_228 : memref<1x100x128xf32, #tpu.memory_space<vmem>> -> memref<100x128xf32, #tpu.memory_space<vmem>>
    %dma_wait3A_230 = arith.constant 0 : i32
    %dma_wait3A_231 = arith.constant 0 : i32
    %dma_wait3A_232 = tpu.memref_slice %arg5[%dma_wait3A_225, %dma_wait3A_230, %dma_wait3A_231] : memref<4096x100x128xf32, #tpu.memory_space<hbm>> -> memref<1x100x128xf32, #tpu.memory_space<hbm>>
    %dma_wait3A_233 = tpu.memref_squeeze %dma_wait3A_232 : memref<1x100x128xf32, #tpu.memory_space<hbm>> -> memref<100x128xf32, #tpu.memory_space<hbm>>
    %dma_wait3A_234 = arith.constant 0 : i32
    %dma_wait3A_235 = arith.constant 0 : i32
    %dma_wait3A_236 = tpu.memref_slice %arg5[%dma_wait3A_225, %dma_wait3A_234, %dma_wait3A_235] : memref<4096x100x128xf32, #tpu.memory_space<hbm>> -> memref<1x100x128xf32, #tpu.memory_space<hbm>>
    %dma_wait3A_237 = tpu.memref_squeeze %dma_wait3A_236 : memref<1x100x128xf32, #tpu.memory_space<hbm>> -> memref<100x128xf32, #tpu.memory_space<hbm>>
    %dma_wait3A_238 = arith.constant 0 : i32
    %dma_wait3A_239 = arith.constant 0 : i32
    %dma_wait3A_240 = tpu.memref_slice %arg8[%dma_wait3A_224, %dma_wait3A_238, %dma_wait3A_239] : memref<2x100x128xf32, #tpu.memory_space<vmem>> -> memref<1x100x128xf32, #tpu.memory_space<vmem>>
    %dma_wait3A_241 = tpu.memref_squeeze %dma_wait3A_240 : memref<1x100x128xf32, #tpu.memory_space<vmem>> -> memref<100x128xf32, #tpu.memory_space<vmem>>
    tpu.wait_dma2 semaphore(%arg13 : memref<!tpu.dma_semaphore, #tpu.memory_space<semaphore_mem>>) src(%dma_wait3A_241 : memref<100x128xf32, #tpu.memory_space<vmem>>) dst(%dma_wait3A_237 : memref<100x128xf32, #tpu.memory_space<hbm>>)
    %dma_wait3A_242 = arith.constant 1 : i32
    %dma_wait3A_243 = arith.constant 0 : i32
    %dma_wait3A_244 = arith.constant 0 : i32
    %dma_wait3A_245 = tpu.memref_slice %arg7[%dma_wait3A_242, %dma_wait3A_243, %dma_wait3A_244] : memref<2x200x128xf32, #tpu.memory_space<vmem>> -> memref<1x200x128xf32, #tpu.memory_space<vmem>>
    %dma_wait3A_246 = tpu.memref_squeeze %dma_wait3A_245 : memref<1x200x128xf32, #tpu.memory_space<vmem>> -> memref<200x128xf32, #tpu.memory_space<vmem>>
    %dma_wait3A_247 = arith.constant 0 : i32
    %dma_wait3A_248 = arith.constant 0 : i32
    %dma_wait3A_249 = tpu.memref_slice %arg3[%dma_wait3A_247, %dma_wait3A_248] : memref<100000x128xf32, #tpu.memory_space<hbm>> -> memref<200x128xf32, #tpu.memory_space<hbm>>
    %dma_wait3A_250 = arith.constant 0 : i32
    %dma_wait3A_251 = arith.constant 0 : i32
    %dma_wait3A_252 = tpu.memref_slice %arg7[%dma_wait3A_242, %dma_wait3A_250, %dma_wait3A_251] : memref<2x200x128xf32, #tpu.memory_space<vmem>> -> memref<1x200x128xf32, #tpu.memory_space<vmem>>
    %dma_wait3A_253 = tpu.memref_squeeze %dma_wait3A_252 : memref<1x200x128xf32, #tpu.memory_space<vmem>> -> memref<200x128xf32, #tpu.memory_space<vmem>>
    %dma_wait3A_254 = arith.constant 0 : i32
    %dma_wait3A_255 = arith.constant 0 : i32
    %dma_wait3A_256 = tpu.memref_slice %arg3[%dma_wait3A_254, %dma_wait3A_255] : memref<100000x128xf32, #tpu.memory_space<hbm>> -> memref<200x128xf32, #tpu.memory_space<hbm>>
    tpu.wait_dma2 semaphore(%arg11 : memref<!tpu.dma_semaphore, #tpu.memory_space<semaphore_mem>>) src(%dma_wait3A_256 : memref<200x128xf32, #tpu.memory_space<hbm>>) dst(%dma_wait3A_253 : memref<200x128xf32, #tpu.memory_space<vmem>>)
    %parallel_loop3A_257 = arith.constant 0 : i32
    %parallel_loop3A_258 = arith.constant 100 : i32
    %parallel_loop3A_259 = arith.constant 1 : i32
    scf.for %parallel_loop3A_315 = %parallel_loop3A_257 to %parallel_loop3A_258 step %parallel_loop3A_259  : i32 {
      %parallel_loop3A_316 = arith.constant 2 : i32
      %parallel_loop3A_317 = arith.muli %parallel_loop3A_316, %parallel_loop3A_315 : i32
      %parallel_loop3A_318 = arith.constant 0 : i32
      %parallel_loop3A_319 = arith.addi %parallel_loop3A_317, %parallel_loop3A_318 : i32
      %parallel_loop3A_320 = arith.constant 1 : i32
      %parallel_loop3A_321 = arith.index_cast %parallel_loop3A_320 : i32 to index
      %parallel_loop3A_322 = arith.index_cast %parallel_loop3A_319 : i32 to index
      %parallel_loop3A_323 = arith.constant 0 : index
      %parallel_loop3A_324 = tpu.vector_load %arg7[%parallel_loop3A_321, %parallel_loop3A_322, %parallel_loop3A_323] {strides = array<i32>} : memref<2x200x128xf32, #tpu.memory_space<vmem>>, vector<1x1x16xf32>,
      %parallel_loop3A_325 = vector.shape_cast %parallel_loop3A_324 : vector<1x1x16xf32> to vector<16xf32>
      %parallel_loop3A_326 = arith.index_cast %parallel_loop3A_315 : i32 to index
      %parallel_loop3A_327 = arith.constant 0 : index
      %parallel_loop3A_328 = tpu.vector_load %arg9[%parallel_loop3A_326, %parallel_loop3A_327] {strides = array<i32>} : memref<100x128xf32, #tpu.memory_space<vmem>>, vector<1x16xf32>,
      %parallel_loop3A_329 = vector.shape_cast %parallel_loop3A_328 : vector<1x16xf32> to vector<16xf32>
      %parallel_loop3A_330 = arith.addf %parallel_loop3A_325, %parallel_loop3A_329 : vector<16xf32>
      %parallel_loop3A_331 = arith.constant 1 : i32
      %parallel_loop3A_332 = arith.index_cast %parallel_loop3A_331 : i32 to index
      %parallel_loop3A_333 = arith.index_cast %parallel_loop3A_315 : i32 to index
      %parallel_loop3A_334 = arith.constant 0 : index
      %parallel_loop3A_335 = tpu.vector_load %arg8[%parallel_loop3A_332, %parallel_loop3A_333, %parallel_loop3A_334] {strides = array<i32>} : memref<2x100x128xf32, #tpu.memory_space<vmem>>, vector<1x1x16xf32>,
      %parallel_loop3A_336 = vector.shape_cast %parallel_loop3A_335 : vector<1x1x16xf32> to vector<16xf32>
      %parallel_loop3A_337 = vector.shape_cast %parallel_loop3A_330 : vector<16xf32> to vector<1x1x16xf32>
      tpu.vector_store %arg8[%parallel_loop3A_332, %parallel_loop3A_333, %parallel_loop3A_334], %parallel_loop3A_337 {strides = array<i32>} : memref<2x100x128xf32, #tpu.memory_space<vmem>>, vector<1x1x16xf32>,
      %parallel_loop3A_338 = arith.constant 2 : i32
      %parallel_loop3A_339 = arith.muli %parallel_loop3A_338, %parallel_loop3A_315 : i32
      %parallel_loop3A_340 = arith.constant 0 : i32
      %parallel_loop3A_341 = arith.addi %parallel_loop3A_339, %parallel_loop3A_340 : i32
      %parallel_loop3A_342 = arith.constant 1 : i32
      %parallel_loop3A_343 = arith.index_cast %parallel_loop3A_342 : i32 to index
      %parallel_loop3A_344 = arith.index_cast %parallel_loop3A_341 : i32 to index
      %parallel_loop3A_345 = arith.constant 16 : index
      %parallel_loop3A_346 = tpu.vector_load %arg7[%parallel_loop3A_343, %parallel_loop3A_344, %parallel_loop3A_345] {strides = array<i32>} : memref<2x200x128xf32, #tpu.memory_space<vmem>>, vector<1x1x16xf32>,
      %parallel_loop3A_347 = vector.shape_cast %parallel_loop3A_346 : vector<1x1x16xf32> to vector<16xf32>
      %parallel_loop3A_348 = arith.index_cast %parallel_loop3A_315 : i32 to index
      %parallel_loop3A_349 = arith.constant 16 : index
      %parallel_loop3A_350 = tpu.vector_load %arg9[%parallel_loop3A_348, %parallel_loop3A_349] {strides = array<i32>} : memref<100x128xf32, #tpu.memory_space<vmem>>, vector<1x16xf32>,
      %parallel_loop3A_351 = vector.shape_cast %parallel_loop3A_350 : vector<1x16xf32> to vector<16xf32>
      %parallel_loop3A_352 = arith.addf %parallel_loop3A_347, %parallel_loop3A_351 : vector<16xf32>
      %parallel_loop3A_353 = arith.constant 1 : i32
      %parallel_loop3A_354 = arith.index_cast %parallel_loop3A_353 : i32 to index
      %parallel_loop3A_355 = arith.index_cast %parallel_loop3A_315 : i32 to index
      %parallel_loop3A_356 = arith.constant 16 : index
      %parallel_loop3A_357 = tpu.vector_load %arg8[%parallel_loop3A_354, %parallel_loop3A_355, %parallel_loop3A_356] {strides = array<i32>} : memref<2x100x128xf32, #tpu.memory_space<vmem>>, vector<1x1x16xf32>,
      %parallel_loop3A_358 = vector.shape_cast %parallel_loop3A_357 : vector<1x1x16xf32> to vector<16xf32>
      %parallel_loop3A_359 = vector.shape_cast %parallel_loop3A_352 : vector<16xf32> to vector<1x1x16xf32>
      tpu.vector_store %arg8[%parallel_loop3A_354, %parallel_loop3A_355, %parallel_loop3A_356], %parallel_loop3A_359 {strides = array<i32>} : memref<2x100x128xf32, #tpu.memory_space<vmem>>, vector<1x1x16xf32>,
      %parallel_loop3A_360 = arith.constant 2 : i32
      %parallel_loop3A_361 = arith.muli %parallel_loop3A_360, %parallel_loop3A_315 : i32
      %parallel_loop3A_362 = arith.constant 0 : i32
      %parallel_loop3A_363 = arith.addi %parallel_loop3A_361, %parallel_loop3A_362 : i32
      %parallel_loop3A_364 = arith.constant 1 : i32
      %parallel_loop3A_365 = arith.index_cast %parallel_loop3A_364 : i32 to index
      %parallel_loop3A_366 = arith.index_cast %parallel_loop3A_363 : i32 to index
      %parallel_loop3A_367 = arith.constant 32 : index
      %parallel_loop3A_368 = tpu.vector_load %arg7[%parallel_loop3A_365, %parallel_loop3A_366, %parallel_loop3A_367] {strides = array<i32>} : memref<2x200x128xf32, #tpu.memory_space<vmem>>, vector<1x1x16xf32>,
      %parallel_loop3A_369 = vector.shape_cast %parallel_loop3A_368 : vector<1x1x16xf32> to vector<16xf32>
      %parallel_loop3A_370 = arith.index_cast %parallel_loop3A_315 : i32 to index
      %parallel_loop3A_371 = arith.constant 32 : index
      %parallel_loop3A_372 = tpu.vector_load %arg9[%parallel_loop3A_370, %parallel_loop3A_371] {strides = array<i32>} : memref<100x128xf32, #tpu.memory_space<vmem>>, vector<1x16xf32>,
      %parallel_loop3A_373 = vector.shape_cast %parallel_loop3A_372 : vector<1x16xf32> to vector<16xf32>
      %parallel_loop3A_374 = arith.addf %parallel_loop3A_369, %parallel_loop3A_373 : vector<16xf32>
      %parallel_loop3A_375 = arith.constant 1 : i32
      %parallel_loop3A_376 = arith.index_cast %parallel_loop3A_375 : i32 to index
      %parallel_loop3A_377 = arith.index_cast %parallel_loop3A_315 : i32 to index
      %parallel_loop3A_378 = arith.constant 32 : index
      %parallel_loop3A_379 = tpu.vector_load %arg8[%parallel_loop3A_376, %parallel_loop3A_377, %parallel_loop3A_378] {strides = array<i32>} : memref<2x100x128xf32, #tpu.memory_space<vmem>>, vector<1x1x16xf32>,
      %parallel_loop3A_380 = vector.shape_cast %parallel_loop3A_379 : vector<1x1x16xf32> to vector<16xf32>
      %parallel_loop3A_381 = vector.shape_cast %parallel_loop3A_374 : vector<16xf32> to vector<1x1x16xf32>
      tpu.vector_store %arg8[%parallel_loop3A_376, %parallel_loop3A_377, %parallel_loop3A_378], %parallel_loop3A_381 {strides = array<i32>} : memref<2x100x128xf32, #tpu.memory_space<vmem>>, vector<1x1x16xf32>,
      %parallel_loop3A_382 = arith.constant 2 : i32
      %parallel_loop3A_383 = arith.muli %parallel_loop3A_382, %parallel_loop3A_315 : i32
      %parallel_loop3A_384 = arith.constant 0 : i32
      %parallel_loop3A_385 = arith.addi %parallel_loop3A_383, %parallel_loop3A_384 : i32
      %parallel_loop3A_386 = arith.constant 1 : i32
      %parallel_loop3A_387 = arith.index_cast %parallel_loop3A_386 : i32 to index
      %parallel_loop3A_388 = arith.index_cast %parallel_loop3A_385 : i32 to index
      %parallel_loop3A_389 = arith.constant 48 : index
      %parallel_loop3A_390 = tpu.vector_load %arg7[%parallel_loop3A_387, %parallel_loop3A_388, %parallel_loop3A_389] {strides = array<i32>} : memref<2x200x128xf32, #tpu.memory_space<vmem>>, vector<1x1x16xf32>,
      %parallel_loop3A_391 = vector.shape_cast %parallel_loop3A_390 : vector<1x1x16xf32> to vector<16xf32>
      %parallel_loop3A_392 = arith.index_cast %parallel_loop3A_315 : i32 to index
      %parallel_loop3A_393 = arith.constant 48 : index
      %parallel_loop3A_394 = tpu.vector_load %arg9[%parallel_loop3A_392, %parallel_loop3A_393] {strides = array<i32>} : memref<100x128xf32, #tpu.memory_space<vmem>>, vector<1x16xf32>,
      %parallel_loop3A_395 = vector.shape_cast %parallel_loop3A_394 : vector<1x16xf32> to vector<16xf32>
      %parallel_loop3A_396 = arith.addf %parallel_loop3A_391, %parallel_loop3A_395 : vector<16xf32>
      %parallel_loop3A_397 = arith.constant 1 : i32
      %parallel_loop3A_398 = arith.index_cast %parallel_loop3A_397 : i32 to index
      %parallel_loop3A_399 = arith.index_cast %parallel_loop3A_315 : i32 to index
      %parallel_loop3A_400 = arith.constant 48 : index
      %parallel_loop3A_401 = tpu.vector_load %arg8[%parallel_loop3A_398, %parallel_loop3A_399, %parallel_loop3A_400] {strides = array<i32>} : memref<2x100x128xf32, #tpu.memory_space<vmem>>, vector<1x1x16xf32>,
      %parallel_loop3A_402 = vector.shape_cast %parallel_loop3A_401 : vector<1x1x16xf32> to vector<16xf32>
      %parallel_loop3A_403 = vector.shape_cast %parallel_loop3A_396 : vector<16xf32> to vector<1x1x16xf32>
      tpu.vector_store %arg8[%parallel_loop3A_398, %parallel_loop3A_399, %parallel_loop3A_400], %parallel_loop3A_403 {strides = array<i32>} : memref<2x100x128xf32, #tpu.memory_space<vmem>>, vector<1x1x16xf32>,
      %parallel_loop3A_404 = arith.constant 2 : i32
      %parallel_loop3A_405 = arith.muli %parallel_loop3A_404, %parallel_loop3A_315 : i32
      %parallel_loop3A_406 = arith.constant 1 : i32
      %parallel_loop3A_407 = arith.addi %parallel_loop3A_405, %parallel_loop3A_406 : i32
      %parallel_loop3A_408 = arith.constant 1 : i32
      %parallel_loop3A_409 = arith.index_cast %parallel_loop3A_408 : i32 to index
      %parallel_loop3A_410 = arith.index_cast %parallel_loop3A_407 : i32 to index
      %parallel_loop3A_411 = arith.constant 0 : index
      %parallel_loop3A_412 = tpu.vector_load %arg7[%parallel_loop3A_409, %parallel_loop3A_410, %parallel_loop3A_411] {strides = array<i32>} : memref<2x200x128xf32, #tpu.memory_space<vmem>>, vector<1x1x16xf32>,
      %parallel_loop3A_413 = vector.shape_cast %parallel_loop3A_412 : vector<1x1x16xf32> to vector<16xf32>
      %parallel_loop3A_414 = arith.index_cast %parallel_loop3A_315 : i32 to index
      %parallel_loop3A_415 = arith.constant 64 : index
      %parallel_loop3A_416 = tpu.vector_load %arg9[%parallel_loop3A_414, %parallel_loop3A_415] {strides = array<i32>} : memref<100x128xf32, #tpu.memory_space<vmem>>, vector<1x16xf32>,
      %parallel_loop3A_417 = vector.shape_cast %parallel_loop3A_416 : vector<1x16xf32> to vector<16xf32>
      %parallel_loop3A_418 = arith.addf %parallel_loop3A_413, %parallel_loop3A_417 : vector<16xf32>
      %parallel_loop3A_419 = arith.constant 1 : i32
      %parallel_loop3A_420 = arith.index_cast %parallel_loop3A_419 : i32 to index
      %parallel_loop3A_421 = arith.index_cast %parallel_loop3A_315 : i32 to index
      %parallel_loop3A_422 = arith.constant 64 : index
      %parallel_loop3A_423 = tpu.vector_load %arg8[%parallel_loop3A_420, %parallel_loop3A_421, %parallel_loop3A_422] {strides = array<i32>} : memref<2x100x128xf32, #tpu.memory_space<vmem>>, vector<1x1x16xf32>,
      %parallel_loop3A_424 = vector.shape_cast %parallel_loop3A_423 : vector<1x1x16xf32> to vector<16xf32>
      %parallel_loop3A_425 = vector.shape_cast %parallel_loop3A_418 : vector<16xf32> to vector<1x1x16xf32>
      tpu.vector_store %arg8[%parallel_loop3A_420, %parallel_loop3A_421, %parallel_loop3A_422], %parallel_loop3A_425 {strides = array<i32>} : memref<2x100x128xf32, #tpu.memory_space<vmem>>, vector<1x1x16xf32>,
      %parallel_loop3A_426 = arith.constant 2 : i32
      %parallel_loop3A_427 = arith.muli %parallel_loop3A_426, %parallel_loop3A_315 : i32
      %parallel_loop3A_428 = arith.constant 1 : i32
      %parallel_loop3A_429 = arith.addi %parallel_loop3A_427, %parallel_loop3A_428 : i32
      %parallel_loop3A_430 = arith.constant 1 : i32
      %parallel_loop3A_431 = arith.index_cast %parallel_loop3A_430 : i32 to index
      %parallel_loop3A_432 = arith.index_cast %parallel_loop3A_429 : i32 to index
      %parallel_loop3A_433 = arith.constant 16 : index
      %parallel_loop3A_434 = tpu.vector_load %arg7[%parallel_loop3A_431, %parallel_loop3A_432, %parallel_loop3A_433] {strides = array<i32>} : memref<2x200x128xf32, #tpu.memory_space<vmem>>, vector<1x1x16xf32>,
      %parallel_loop3A_435 = vector.shape_cast %parallel_loop3A_434 : vector<1x1x16xf32> to vector<16xf32>
      %parallel_loop3A_436 = arith.index_cast %parallel_loop3A_315 : i32 to index
      %parallel_loop3A_437 = arith.constant 80 : index
      %parallel_loop3A_438 = tpu.vector_load %arg9[%parallel_loop3A_436, %parallel_loop3A_437] {strides = array<i32>} : memref<100x128xf32, #tpu.memory_space<vmem>>, vector<1x16xf32>,
      %parallel_loop3A_439 = vector.shape_cast %parallel_loop3A_438 : vector<1x16xf32> to vector<16xf32>
      %parallel_loop3A_440 = arith.addf %parallel_loop3A_435, %parallel_loop3A_439 : vector<16xf32>
      %parallel_loop3A_441 = arith.constant 1 : i32
      %parallel_loop3A_442 = arith.index_cast %parallel_loop3A_441 : i32 to index
      %parallel_loop3A_443 = arith.index_cast %parallel_loop3A_315 : i32 to index
      %parallel_loop3A_444 = arith.constant 80 : index
      %parallel_loop3A_445 = tpu.vector_load %arg8[%parallel_loop3A_442, %parallel_loop3A_443, %parallel_loop3A_444] {strides = array<i32>} : memref<2x100x128xf32, #tpu.memory_space<vmem>>, vector<1x1x16xf32>,
      %parallel_loop3A_446 = vector.shape_cast %parallel_loop3A_445 : vector<1x1x16xf32> to vector<16xf32>
      %parallel_loop3A_447 = vector.shape_cast %parallel_loop3A_440 : vector<16xf32> to vector<1x1x16xf32>
      tpu.vector_store %arg8[%parallel_loop3A_442, %parallel_loop3A_443, %parallel_loop3A_444], %parallel_loop3A_447 {strides = array<i32>} : memref<2x100x128xf32, #tpu.memory_space<vmem>>, vector<1x1x16xf32>,
      %parallel_loop3A_448 = arith.constant 2 : i32
      %parallel_loop3A_449 = arith.muli %parallel_loop3A_448, %parallel_loop3A_315 : i32
      %parallel_loop3A_450 = arith.constant 1 : i32
      %parallel_loop3A_451 = arith.addi %parallel_loop3A_449, %parallel_loop3A_450 : i32
      %parallel_loop3A_452 = arith.constant 1 : i32
      %parallel_loop3A_453 = arith.index_cast %parallel_loop3A_452 : i32 to index
      %parallel_loop3A_454 = arith.index_cast %parallel_loop3A_451 : i32 to index
      %parallel_loop3A_455 = arith.constant 32 : index
      %parallel_loop3A_456 = tpu.vector_load %arg7[%parallel_loop3A_453, %parallel_loop3A_454, %parallel_loop3A_455] {strides = array<i32>} : memref<2x200x128xf32, #tpu.memory_space<vmem>>, vector<1x1x16xf32>,
      %parallel_loop3A_457 = vector.shape_cast %parallel_loop3A_456 : vector<1x1x16xf32> to vector<16xf32>
      %parallel_loop3A_458 = arith.index_cast %parallel_loop3A_315 : i32 to index
      %parallel_loop3A_459 = arith.constant 96 : index
      %parallel_loop3A_460 = tpu.vector_load %arg9[%parallel_loop3A_458, %parallel_loop3A_459] {strides = array<i32>} : memref<100x128xf32, #tpu.memory_space<vmem>>, vector<1x16xf32>,
      %parallel_loop3A_461 = vector.shape_cast %parallel_loop3A_460 : vector<1x16xf32> to vector<16xf32>
      %parallel_loop3A_462 = arith.addf %parallel_loop3A_457, %parallel_loop3A_461 : vector<16xf32>
      %parallel_loop3A_463 = arith.constant 1 : i32
      %parallel_loop3A_464 = arith.index_cast %parallel_loop3A_463 : i32 to index
      %parallel_loop3A_465 = arith.index_cast %parallel_loop3A_315 : i32 to index
      %parallel_loop3A_466 = arith.constant 96 : index
      %parallel_loop3A_467 = tpu.vector_load %arg8[%parallel_loop3A_464, %parallel_loop3A_465, %parallel_loop3A_466] {strides = array<i32>} : memref<2x100x128xf32, #tpu.memory_space<vmem>>, vector<1x1x16xf32>,
      %parallel_loop3A_468 = vector.shape_cast %parallel_loop3A_467 : vector<1x1x16xf32> to vector<16xf32>
      %parallel_loop3A_469 = vector.shape_cast %parallel_loop3A_462 : vector<16xf32> to vector<1x1x16xf32>
      tpu.vector_store %arg8[%parallel_loop3A_464, %parallel_loop3A_465, %parallel_loop3A_466], %parallel_loop3A_469 {strides = array<i32>} : memref<2x100x128xf32, #tpu.memory_space<vmem>>, vector<1x1x16xf32>,
      %parallel_loop3A_470 = arith.constant 2 : i32
      %parallel_loop3A_471 = arith.muli %parallel_loop3A_470, %parallel_loop3A_315 : i32
      %parallel_loop3A_472 = arith.constant 1 : i32
      %parallel_loop3A_473 = arith.addi %parallel_loop3A_471, %parallel_loop3A_472 : i32
      %parallel_loop3A_474 = arith.constant 1 : i32
      %parallel_loop3A_475 = arith.index_cast %parallel_loop3A_474 : i32 to index
      %parallel_loop3A_476 = arith.index_cast %parallel_loop3A_473 : i32 to index
      %parallel_loop3A_477 = arith.constant 48 : index
      %parallel_loop3A_478 = tpu.vector_load %arg7[%parallel_loop3A_475, %parallel_loop3A_476, %parallel_loop3A_477] {strides = array<i32>} : memref<2x200x128xf32, #tpu.memory_space<vmem>>, vector<1x1x16xf32>,
      %parallel_loop3A_479 = vector.shape_cast %parallel_loop3A_478 : vector<1x1x16xf32> to vector<16xf32>
      %parallel_loop3A_480 = arith.index_cast %parallel_loop3A_315 : i32 to index
      %parallel_loop3A_481 = arith.constant 112 : index
      %parallel_loop3A_482 = tpu.vector_load %arg9[%parallel_loop3A_480, %parallel_loop3A_481] {strides = array<i32>} : memref<100x128xf32, #tpu.memory_space<vmem>>, vector<1x16xf32>,
      %parallel_loop3A_483 = vector.shape_cast %parallel_loop3A_482 : vector<1x16xf32> to vector<16xf32>
      %parallel_loop3A_484 = arith.addf %parallel_loop3A_479, %parallel_loop3A_483 : vector<16xf32>
      %parallel_loop3A_485 = arith.constant 1 : i32
      %parallel_loop3A_486 = arith.index_cast %parallel_loop3A_485 : i32 to index
      %parallel_loop3A_487 = arith.index_cast %parallel_loop3A_315 : i32 to index
      %parallel_loop3A_488 = arith.constant 112 : index
      %parallel_loop3A_489 = tpu.vector_load %arg8[%parallel_loop3A_486, %parallel_loop3A_487, %parallel_loop3A_488] {strides = array<i32>} : memref<2x100x128xf32, #tpu.memory_space<vmem>>, vector<1x1x16xf32>,
      %parallel_loop3A_490 = vector.shape_cast %parallel_loop3A_489 : vector<1x1x16xf32> to vector<16xf32>
      %parallel_loop3A_491 = vector.shape_cast %parallel_loop3A_484 : vector<16xf32> to vector<1x1x16xf32>
      tpu.vector_store %arg8[%parallel_loop3A_486, %parallel_loop3A_487, %parallel_loop3A_488], %parallel_loop3A_491 {strides = array<i32>} : memref<2x100x128xf32, #tpu.memory_space<vmem>>, vector<1x1x16xf32>,
    } {sc.loop_unroll_factor = 2 : i64, sc.parallel_access}
    %add3A_260 = arith.constant 127 : i32
    %add3A_261 = arith.addi %mul3A_4, %add3A_260 : i32
    %dma_start3A_262 = arith.constant 1 : i32
    %dma_start3A_263 = arith.constant 0 : i32
    %dma_start3A_264 = arith.constant 0 : i32
    %dma_start3A_265 = tpu.memref_slice %arg8[%dma_start3A_262, %dma_start3A_263, %dma_start3A_264] : memref<2x100x128xf32, #tpu.memory_space<vmem>> -> memref<1x100x128xf32, #tpu.memory_space<vmem>>
    %dma_start3A_266 = tpu.memref_squeeze %dma_start3A_265 : memref<1x100x128xf32, #tpu.memory_space<vmem>> -> memref<100x128xf32, #tpu.memory_space<vmem>>
    %dma_start3A_267 = arith.constant 0 : i32
    %dma_start3A_268 = arith.constant 0 : i32
    %dma_start3A_269 = tpu.memref_slice %arg5[%add3A_261, %dma_start3A_267, %dma_start3A_268] : memref<4096x100x128xf32, #tpu.memory_space<hbm>> -> memref<1x100x128xf32, #tpu.memory_space<hbm>>
    %dma_start3A_270 = tpu.memref_squeeze %dma_start3A_269 : memref<1x100x128xf32, #tpu.memory_space<hbm>> -> memref<100x128xf32, #tpu.memory_space<hbm>>
    %dma_start3A_271 = arith.constant 0 : i32
    %dma_start3A_272 = arith.constant 0 : i32
    %dma_start3A_273 = tpu.memref_slice %arg5[%add3A_261, %dma_start3A_271, %dma_start3A_272] : memref<4096x100x128xf32, #tpu.memory_space<hbm>> -> memref<1x100x128xf32, #tpu.memory_space<hbm>>
    %dma_start3A_274 = tpu.memref_squeeze %dma_start3A_273 : memref<1x100x128xf32, #tpu.memory_space<hbm>> -> memref<100x128xf32, #tpu.memory_space<hbm>>
    %dma_start3A_275 = arith.constant 0 : i32
    %dma_start3A_276 = arith.constant 0 : i32
    %dma_start3A_277 = tpu.memref_slice %arg8[%dma_start3A_262, %dma_start3A_275, %dma_start3A_276] : memref<2x100x128xf32, #tpu.memory_space<vmem>> -> memref<1x100x128xf32, #tpu.memory_space<vmem>>
    %dma_start3A_278 = tpu.memref_squeeze %dma_start3A_277 : memref<1x100x128xf32, #tpu.memory_space<vmem>> -> memref<100x128xf32, #tpu.memory_space<vmem>>
    tpu.enqueue_dma source(%dma_start3A_278 : memref<100x128xf32, #tpu.memory_space<vmem>>) target(%dma_start3A_274 : memref<100x128xf32, #tpu.memory_space<hbm>>) target_semaphore(%arg13 : memref<!tpu.dma_semaphore, #tpu.memory_space<semaphore_mem>>)
    %dma_wait3A_279 = arith.constant 0 : i32
    %dma_wait3A_280 = arith.constant 0 : i32
    %dma_wait3A_281 = arith.constant 0 : i32
    %dma_wait3A_282 = arith.constant 0 : i32
    %dma_wait3A_283 = tpu.memref_slice %arg8[%dma_wait3A_279, %dma_wait3A_281, %dma_wait3A_282] : memref<2x100x128xf32, #tpu.memory_space<vmem>> -> memref<1x100x128xf32, #tpu.memory_space<vmem>>
    %dma_wait3A_284 = tpu.memref_squeeze %dma_wait3A_283 : memref<1x100x128xf32, #tpu.memory_space<vmem>> -> memref<100x128xf32, #tpu.memory_space<vmem>>
    %dma_wait3A_285 = arith.constant 0 : i32
    %dma_wait3A_286 = arith.constant 0 : i32
    %dma_wait3A_287 = tpu.memref_slice %arg5[%dma_wait3A_280, %dma_wait3A_285, %dma_wait3A_286] : memref<4096x100x128xf32, #tpu.memory_space<hbm>> -> memref<1x100x128xf32, #tpu.memory_space<hbm>>
    %dma_wait3A_288 = tpu.memref_squeeze %dma_wait3A_287 : memref<1x100x128xf32, #tpu.memory_space<hbm>> -> memref<100x128xf32, #tpu.memory_space<hbm>>
    %dma_wait3A_289 = arith.constant 0 : i32
    %dma_wait3A_290 = arith.constant 0 : i32
    %dma_wait3A_291 = tpu.memref_slice %arg5[%dma_wait3A_280, %dma_wait3A_289, %dma_wait3A_290] : memref<4096x100x128xf32, #tpu.memory_space<hbm>> -> memref<1x100x128xf32, #tpu.memory_space<hbm>>
    %dma_wait3A_292 = tpu.memref_squeeze %dma_wait3A_291 : memref<1x100x128xf32, #tpu.memory_space<hbm>> -> memref<100x128xf32, #tpu.memory_space<hbm>>
    %dma_wait3A_293 = arith.constant 0 : i32
    %dma_wait3A_294 = arith.constant 0 : i32
    %dma_wait3A_295 = tpu.memref_slice %arg8[%dma_wait3A_279, %dma_wait3A_293, %dma_wait3A_294] : memref<2x100x128xf32, #tpu.memory_space<vmem>> -> memref<1x100x128xf32, #tpu.memory_space<vmem>>
    %dma_wait3A_296 = tpu.memref_squeeze %dma_wait3A_295 : memref<1x100x128xf32, #tpu.memory_space<vmem>> -> memref<100x128xf32, #tpu.memory_space<vmem>>
    tpu.wait_dma2 semaphore(%arg12 : memref<!tpu.dma_semaphore, #tpu.memory_space<semaphore_mem>>) src(%dma_wait3A_296 : memref<100x128xf32, #tpu.memory_space<vmem>>) dst(%dma_wait3A_292 : memref<100x128xf32, #tpu.memory_space<hbm>>)
    %dma_wait3A_297 = arith.constant 1 : i32
    %dma_wait3A_298 = arith.constant 0 : i32
    %dma_wait3A_299 = arith.constant 0 : i32
    %dma_wait3A_300 = arith.constant 0 : i32
    %dma_wait3A_301 = tpu.memref_slice %arg8[%dma_wait3A_297, %dma_wait3A_299, %dma_wait3A_300] : memref<2x100x128xf32, #tpu.memory_space<vmem>> -> memref<1x100x128xf32, #tpu.memory_space<vmem>>
    %dma_wait3A_302 = tpu.memref_squeeze %dma_wait3A_301 : memref<1x100x128xf32, #tpu.memory_space<vmem>> -> memref<100x128xf32, #tpu.memory_space<vmem>>
    %dma_wait3A_303 = arith.constant 0 : i32
    %dma_wait3A_304 = arith.constant 0 : i32
    %dma_wait3A_305 = tpu.memref_slice %arg5[%dma_wait3A_298, %dma_wait3A_303, %dma_wait3A_304] : memref<4096x100x128xf32, #tpu.memory_space<hbm>> -> memref<1x100x128xf32, #tpu.memory_space<hbm>>
    %dma_wait3A_306 = tpu.memref_squeeze %dma_wait3A_305 : memref<1x100x128xf32, #tpu.memory_space<hbm>> -> memref<100x128xf32, #tpu.memory_space<hbm>>
    %dma_wait3A_307 = arith.constant 0 : i32
    %dma_wait3A_308 = arith.constant 0 : i32
    %dma_wait3A_309 = tpu.memref_slice %arg5[%dma_wait3A_298, %dma_wait3A_307, %dma_wait3A_308] : memref<4096x100x128xf32, #tpu.memory_space<hbm>> -> memref<1x100x128xf32, #tpu.memory_space<hbm>>
    %dma_wait3A_310 = tpu.memref_squeeze %dma_wait3A_309 : memref<1x100x128xf32, #tpu.memory_space<hbm>> -> memref<100x128xf32, #tpu.memory_space<hbm>>
    %dma_wait3A_311 = arith.constant 0 : i32
    %dma_wait3A_312 = arith.constant 0 : i32
    %dma_wait3A_313 = tpu.memref_slice %arg8[%dma_wait3A_297, %dma_wait3A_311, %dma_wait3A_312] : memref<2x100x128xf32, #tpu.memory_space<vmem>> -> memref<1x100x128xf32, #tpu.memory_space<vmem>>
    %dma_wait3A_314 = tpu.memref_squeeze %dma_wait3A_313 : memref<1x100x128xf32, #tpu.memory_space<vmem>> -> memref<100x128xf32, #tpu.memory_space<vmem>>
    tpu.wait_dma2 semaphore(%arg13 : memref<!tpu.dma_semaphore, #tpu.memory_space<semaphore_mem>>) src(%dma_wait3A_314 : memref<100x128xf32, #tpu.memory_space<vmem>>) dst(%dma_wait3A_310 : memref<100x128xf32, #tpu.memory_space<hbm>>)
    return
  }
}

</mosaic_0001>

<sc_bundles>
// kernel: kernel.3.cloned.1.call-start
scs
__scs_entry_jumppad:
0x0: {  	(pc) =	sbr.rel $0x88, $3  }
0x1: {  	(tag) =	ssettag $0x0;
	lr =	simm.s32 $0x1  }
0x2: {  	[smem:$0x3F9E] =	sst lr;
	_ =	strace $0xD0000000  }
0x3: {  	_ = 	snop  }
0x4: {  	_ = 	snop  }
0x5: {  	_ = 	snop  }
0x6: {  	_ = 	snop  }
0x7: {  	_ = 	snop  }
__scs_overlays_trampoline_lowered:
0x8: {  	[smem:$0x3FAD] =	sst s0  }
0x9: {  	[smem:$0x3FAE] =	sst s1  }
0xa: {  	[smem:$0x3FAF] =	sst s2  }
0xb: {  	[smem:$0x3FB0] =	sst s3  }
0xc: {  	[smem:$0x3FB1] =	sst s4  }
0xd: {  	[smem:$0x3FB2] =	sst s5  }
0xe: {  	[smem:$0x3FB3] =	sst s6  }
0xf: {  	[smem:$0x3FB4] =	sst s7  }
0x10: {  	[smem:$0x3FB5] =	sst s8  }
0x11: {  	[smem:$0x3FB6] =	sst s9;
	s0 =	simm.s32 @!p0 $0x0  }
0x12: {  	s1 =	sld [smem:$0x3F9C];
	s0 =	simm.s32 @p0 $0x1  }
0x13: {  	[smem:$0x3FB7] =	sst s0;
	s0 =	simm.s32 @!p1 $0x0  }
0x14: {  	s2 =	sld [smem:$0x3F9B];
	s0 =	simm.s32 @p1 $0x1  }
0x15: {  	[smem:$0x3FB8] =	sst s0;
	s0 =	simm.s32 @!p2 $0x0  }
0x16: {  	s3 =	sld [smem:$0x3FDB];
	s0 =	simm.s32 @p2 $0x1  }
0x17: {  	s4 =	simm.s32 $0x1BF5;
	[smem:$0x3FBA] =	sst s0  }
0x18: {  	s0 =	sld [smem:$0x3F9D];
	_ =	swait.ge [sflag:s4], $0x0  }
0x19: {  	s7 =	sld [smem:$0x3F9E]  }
0x1a: {  	s8 =	sadd.s32 $0xFFFFE003, lr  }
0x1b: {  	s9 =	sadd.s32 $0xFFFFFEF7, lr;
	s5 =	simm.s32 $0xFFFFFFFF;
	p2 =	slt.u32 s8, $0xFFFFF086  }
0x1c: {  	p1 =	slt.u32 s9, $0xF7A;
	s5 =	simm.s32 @!p2 $0x0  }
0x1d: {  	s5 =	simm.s32 @p1 $0x1;
	p0 =	seq.s32 s7, s2  }
0x1e: {  	s7 =	smul.u32 @!p0 $0xF7A, s2;
	p2 =	seq.s32 @!p0 s5, $0x0  }
0x1f: {  	s9 =	smul.u32 $0xF7A, s1;
	s8 =	simm.s32 @!p0 $0x1BF5;
	p2 =	por !p2, p0  }
0x20: {  	[sflag:s8] =	ssyncset.s32 @!p0 $0xFFFFF086;
	s6 =	sadd.s32 @!p0 s3, s7;
	s7 =	simm.s32 @!p0 $0x108  }
0x21: {  	s3 =	sadd.s32 s3, s9;
	s6 =	sadd.s32 @!p0 $0x88, s6;
	s7 =	simm.s32 @p2 $0x1082  }
0x22: {  	[simem:s7], [sflag:s8] =	dma.local @!p0 [hbm:s6], $0xF7A  }
0x23: {  	s9 =	sor.u32 $0xD0000000, s2;
	s6 =	simm.s32 $0x108;
	_ =	swait.ge @!p0 [sflag:s8], $0x0  }
0x24: {  	s3 =	sadd.s32 $0x88, s3;
	s6 =	simm.s32 @!p1 $0x1082;
	[sflag:s4] =	ssyncset.s32 $0xFFFFF086  }
0x25: {  	[simem:s6], [sflag:s4] =	dma.local [hbm:s3], $0xF7A  }
0x26: {  	[smem:$0x3F9E] =	sst s1;
	(tag) =	ssettag s2;
	_ =	strace s9  }
0x27: {  	s1 =	sld [smem:$0x3FAE]  }
0x28: {  	s2 =	sld [smem:$0x3FAF]  }
0x29: {  	s4 =	sld [smem:$0x3FB1]  }
0x2a: {  	p0 =	seq.s32 s5, $0x0;
	s5 =	sld [smem:$0x3FB2]  }
0x2b: {  	s6 =	sld [smem:$0x3FB3]  }
0x2c: {  	s7 =	sld [smem:$0x3FB4]  }
0x2d: {  	s3 =	simm.s32 $0x108;
	s8 =	sld [smem:$0x3FB5]  }
0x2e: {  	s3 =	simm.s32 @!p0 $0x1082;
	s9 =	sld [smem:$0x3FB6]  }
0x2f: {  	lr =	sadd.s32 s0, s3;
	s0 =	sld [smem:$0x3FAD]  }
0x30: {  	s3 =	sld [smem:$0x3FB0]  }
0x31: {  	[smem:$0x3FB9] =	sst s10  }
0x32: {  	s10 =	sld [smem:$0x3FB7];
	_ =	sdelay $0x3  }
0x33: {  	p0 =	seq.s32 s10, $0x1;
	s10 =	sld [smem:$0x3FB9];
	_ =	sdelay $0x3  }
0x34: {  	[smem:$0x3FB9] =	sst s10  }
0x35: {  	s10 =	sld [smem:$0x3FB8];
	_ =	sdelay $0x3  }
0x36: {  	p1 =	seq.s32 s10, $0x1;
	s10 =	sld [smem:$0x3FB9];
	_ =	sdelay $0x3  }
0x37: {  	[smem:$0x3FB9] =	sst s10  }
0x38: {  	s10 =	sld [smem:$0x3FBA]  }
0x39: {  	_ = 	snop;
	(pc) =	sbr.ind lr, $3  }
0x3a: {  	_ = 	snop  }
0x3b: {  	_ = 	snop  }
0x3c: {  	p2 =	seq.s32 s10, $0x1;
	s10 =	sld [smem:$0x3FB9]  }
0x3d: {  	_ =	shalt  }
0x3e: {  	_ =	shalt  }
0x3f: {  	_ =	shalt  }
0x40: {  	_ =	shalt  }
0x41: {  	_ =	shalt  }
0x42: {  	_ =	shalt  }
0x43: {  	_ =	shalt  }
0x44: {  	_ =	shalt  }
0x45: {  	_ =	shalt  }
0x46: {  	_ =	shalt  }
0x47: {  	_ =	shalt  }
0x48: {  	_ =	shalt  }
0x49: {  	_ =	shalt  }
0x4a: {  	_ =	shalt  }
0x4b: {  	_ =	shalt  }
0x4c: {  	_ =	shalt  }
0x4d: {  	_ =	shalt  }
0x4e: {  	_ =	shalt  }
0x4f: {  	_ =	shalt  }
0x50: {  	_ =	shalt  }
0x51: {  	_ =	shalt  }
0x52: {  	_ =	shalt  }
0x53: {  	_ =	shalt  }
0x54: {  	_ =	shalt  }
0x55: {  	_ =	shalt  }
0x56: {  	_ =	shalt  }
0x57: {  	_ =	shalt  }
0x58: {  	_ =	shalt  }
0x59: {  	_ =	shalt  }
0x5a: {  	_ =	shalt  }
0x5b: {  	_ =	shalt  }
0x5c: {  	_ =	shalt  }
0x5d: {  	_ =	shalt  }
0x5e: {  	_ =	shalt  }
0x5f: {  	_ =	shalt  }
0x60: {  	_ =	shalt  }
0x61: {  	_ =	shalt  }
0x62: {  	_ =	shalt  }
0x63: {  	_ =	shalt  }
0x64: {  	_ =	shalt  }
0x65: {  	_ =	shalt  }
0x66: {  	_ =	shalt  }
0x67: {  	_ =	shalt  }
0x68: {  	_ =	shalt  }
0x69: {  	_ =	shalt  }
0x6a: {  	_ =	shalt  }
0x6b: {  	_ =	shalt  }
0x6c: {  	_ =	shalt  }
0x6d: {  	_ =	shalt  }
0x6e: {  	_ =	shalt  }
0x6f: {  	_ =	shalt  }
0x70: {  	_ =	shalt  }
0x71: {  	_ =	shalt  }
0x72: {  	_ =	shalt  }
0x73: {  	_ =	shalt  }
0x74: {  	_ =	shalt  }
0x75: {  	_ =	shalt  }
0x76: {  	_ =	shalt  }
0x77: {  	_ =	shalt  }
0x78: {  	_ =	shalt  }
0x79: {  	_ =	shalt  }
0x7a: {  	_ =	shalt  }
0x7b: {  	_ =	shalt  }
0x7c: {  	_ =	shalt  }
0x7d: {  	_ =	shalt  }
0x7e: {  	_ =	shalt  }
0x7f: {  	_ =	shalt  }
0x80: {  	_ =	shalt  }
0x81: {  	_ =	shalt  }
0x82: {  	_ =	shalt  }
0x83: {  	_ =	shalt  }
0x84: {  	_ =	shalt  }
0x85: {  	_ =	shalt  }
0x86: {  	_ =	shalt  }
0x87: {  	_ =	shalt  }
.Lfunc_end0:
.L_simem_size_0:
called_computation_lowered:
.L_overlay_start_0:
0x88: {  	s2 =	sld [smem:$0x3FD9]  }
0x89: {  	s3 =	sld [smem:$0x3FFE];
	_ =	sdelay $0x1  }
0x8a: {  	s1 =	srdreg.scid  }
0x8b: {  	s0 =	sand.u32 $0x1, s1  }
0x8c: {  	s16 =	sshll.u32 s0, $0xA;
	s2 =	sadd.s32 s3, s2  }
0x8d: {  	s2 =	sadd.s32 s2, s16  }
0x8e: {  	[smem:$0x3FC5] =	sst s2  }
0x8f: {  	_ = 	snop  }
0x90: {  	(tm) =	ssettm $0x1  }
0x91: {  	s17 =	sld [smem:$0x3FFB];
	_ =	sdelay $0x3  }
0x92: {  	_ =	strace s17  }
0x93: {  	s2 =	sld [smem:$0x3FFC];
	_ =	sdelay $0x3  }
0x94: {  	_ =	strace s2  }
0x95: {  	s2 =	sld [smem:$0x3FFD];
	_ =	sdelay $0x3  }
0x96: {  	_ =	strace s2  }
0x97: {  	_ =	strace $0x8FFFFFFF  }
0x98: {  	s18 =	sld [smem:$0x3FDB];
	_ =	sdelay $0x1  }
0x99: {  	s19 =	simm.s32 $_scs_section_size  }
0x9a: {  	s4 =	simm.s32 $_size__tile_overlayer_lowered;
	s5 =	simm.s32 $_tile_overlayer_lowered  }
0x9b: {  	s22 =	simm.s32 $0x1BFF;
	s21 =	sshll.u32 s5, $0x1;
	s2 =	sadd.s32 s19, s18  }
0x9c: {  	s6 =	simm.s32 $0x0;
	s20 =	sshll.u32 s4, $0x1;
	s4 =	sadd.s32 s21, s2  }
0x9d: {  	[timem:s6], [sflag:s22] =	dma.local [hbm:s4], s20  }
0x9e: {  	_ =	swait.ge [sflag:s22], s20  }
0x9f: {  	s3 =	ssub.s32 $0x0, s20;
	[sflag:s22] =	ssyncset.done $0x0  }
0xa0: {  	[sflag:s22] =	ssyncadd.s32 s3;
	_ =	sdelay $0x1  }
0xa1: {  	s23 =	simm.s32 $0x1B8B  }
0xa2: {  	_ =	swait.ge [sflag:s23], $0x1  }
0xa3: {  	[sflag:s23] =	ssyncset.done $0x0  }
0xa4: {  	s25 =	simm.s32 $0x1B8E;
	s24 =	sld [smem:$0x3FFE];
	[sflag:s23] =	ssyncadd.s32 $0xFFFFFFFF  }
0xa5: {  	s26 =	simm.s32 $execute0_lowered;
	[smem:$0x3FD2] =	sst s25  }
0xa6: {  	s4 =	sshll.u32 s26, $0x1;
	_ =	strace $0x80000046;
	[dreg:$0x1] =	wrdreg $0xFFFFFFFF  }
0xa7: {  	s28 =	simm.s32 $_size_execute0_lowered;
	s2 =	sadd.s32 s2, s4;
	[dreg:$0x0] =	wrdreg $0x0  }
0xa8: {  	s4 =	sshll.u32 s28, $0x1;
	[dreg:$0x2] =	wrdreg s2  }
0xa9: {  	[dreg:$0x3] =	wrdreg s4  }
0xaa: {  	[dreg:$0x4] =	wrdreg $0xC0  }
0xab: {  	_ =	task [dreg:s6], $0x5FFFF  }
0xac: {  	[dreg:$0x1] =	wrdreg $0xFFFFFFFF  }
0xad: {  	[dreg:$0x0] =	wrdreg $0x60  }
0xae: {  	[dreg:$0x2] =	wrdreg s24  }
0xaf: {  	[dreg:$0x3] =	wrdreg $0x9  }
0xb0: {  	_ =	task.clear_ibuf [dreg:s6], $0x4FFFF;
	_ =	strace $0x90000046  }
0xb1: {  	s29 =	simm.s32 $0x9;
	_ =	strace $0x80000048  }
0xb2: {  	_ =	swait.ge [sflag:s29], $0x1  }
0xb3: {  	[sflag:s29] =	ssyncadd.s32 $0xFFFFFFFF  }
0xb4: {  	_ =	strace $0x90000048  }
0xb5: {  	_ =	sfence  }
0xb6: {  	s30 =	sld [smem:$0x0];
	_ =	sdelay $0x2  }
0xb7: {  	s31 =	sshll.u32 s1, $0xD;
	s1 =	sshrl.u32 s1, $0x2  }
0xb8: {  	s3 =	sand.u32 $0x4000, s31;
	s1 =	sadd.s32 s1, s30  }
0xb9: {  	s0 =	sor.u32 s3, s0;
	s1 =	sshll.u32 s1, $0x11  }
0xba: {  	s0 =	sor.u32 s1, s0  }
0xbb: {  	s0 =	sadd.s32 $0x8F2B, s0  }
0xbc: {  	[sflag:s0] =	ssyncadd.remote.s32 $0x1  }
0xbd: {  	_ =	sfence.sel $0xFFFF  }
0xbe: {  	[dreg:$0x0] =	wrdreg $0xFFFFFFFF;
	(pc) =	sbr.abs _section_cstart, $3  }
0xbf: {  	[dreg:$0x1] =	wrdreg $0xFFFFFFFF  }
0xc0: {  	_ =	task.clear_ibuf [dreg:s6], $0x2FFFF;
	_ =	strace $0x9FFFFFFF  }
0xc1: {  	(tm) =	ssettm $0x7FFFFFFF  }
tec
execute0_lowered:
.L_overlay_start_1:
0x0: {  	(tag) =	ssettag $0x1  }
0x1: {  	s0 =	srdreg.scid  }
0x2: {  	s2 =	stileid.u32;
	s1 =	rddreg [dreg:$0x0];
	s14 =	simm.s32 $0x5  }
0x3: {  	s15 =	simm.s32 $0x80;
	s16 =	simm.s32 $0x6400;
	s17 =	simm.s32 $0x48  }
0x4: {  	s18 =	simm.s32 $0xA400;
	s20 =	simm.s32 $0xC800;
	s22 =	simm.s32 $0x10800  }
0x5: {  	s23 =	simm.s32 $0x1;
	s0 =	sand.u32 $0x1, s0;
	s3 =	sshll.u32 s2, $0x1  }
0x6: {  	s28 =	simm.s32 $0x2;
	s29 =	simm.s32 $0x16000;
	s4 =	sor.u32 s0, s3  }
0x7: {  	s2 =	simm.s32 $0x0;
	s5 =	sadd.s32 $0x400, s1;
	s3 =	smul.u32 $0xC80, s4  }
0x8: {  	[smem:$0x7FF] =	sst s2;
	s0 =	ssub.s32 $0x2, s0;
	s8 =	smul.u32 $0x34000, s4  }
0x9: {  	_ =	strace $0x80000047;
	s6 =	sshrl.u32 s0, $0x1;
	s9 =	smul.u32 $0x1A0000, s4  }
0xa: {  	[dreg:$0x2] =	wrdreg s5;
	s5 =	sadd.s32 $0x1A0600, s1;
	s0 =	ssub.s32 s0, s6  }
0xb: {  	s6 =	sshll.u32 s4, $0x7;
	s7 =	sadd.s32 s3, s1;
	s24 =	sadd.s32 s5, s8  }
0xc: {  	s3 =	sadd.s32 $0x19C00, s1;
	s0 =	smax.u32 s0, $0x1;
	[dreg:$0x3] =	wrdreg s24  }
0xd: {  	s25 =	sshrl.u32 s9, $0x3;
	s7 =	sadd.s32 $0xC00, s7;
	[dreg:$0x8] =	wrdreg s0  }
0xe: {  	s4 =	sadd.s32 $0x680, s24;
	s1 =	sadd.s32 s5, s25;
	[dreg:$0x4] =	wrdreg s7  }
0xf: {  	s30 =	simm.s32 $0x3;
	[dreg:$0x5] =	wrdreg s4;
	s26 =	sadd.s32 $0x33300, s1  }
0x10: {  	s31 =	simm.s32 $0x4;
	s1 =	sadd.s32 $0x33980, s1;
	[dreg:$0x6] =	wrdreg s26  }
0x11: {  	s13 =	simm.s32 $0x0;
	s24 =	simm.s32 $0x12C00;
	[dreg:$0x7] =	wrdreg s1  }
.LBB2_1:
0x12: {  	s0 =	rddreg [dreg:$0x2];
	s1 =	simm.s32 $0x19400  }
0x13: {  	[tilespmem:s1], [sflag:$0x5] =	stream.linear.gather [hbm4b:s0+s2], $0x3200, $0x38;
	[tilespmem:$0x1C800] =	vst v63  }
0x14: {  	_ =	swait.ge [sflag:s14], $0x3200  }
0x15: {  	[sflag:s14] =	ssyncset.done $0x0  }
0x16: {  	s21 =	rddreg [dreg:$0x4];
	[sflag:s14] =	ssyncadd.s32 $0xFFFFCE00  }
0x17: {  	[tilespmem:s2], [sflag:$0x5] =	stream.linear.gather [hbm4b:s21+s2], $0x6400, $0x38;
	[tilespmem:$0x1C800] =	vst v63  }
0x18: {  	_ =	swait.ge [sflag:s14], $0x6400  }
0x19: {  	[sflag:s14] =	ssyncset.done $0x0  }
0x1a: {  	[sflag:s14] =	ssyncadd.s32 $0xFFFF9C00  }
0x1b: {  	[tilespmem:s16], [sflag:$0x1] =	stream.indirect.gather [hbm4b:s3+s15], $0x80, s2, s15, $0xb8;
	[tilespmem:$0x1C800] =	vst v63  }
0x1c: {  	_ = 	snop  }
0x1d: {  	[tilespmem:s18], [sflag:$0x1] =	stream.indirect.gather [hbm4b:s3+s17], $0x80, s15, s17, $0xb8;
	[tilespmem:$0x1C800] =	vst v63  }
0x1e: {  	s25 =	simm.s32 $0xC8  }
0x1f: {  	[tilespmem:s20], [sflag:$0x2] =	stream.indirect.gather [hbm4b:s3+s15], $0x80, s25, s15, $0xb8;
	[tilespmem:$0x1C800] =	vst v63  }
0x20: {  	s26 =	simm.s32 $0x148  }
0x21: {  	[tilespmem:s22], [sflag:$0x2] =	stream.indirect.gather [hbm4b:s3+s17], $0x80, s26, s17, $0xb8;
	[tilespmem:$0x1C800] =	vst v63  }
0x22: {  	_ =	swait.ge [sflag:s23], $0x6400  }
0x23: {  	[sflag:s23] =	ssyncset.done $0x0  }
0x24: {  	s11 =	simm.s32 $0x6500;
	[sflag:s23] =	ssyncadd.s32 $0xFFFF9C00  }
0x25: {  	s10 =	simm.s32 $0x19480;
	v0 =	vld [tilespmem:s11+$0x0]  }
0x26: {  	v1 =	vld [tilespmem:s10+$0x0];
	_ =	sdelay $0x4  }
0x27: {  	v0 =	vadd.f32 v1, v0  }
0x28: {  	s19 =	simm.s32 $0x12C80  }
0x29: {  	[tilespmem:s19+$0x0] =	vst v0  }
0x2a: {  	v0 =	vld [tilespmem:s11+$0x10]  }
0x2b: {  	v1 =	vld [tilespmem:s10+$0x10]  }
0x2c: {  	v2 =	vld [tilespmem:s10+$0xFFFFFF80]  }
0x2d: {  	v3 =	vld [tilespmem:s11+$0xFFFFFF00];
	_ =	sdelay $0x2  }
0x2e: {  	v0 =	vadd.f32 v1, v0;
	_ =	sdelay $0x1  }
0x2f: {  	[tilespmem:s19+$0x10] =	vst v0;
	v0 =	vadd.f32 v2, v3  }
0x30: {  	v1 =	vld [tilespmem:s11+$0x20]  }
0x31: {  	v2 =	vld [tilespmem:s10+$0x20];
	[tilespmem:s19+$0xFFFFFF80] =	vst v0  }
0x32: {  	v0 =	vld [tilespmem:s11+$0xFFFFFF10]  }
0x33: {  	v3 =	vld [tilespmem:s10+$0xFFFFFF90];
	_ =	sdelay $0x2  }
0x34: {  	v1 =	vadd.f32 v2, v1;
	_ =	sdelay $0x1  }
0x35: {  	[tilespmem:s19+$0x20] =	vst v1;
	v0 =	vadd.f32 v3, v0  }
0x36: {  	v1 =	vld [tilespmem:s11+$0x30]  }
0x37: {  	v2 =	vld [tilespmem:s10+$0x30];
	[tilespmem:s19+$0xFFFFFF90] =	vst v0  }
0x38: {  	v0 =	vld [tilespmem:s11+$0xFFFFFF20]  }
0x39: {  	s1 =	simm.s32 $0x6700;
	v3 =	vld [tilespmem:s10+$0xFFFFFFA0]  }
0x3a: {  	s0 =	simm.s32 $0x19580;
	v4 =	vld [tilespmem:s1+$0x0]  }
0x3b: {  	v5 =	vld [tilespmem:s0+$0x0]  }
0x3c: {  	v6 =	vld [tilespmem:s1+$0xFFFFFF00];
	v1 =	vadd.f32 v2, v1  }
0x3d: {  	v2 =	vld [tilespmem:s0+$0xFFFFFF80]  }
0x3e: {  	[tilespmem:s19+$0x30] =	vst v1;
	v0 =	vadd.f32 v3, v0  }
0x3f: {  	v1 =	vld [tilespmem:s11+$0x80]  }
0x40: {  	v3 =	vld [tilespmem:s10+$0x40];
	[tilespmem:s19+$0xFFFFFFA0] =	vst v0;
	v0 =	vadd.f32 v5, v4  }
0x41: {  	s21 =	simm.s32 $0x12D80;
	v4 =	vld [tilespmem:s11+$0xFFFFFF30]  }
0x42: {  	v5 =	vld [tilespmem:s10+$0xFFFFFFB0];
	v2 =	vadd.f32 v2, v6;
	[tilespmem:s21+$0x0] =	vst v0  }
0x43: {  	v0 =	vld [tilespmem:s1+$0x10]  }
0x44: {  	[tilespmem:s21+$0xFFFFFF80] =	vst v2;
	v2 =	vld [tilespmem:s0+$0x10]  }
0x45: {  	v1 =	vadd.f32 v3, v1;
	v3 =	vld [tilespmem:s1+$0xFFFFFF10]  }
0x46: {  	v6 =	vld [tilespmem:s0+$0xFFFFFF90]  }
0x47: {  	[tilespmem:s19+$0x40] =	vst v1;
	v1 =	vadd.f32 v5, v4  }
0x48: {  	v4 =	vld [tilespmem:s11+$0x90]  }
0x49: {  	v5 =	vld [tilespmem:s10+$0x50];
	[tilespmem:s19+$0xFFFFFFB0] =	vst v1;
	v0 =	vadd.f32 v2, v0  }
0x4a: {  	v1 =	vld [tilespmem:s11+$0xFFFFFF80]  }
0x4b: {  	v2 =	vld [tilespmem:s10+$0xFFFFFFC0];
	v3 =	vadd.f32 v6, v3;
	[tilespmem:s21+$0x10] =	vst v0  }
0x4c: {  	v0 =	vld [tilespmem:s1+$0x20]  }
0x4d: {  	[tilespmem:s21+$0xFFFFFF90] =	vst v3;
	v3 =	vld [tilespmem:s0+$0x20]  }
0x4e: {  	v4 =	vadd.f32 v5, v4;
	v5 =	vld [tilespmem:s1+$0xFFFFFF20]  }
0x4f: {  	v6 =	vld [tilespmem:s0+$0xFFFFFFA0]  }
0x50: {  	s9 =	simm.s32 $0x19680  }
0x51: {  	v8 =	vld [tilespmem:s9+$0x0];
	[tilespmem:s19+$0x50] =	vst v4  }
0x52: {  	v1 =	vadd.f32 v2, v1;
	v2 =	vld [tilespmem:s11+$0xA0];
	v0 =	vadd.f32 v3, v0  }
0x53: {  	s4 =	simm.s32 $0x6900;
	v4 =	vld [tilespmem:s10+$0x60]  }
0x54: {  	v9 =	vld [tilespmem:s4+$0xFFFFFF00];
	v5 =	vadd.f32 v6, v5;
	[tilespmem:s21+$0x20] =	vst v0  }
0x55: {  	[tilespmem:s19+$0xFFFFFFC0] =	vst v1;
	v0 =	vld [tilespmem:s1+$0x30]  }
0x56: {  	[tilespmem:s21+$0xFFFFFFA0] =	vst v5;
	v5 =	vld [tilespmem:s0+$0x30]  }
0x57: {  	v1 =	vld [tilespmem:s11+$0xFFFFFF90]  }
0x58: {  	v3 =	vld [tilespmem:s10+$0xFFFFFFD0];
	v2 =	vadd.f32 v4, v2  }
0x59: {  	v6 =	vld [tilespmem:s4+$0x0]  }
0x5a: {  	v4 =	vld [tilespmem:s1+$0xFFFFFF30];
	[tilespmem:s19+$0x60] =	vst v2  }
0x5b: {  	v2 =	vld [tilespmem:s11+$0xB0];
	v0 =	vadd.f32 v5, v0  }
0x5c: {  	v7 =	vld [tilespmem:s10+$0x70]  }
0x5d: {  	v5 =	vld [tilespmem:s9+$0xFFFFFF80];
	[tilespmem:s21+$0x30] =	vst v0  }
0x5e: {  	v0 =	vadd.f32 v3, v1;
	v1 =	vld [tilespmem:s1+$0x80]  }
0x5f: {  	v3 =	vld [tilespmem:s0+$0x40]  }
0x60: {  	[tilespmem:s19+$0xFFFFFFD0] =	vst v0;
	v0 =	vadd.f32 v8, v6;
	v6 =	vld [tilespmem:s0+$0xFFFFFFB0]  }
0x61: {  	s8 =	simm.s32 $0x12E80;
	v8 =	vld [tilespmem:s11+$0xFFFFFFA0]  }
0x62: {  	v5 =	vadd.f32 v5, v9;
	[tilespmem:s8+$0x0] =	vst v0;
	v0 =	vld [tilespmem:s10+$0xFFFFFFE0]  }
0x63: {  	v61 =	vld [tilespmem:s4+$0x10]  }
0x64: {  	[tilespmem:s8+$0xFFFFFF80] =	vst v5;
	v5 =	vld [tilespmem:s9+$0x10];
	v1 =	vadd.f32 v3, v1  }
0x65: {  	v3 =	vld [tilespmem:s4+$0xFFFFFF10]  }
0x66: {  	v4 =	vadd.f32 v6, v4;
	v6 =	vld [tilespmem:s9+$0xFFFFFF90];
	[tilespmem:s21+$0x40] =	vst v1  }
0x67: {  	v1 =	vld [tilespmem:s1+$0x90]  }
0x68: {  	[tilespmem:s21+$0xFFFFFFB0] =	vst v4;
	v0 =	vadd.f32 v0, v8;
	v4 =	vld [tilespmem:s0+$0x50]  }
0x69: {  	v5 =	vadd.f32 v5, v61;
	v8 =	vld [tilespmem:s1+$0xFFFFFF80]  }
0x6a: {  	v62 =	vld [tilespmem:s0+$0xFFFFFFC0];
	[tilespmem:s19+$0xFFFFFFE0] =	vst v0  }
0x6b: {  	v3 =	vadd.f32 v6, v3;
	[tilespmem:s8+$0x10] =	vst v5;
	v0 =	vld [tilespmem:s11+$0xFFFFFFB0]  }
0x6c: {  	v5 =	vld [tilespmem:s4+$0x20]  }
0x6d: {  	[tilespmem:s8+$0xFFFFFF90] =	vst v3;
	v3 =	vld [tilespmem:s9+$0x20];
	v1 =	vadd.f32 v4, v1  }
0x6e: {  	v6 =	vld [tilespmem:s4+$0xFFFFFF20]  }
0x6f: {  	v10 =	vld [tilespmem:s9+$0xFFFFFFA0];
	v4 =	vadd.f32 v62, v8;
	[tilespmem:s21+$0x50] =	vst v1  }
0x70: {  	v8 =	vld [tilespmem:s1+$0xA0]  }
0x71: {  	[tilespmem:s21+$0xFFFFFFC0] =	vst v4;
	v63 =	vld [tilespmem:s0+$0x60]  }
0x72: {  	v4 =	vld [tilespmem:s0+$0xFFFFFFD0];
	v1 =	vadd.f32 v3, v5  }
0x73: {  	v3 =	vld [tilespmem:s1+$0xFFFFFF90]  }
0x74: {  	v5 =	vadd.f32 v10, v6;
	[tilespmem:s8+$0x20] =	vst v1;
	v1 =	vld [tilespmem:s10+$0xFFFFFFF0]  }
0x75: {  	v2 =	vadd.f32 v7, v2;
	v6 =	vld [tilespmem:s4+$0x30]  }
0x76: {  	[tilespmem:s8+$0xFFFFFFA0] =	vst v5;
	v7 =	vld [tilespmem:s9+$0x30];
	v5 =	vadd.f32 v63, v8  }
0x77: {  	s12 =	simm.s32 $0x6B00;
	[tilespmem:s19+$0x70] =	vst v2;
	s11 =	simm.s32 $0x4;
	s10 =	simm.s32 $0x19680;
	v2 =	vld [tilespmem:s4+$0xFFFFFF30]  }
.LBB2_2:
0x78: {  	v8 =	vld [tilespmem:s12+$0x0];
	v3 =	vadd.f32 v4, v3;
	[tilespmem:s21+$0x60] =	vst v5  }
0x79: {  	v4 =	vld [tilespmem:s1+$0xB0];
	v0 =	vadd.f32 v1, v0  }
0x7a: {  	s9 =	sadd.s32 $0x100, s9;
	[tilespmem:s21+$0xFFFFFFD0] =	vst v3;
	v1 =	vld [tilespmem:s0+$0x70]  }
0x7b: {  	v3 =	vld [tilespmem:s9+$0x0];
	v5 =	vadd.f32 v7, v6;
	[tilespmem:s19+$0xFFFFFFF0] =	vst v0;
	s19 =	smov.u32 s21;
	s21 =	smov.u32 s8  }
0x7c: {  	v0 =	vld [tilespmem:s9+$0xFFFFFF80]  }
0x7d: {  	v6 =	vld [tilespmem:s12+$0xFFFFFF00];
	[tilespmem:s8+$0x30] =	vst v5  }
0x7e: {  	v5 =	vld [tilespmem:s4+$0x80]  }
0x7f: {  	v7 =	vld [tilespmem:s10+$0x40];
	v1 =	vadd.f32 v1, v4  }
0x80: {  	v3 =	vadd.f32 v3, v8;
	v4 =	vld [tilespmem:s10+$0xFFFFFFB0]  }
0x81: {  	s8 =	sadd.s32 $0x100, s8;
	v8 =	vld [tilespmem:s1+$0xFFFFFFA0];
	[tilespmem:s19+$0x70] =	vst v1  }
0x82: {  	s11 =	sadd.s32 $0x2, s11;
	v0 =	vadd.f32 v0, v6;
	[tilespmem:s8+$0x0] =	vst v3;
	v1 =	vld [tilespmem:s0+$0xFFFFFFE0]  }
0x83: {  	p0 =	slt.u32 s11, $0x62;
	v3 =	vld [tilespmem:s12+$0x10]  }
0x84: {  	[tilespmem:s8+$0xFFFFFF80] =	vst v0;
	v0 =	vld [tilespmem:s9+$0x10];
	v5 =	vadd.f32 v7, v5  }
0x85: {  	v6 =	vld [tilespmem:s12+$0xFFFFFF10];
	v2 =	vadd.f32 v4, v2  }
0x86: {  	v4 =	vld [tilespmem:s9+$0xFFFFFF90];
	[tilespmem:s21+$0x40] =	vst v5  }
0x87: {  	[tilespmem:s21+$0xFFFFFFB0] =	vst v2;
	v2 =	vld [tilespmem:s4+$0x90];
	v1 =	vadd.f32 v1, v8  }
0x88: {  	v5 =	vld [tilespmem:s10+$0x50]  }
0x89: {  	v0 =	vadd.f32 v0, v3;
	v3 =	vld [tilespmem:s4+$0xFFFFFF80];
	[tilespmem:s19+$0xFFFFFFE0] =	vst v1  }
0x8a: {  	v1 =	vld [tilespmem:s10+$0xFFFFFFC0]  }
0x8b: {  	v4 =	vadd.f32 v4, v6;
	[tilespmem:s8+$0x10] =	vst v0;
	v0 =	vld [tilespmem:s1+$0xFFFFFFB0];
	s1 =	smov.u32 s4;
	s4 =	smov.u32 s12  }
0x8c: {  	v6 =	vld [tilespmem:s12+$0x20]  }
0x8d: {  	[tilespmem:s8+$0xFFFFFF90] =	vst v4;
	v4 =	vld [tilespmem:s9+$0x20];
	v2 =	vadd.f32 v5, v2  }
0x8e: {  	v5 =	vld [tilespmem:s12+$0xFFFFFF20]  }
0x8f: {  	v7 =	vld [tilespmem:s9+$0xFFFFFFA0];
	v1 =	vadd.f32 v1, v3;
	[tilespmem:s21+$0x50] =	vst v2  }
0x90: {  	v2 =	vld [tilespmem:s1+$0xA0]  }
0x91: {  	[tilespmem:s21+$0xFFFFFFC0] =	vst v1;
	v8 =	vld [tilespmem:s10+$0x60]  }
0x92: {  	v1 =	vadd.f32 v4, v6;
	v3 =	vld [tilespmem:s1+$0xFFFFFF90]  }
.Ltmp0:
0x93: {  	v4 =	vld [tilespmem:s10+$0xFFFFFFD0];
	(pc) =	sbr.rel @p0 .LBB2_2-.Ltmp0, $4  }
0x94: {  	v5 =	vadd.f32 v7, v5;
	[tilespmem:s8+$0x20] =	vst v1;
	v1 =	vld [tilespmem:s0+$0xFFFFFFF0];
	s0 =	smov.u32 s10;
	s10 =	smov.u32 s9  }
0x95: {  	v6 =	vld [tilespmem:s12+$0x30]  }
0x96: {  	[tilespmem:s8+$0xFFFFFFA0] =	vst v5;
	v7 =	vld [tilespmem:s9+$0x30];
	v5 =	vadd.f32 v8, v2  }
0x97: {  	s12 =	sadd.s32 $0x200, s12;
	v2 =	vld [tilespmem:s4+$0xFFFFFF30]  }
0x98: {  	v8 =	vld [tilespmem:s10+$0xFFFFFFB0];
	_ =	sdelay $0x2  }
0x99: {  	v6 =	vadd.f32 v7, v6;
	_ =	sdelay $0x1  }
0x9a: {  	[tilespmem:s8+$0x30] =	vst v6;
	v2 =	vadd.f32 v8, v2  }
0x9b: {  	v6 =	vld [tilespmem:s4+$0x80]  }
0x9c: {  	v7 =	vld [tilespmem:s10+$0x40];
	[tilespmem:s8+$0xFFFFFFB0] =	vst v2  }
0x9d: {  	v2 =	vld [tilespmem:s4+$0xFFFFFF80]  }
0x9e: {  	v8 =	vld [tilespmem:s10+$0xFFFFFFC0];
	_ =	sdelay $0x2  }
0x9f: {  	v6 =	vadd.f32 v7, v6;
	_ =	sdelay $0x1  }
0xa0: {  	[tilespmem:s8+$0x40] =	vst v6;
	v2 =	vadd.f32 v8, v2  }
0xa1: {  	v6 =	vld [tilespmem:s4+$0x90]  }
0xa2: {  	v7 =	vld [tilespmem:s10+$0x50];
	[tilespmem:s8+$0xFFFFFFC0] =	vst v2  }
0xa3: {  	v2 =	vld [tilespmem:s4+$0xFFFFFF90]  }
0xa4: {  	v8 =	vld [tilespmem:s10+$0xFFFFFFD0]  }
0xa5: {  	v3 =	vadd.f32 v4, v3;
	_ =	sdelay $0x1  }
0xa6: {  	[tilespmem:s21+$0xFFFFFFD0] =	vst v3;
	v3 =	vadd.f32 v7, v6  }
0xa7: {  	v4 =	vld [tilespmem:s1+$0xFFFFFFA0]  }
0xa8: {  	v6 =	vld [tilespmem:s0+$0xFFFFFFE0];
	[tilespmem:s8+$0x50] =	vst v3;
	v2 =	vadd.f32 v8, v2  }
0xa9: {  	v3 =	vld [tilespmem:s4+$0xA0]  }
0xaa: {  	v7 =	vld [tilespmem:s10+$0x60];
	[tilespmem:s8+$0xFFFFFFD0] =	vst v2  }
0xab: {  	v2 =	vld [tilespmem:s4+$0xFFFFFFA0]  }
0xac: {  	v8 =	vld [tilespmem:s10+$0xFFFFFFE0]  }
0xad: {  	[tilespmem:s21+$0x60] =	vst v5;
	v4 =	vadd.f32 v6, v4  }
0xae: {  	v5 =	vld [tilespmem:s1+$0xB0]  }
0xaf: {  	v6 =	vld [tilespmem:s0+$0x70];
	[tilespmem:s21+$0xFFFFFFE0] =	vst v4;
	v3 =	vadd.f32 v7, v3  }
0xb0: {  	v4 =	vld [tilespmem:s1+$0xFFFFFFB0]  }
0xb1: {  	v7 =	vld [tilespmem:s0+$0xFFFFFFF0];
	[tilespmem:s8+$0x60] =	vst v3;
	v2 =	vadd.f32 v8, v2  }
0xb2: {  	v3 =	vld [tilespmem:s4+$0xB0]  }
0xb3: {  	v8 =	vld [tilespmem:s10+$0x70];
	[tilespmem:s8+$0xFFFFFFE0] =	vst v2  }
0xb4: {  	v2 =	vld [tilespmem:s4+$0xFFFFFFB0]  }
0xb5: {  	v9 =	vld [tilespmem:s10+$0xFFFFFFF0]  }
0xb6: {  	v0 =	vadd.f32 v1, v0  }
0xb7: {  	v1 =	vadd.f32 v6, v5  }
0xb8: {  	[tilespmem:s19+$0xFFFFFFF0] =	vst v0;
	v0 =	vadd.f32 v7, v4  }
0xb9: {  	[tilespmem:s21+$0x70] =	vst v1;
	v1 =	vadd.f32 v8, v3  }
0xba: {  	[tilespmem:s21+$0xFFFFFFF0] =	vst v0;
	v0 =	vadd.f32 v9, v2  }
0xbb: {  	[tilespmem:s8+$0x70] =	vst v1  }
0xbc: {  	[tilespmem:s8+$0xFFFFFFF0] =	vst v0  }
0xbd: {  	s19 =	rddreg [dreg:$0x3]  }
0xbe: {  	[hbm4b:s19+s2] =	stream.linear.scatter [tilespmem:s24], [sflag:$0x3], $0x3200, $0x38;
	[tilespmem:$0x1C800] =	vst v63  }
0xbf: {  	s21 =	simm.s32 $0x190  }
0xc0: {  	[tilespmem:s16], [sflag:$0x1] =	stream.indirect.gather [hbm4b:s3+s15], $0x80, s21, s15, $0xb8;
	[tilespmem:$0x1C800] =	vst v63  }
0xc1: {  	s25 =	simm.s32 $0x210  }
0xc2: {  	[tilespmem:s18], [sflag:$0x1] =	stream.indirect.gather [hbm4b:s3+s17], $0x80, s25, s17, $0xb8;
	[tilespmem:$0x1C800] =	vst v63  }
0xc3: {  	_ =	swait.ge [sflag:s28], $0x6400  }
0xc4: {  	[sflag:s28] =	ssyncset.done $0x0  }
0xc5: {  	s11 =	simm.s32 $0xC9B0;
	[sflag:s28] =	ssyncadd.s32 $0xFFFF9C00  }
0xc6: {  	s26 =	simm.s32 $0x19480;
	v0 =	vld [tilespmem:s11+$0xFFFFFF50]  }
0xc7: {  	v1 =	vld [tilespmem:s26+$0x0];
	_ =	sdelay $0x4  }
0xc8: {  	v0 =	vadd.f32 v1, v0  }
0xc9: {  	s19 =	simm.s32 $0x160F0  }
0xca: {  	[tilespmem:s19+$0xFFFFFF90] =	vst v0  }
0xcb: {  	v0 =	vld [tilespmem:s11+$0xFFFFFF60]  }
0xcc: {  	v1 =	vld [tilespmem:s26+$0x10]  }
0xcd: {  	v2 =	vld [tilespmem:s26+$0xFFFFFF80]  }
0xce: {  	v3 =	vld [tilespmem:s11+$0xFFFFFE50];
	_ =	sdelay $0x2  }
0xcf: {  	v0 =	vadd.f32 v1, v0;
	_ =	sdelay $0x1  }
0xd0: {  	[tilespmem:s19+$0xFFFFFFA0] =	vst v0;
	v0 =	vadd.f32 v2, v3  }
0xd1: {  	v1 =	vld [tilespmem:s11+$0xFFFFFF70]  }
0xd2: {  	v2 =	vld [tilespmem:s26+$0x20];
	[tilespmem:s19+$0xFFFFFF10] =	vst v0  }
0xd3: {  	v0 =	vld [tilespmem:s11+$0xFFFFFE60]  }
0xd4: {  	v3 =	vld [tilespmem:s26+$0xFFFFFF90];
	_ =	sdelay $0x2  }
0xd5: {  	v1 =	vadd.f32 v2, v1;
	_ =	sdelay $0x1  }
0xd6: {  	[tilespmem:s19+$0xFFFFFFB0] =	vst v1;
	v0 =	vadd.f32 v3, v0  }
0xd7: {  	v1 =	vld [tilespmem:s11+$0xFFFFFF80]  }
0xd8: {  	v2 =	vld [tilespmem:s26+$0x30];
	[tilespmem:s19+$0xFFFFFF20] =	vst v0  }
0xd9: {  	v0 =	vld [tilespmem:s11+$0xFFFFFE70]  }
0xda: {  	s1 =	simm.s32 $0xCBB0;
	v3 =	vld [tilespmem:s26+$0xFFFFFFA0]  }
0xdb: {  	s0 =	simm.s32 $0x19580;
	v4 =	vld [tilespmem:s1+$0xFFFFFF50]  }
0xdc: {  	v5 =	vld [tilespmem:s0+$0x0]  }
0xdd: {  	v6 =	vld [tilespmem:s1+$0xFFFFFE50];
	v1 =	vadd.f32 v2, v1  }
0xde: {  	v2 =	vld [tilespmem:s0+$0xFFFFFF80]  }
0xdf: {  	[tilespmem:s19+$0xFFFFFFC0] =	vst v1;
	v0 =	vadd.f32 v3, v0  }
0xe0: {  	v1 =	vld [tilespmem:s11+$0xFFFFFFD0]  }
0xe1: {  	v3 =	vld [tilespmem:s26+$0x40];
	[tilespmem:s19+$0xFFFFFF30] =	vst v0;
	v0 =	vadd.f32 v5, v4  }
0xe2: {  	s21 =	simm.s32 $0x161F0;
	v4 =	vld [tilespmem:s11+$0xFFFFFE80]  }
0xe3: {  	v5 =	vld [tilespmem:s26+$0xFFFFFFB0];
	v2 =	vadd.f32 v2, v6;
	[tilespmem:s21+$0xFFFFFF90] =	vst v0  }
0xe4: {  	v0 =	vld [tilespmem:s1+$0xFFFFFF60]  }
0xe5: {  	[tilespmem:s21+$0xFFFFFF10] =	vst v2;
	v2 =	vld [tilespmem:s0+$0x10]  }
0xe6: {  	v1 =	vadd.f32 v3, v1;
	v3 =	vld [tilespmem:s1+$0xFFFFFE60]  }
0xe7: {  	v6 =	vld [tilespmem:s0+$0xFFFFFF90]  }
0xe8: {  	[tilespmem:s19+$0xFFFFFFD0] =	vst v1;
	v1 =	vadd.f32 v5, v4  }
0xe9: {  	v4 =	vld [tilespmem:s11+$0xFFFFFFE0]  }
0xea: {  	v5 =	vld [tilespmem:s26+$0x50];
	[tilespmem:s19+$0xFFFFFF40] =	vst v1;
	v0 =	vadd.f32 v2, v0  }
0xeb: {  	v1 =	vld [tilespmem:s11+$0xFFFFFED0]  }
0xec: {  	v2 =	vld [tilespmem:s26+$0xFFFFFFC0];
	v3 =	vadd.f32 v6, v3;
	[tilespmem:s21+$0xFFFFFFA0] =	vst v0  }
0xed: {  	v0 =	vld [tilespmem:s1+$0xFFFFFF70]  }
0xee: {  	[tilespmem:s21+$0xFFFFFF20] =	vst v3;
	v3 =	vld [tilespmem:s0+$0x20]  }
0xef: {  	v4 =	vadd.f32 v5, v4;
	v5 =	vld [tilespmem:s1+$0xFFFFFE70]  }
0xf0: {  	v6 =	vld [tilespmem:s0+$0xFFFFFFA0]  }
0xf1: {  	s9 =	simm.s32 $0x19680  }
0xf2: {  	v8 =	vld [tilespmem:s9+$0x0];
	[tilespmem:s19+$0xFFFFFFE0] =	vst v4  }
0xf3: {  	v1 =	vadd.f32 v2, v1;
	v2 =	vld [tilespmem:s11+$0xFFFFFFF0];
	v0 =	vadd.f32 v3, v0  }
0xf4: {  	s4 =	simm.s32 $0xCDB0;
	v4 =	vld [tilespmem:s26+$0x60]  }
0xf5: {  	v60 =	vld [tilespmem:s4+$0xFFFFFE50];
	v5 =	vadd.f32 v6, v5;
	[tilespmem:s21+$0xFFFFFFB0] =	vst v0  }
0xf6: {  	[tilespmem:s19+$0xFFFFFF50] =	vst v1;
	v0 =	vld [tilespmem:s1+$0xFFFFFF80]  }
0xf7: {  	[tilespmem:s21+$0xFFFFFF30] =	vst v5;
	v5 =	vld [tilespmem:s0+$0x30]  }
0xf8: {  	v1 =	vld [tilespmem:s11+$0xFFFFFEE0]  }
0xf9: {  	v3 =	vld [tilespmem:s26+$0xFFFFFFD0];
	v2 =	vadd.f32 v4, v2  }
0xfa: {  	v6 =	vld [tilespmem:s4+$0xFFFFFF50]  }
0xfb: {  	v4 =	vld [tilespmem:s1+$0xFFFFFE80];
	[tilespmem:s19+$0xFFFFFFF0] =	vst v2  }
0xfc: {  	v2 =	vld [tilespmem:s11+$0x0];
	v0 =	vadd.f32 v5, v0  }
0xfd: {  	v7 =	vld [tilespmem:s26+$0x70]  }
0xfe: {  	v5 =	vld [tilespmem:s9+$0xFFFFFF80];
	[tilespmem:s21+$0xFFFFFFC0] =	vst v0  }
0xff: {  	v0 =	vadd.f32 v3, v1;
	v1 =	vld [tilespmem:s1+$0xFFFFFFD0]  }
0x100: {  	v3 =	vld [tilespmem:s0+$0x40]  }
0x101: {  	[tilespmem:s19+$0xFFFFFF60] =	vst v0;
	v0 =	vadd.f32 v8, v6;
	v6 =	vld [tilespmem:s0+$0xFFFFFFB0]  }
0x102: {  	s8 =	simm.s32 $0x162F0;
	v8 =	vld [tilespmem:s11+$0xFFFFFEF0]  }
0x103: {  	v5 =	vadd.f32 v5, v60;
	[tilespmem:s8+$0xFFFFFF90] =	vst v0;
	v0 =	vld [tilespmem:s26+$0xFFFFFFE0]  }
0x104: {  	v61 =	vld [tilespmem:s4+$0xFFFFFF60]  }
0x105: {  	[tilespmem:s8+$0xFFFFFF10] =	vst v5;
	v5 =	vld [tilespmem:s9+$0x10];
	v1 =	vadd.f32 v3, v1  }
0x106: {  	v3 =	vld [tilespmem:s4+$0xFFFFFE60]  }
0x107: {  	v4 =	vadd.f32 v6, v4;
	v6 =	vld [tilespmem:s9+$0xFFFFFF90];
	[tilespmem:s21+$0xFFFFFFD0] =	vst v1  }
0x108: {  	v1 =	vld [tilespmem:s1+$0xFFFFFFE0]  }
0x109: {  	[tilespmem:s21+$0xFFFFFF40] =	vst v4;
	v0 =	vadd.f32 v0, v8;
	v4 =	vld [tilespmem:s0+$0x50]  }
0x10a: {  	v5 =	vadd.f32 v5, v61;
	v8 =	vld [tilespmem:s1+$0xFFFFFED0]  }
0x10b: {  	v62 =	vld [tilespmem:s0+$0xFFFFFFC0];
	[tilespmem:s19+$0xFFFFFF70] =	vst v0  }
0x10c: {  	v3 =	vadd.f32 v6, v3;
	[tilespmem:s8+$0xFFFFFFA0] =	vst v5;
	v0 =	vld [tilespmem:s11+$0xFFFFFF00]  }
0x10d: {  	v5 =	vld [tilespmem:s4+$0xFFFFFF70]  }
0x10e: {  	[tilespmem:s8+$0xFFFFFF20] =	vst v3;
	v3 =	vld [tilespmem:s9+$0x20];
	v1 =	vadd.f32 v4, v1  }
0x10f: {  	v6 =	vld [tilespmem:s4+$0xFFFFFE70]  }
0x110: {  	v10 =	vld [tilespmem:s9+$0xFFFFFFA0];
	v4 =	vadd.f32 v62, v8;
	[tilespmem:s21+$0xFFFFFFE0] =	vst v1  }
0x111: {  	v8 =	vld [tilespmem:s1+$0xFFFFFFF0]  }
0x112: {  	[tilespmem:s21+$0xFFFFFF50] =	vst v4;
	v63 =	vld [tilespmem:s0+$0x60]  }
0x113: {  	v4 =	vld [tilespmem:s0+$0xFFFFFFD0];
	v1 =	vadd.f32 v3, v5  }
0x114: {  	v3 =	vld [tilespmem:s1+$0xFFFFFEE0]  }
0x115: {  	v5 =	vadd.f32 v10, v6;
	[tilespmem:s8+$0xFFFFFFB0] =	vst v1;
	v1 =	vld [tilespmem:s26+$0xFFFFFFF0]  }
0x116: {  	v2 =	vadd.f32 v7, v2;
	v6 =	vld [tilespmem:s4+$0xFFFFFF80]  }
0x117: {  	[tilespmem:s8+$0xFFFFFF30] =	vst v5;
	v7 =	vld [tilespmem:s9+$0x30];
	v5 =	vadd.f32 v63, v8  }
0x118: {  	s12 =	simm.s32 $0xCFB0;
	s10 =	simm.s32 $0x19680;
	[tilespmem:s19+$0x0] =	vst v2;
	s11 =	simm.s32 $0x4;
	v2 =	vld [tilespmem:s4+$0xFFFFFE80]  }
.LBB2_4:
0x119: {  	v8 =	vld [tilespmem:s12+$0xFFFFFF50];
	v3 =	vadd.f32 v4, v3;
	[tilespmem:s21+$0xFFFFFFF0] =	vst v5  }
0x11a: {  	v4 =	vld [tilespmem:s1+$0x0];
	v0 =	vadd.f32 v1, v0  }
0x11b: {  	s9 =	sadd.s32 $0x100, s9;
	[tilespmem:s21+$0xFFFFFF60] =	vst v3;
	v1 =	vld [tilespmem:s0+$0x70]  }
0x11c: {  	v3 =	vld [tilespmem:s9+$0x0];
	v5 =	vadd.f32 v7, v6;
	[tilespmem:s19+$0xFFFFFF80] =	vst v0;
	s19 =	smov.u32 s21;
	s21 =	smov.u32 s8  }
0x11d: {  	v0 =	vld [tilespmem:s9+$0xFFFFFF80]  }
0x11e: {  	v6 =	vld [tilespmem:s12+$0xFFFFFE50];
	[tilespmem:s8+$0xFFFFFFC0] =	vst v5  }
0x11f: {  	v5 =	vld [tilespmem:s4+$0xFFFFFFD0]  }
0x120: {  	v7 =	vld [tilespmem:s10+$0x40];
	v1 =	vadd.f32 v1, v4  }
0x121: {  	v3 =	vadd.f32 v3, v8;
	v4 =	vld [tilespmem:s10+$0xFFFFFFB0]  }
0x122: {  	s8 =	sadd.s32 $0x100, s8;
	v8 =	vld [tilespmem:s1+$0xFFFFFEF0];
	[tilespmem:s19+$0x0] =	vst v1  }
0x123: {  	s11 =	sadd.s32 $0x2, s11;
	v0 =	vadd.f32 v0, v6;
	[tilespmem:s8+$0xFFFFFF90] =	vst v3;
	v1 =	vld [tilespmem:s0+$0xFFFFFFE0]  }
0x124: {  	p0 =	slt.u32 s11, $0x62;
	v3 =	vld [tilespmem:s12+$0xFFFFFF60]  }
0x125: {  	[tilespmem:s8+$0xFFFFFF10] =	vst v0;
	v0 =	vld [tilespmem:s9+$0x10];
	v5 =	vadd.f32 v7, v5  }
0x126: {  	v6 =	vld [tilespmem:s12+$0xFFFFFE60];
	v2 =	vadd.f32 v4, v2  }
0x127: {  	v4 =	vld [tilespmem:s9+$0xFFFFFF90];
	[tilespmem:s21+$0xFFFFFFD0] =	vst v5  }
0x128: {  	[tilespmem:s21+$0xFFFFFF40] =	vst v2;
	v2 =	vld [tilespmem:s4+$0xFFFFFFE0];
	v1 =	vadd.f32 v1, v8  }
0x129: {  	v5 =	vld [tilespmem:s10+$0x50]  }
0x12a: {  	v0 =	vadd.f32 v0, v3;
	v3 =	vld [tilespmem:s4+$0xFFFFFED0];
	[tilespmem:s19+$0xFFFFFF70] =	vst v1  }
0x12b: {  	v1 =	vld [tilespmem:s10+$0xFFFFFFC0]  }
0x12c: {  	v4 =	vadd.f32 v4, v6;
	[tilespmem:s8+$0xFFFFFFA0] =	vst v0;
	v0 =	vld [tilespmem:s1+$0xFFFFFF00];
	s1 =	smov.u32 s4;
	s4 =	smov.u32 s12  }
0x12d: {  	v6 =	vld [tilespmem:s12+$0xFFFFFF70]  }
0x12e: {  	[tilespmem:s8+$0xFFFFFF20] =	vst v4;
	v4 =	vld [tilespmem:s9+$0x20];
	v2 =	vadd.f32 v5, v2  }
0x12f: {  	v5 =	vld [tilespmem:s12+$0xFFFFFE70]  }
0x130: {  	v7 =	vld [tilespmem:s9+$0xFFFFFFA0];
	v1 =	vadd.f32 v1, v3;
	[tilespmem:s21+$0xFFFFFFE0] =	vst v2  }
0x131: {  	v2 =	vld [tilespmem:s1+$0xFFFFFFF0]  }
0x132: {  	[tilespmem:s21+$0xFFFFFF50] =	vst v1;
	v8 =	vld [tilespmem:s10+$0x60]  }
0x133: {  	v1 =	vadd.f32 v4, v6;
	v3 =	vld [tilespmem:s1+$0xFFFFFEE0]  }
.Ltmp1:
0x134: {  	v4 =	vld [tilespmem:s10+$0xFFFFFFD0];
	(pc) =	sbr.rel @p0 .LBB2_4-.Ltmp1, $4  }
0x135: {  	v5 =	vadd.f32 v7, v5;
	[tilespmem:s8+$0xFFFFFFB0] =	vst v1;
	v1 =	vld [tilespmem:s0+$0xFFFFFFF0];
	s0 =	smov.u32 s10;
	s10 =	smov.u32 s9  }
0x136: {  	v6 =	vld [tilespmem:s12+$0xFFFFFF80]  }
0x137: {  	[tilespmem:s8+$0xFFFFFF30] =	vst v5;
	v7 =	vld [tilespmem:s9+$0x30];
	v5 =	vadd.f32 v8, v2  }
0x138: {  	s12 =	sadd.s32 $0x200, s12;
	v2 =	vld [tilespmem:s4+$0xFFFFFE80]  }
0x139: {  	v8 =	vld [tilespmem:s10+$0xFFFFFFB0];
	_ =	sdelay $0x2  }
0x13a: {  	v6 =	vadd.f32 v7, v6;
	_ =	sdelay $0x1  }
0x13b: {  	[tilespmem:s8+$0xFFFFFFC0] =	vst v6;
	v2 =	vadd.f32 v8, v2  }
0x13c: {  	v6 =	vld [tilespmem:s4+$0xFFFFFFD0]  }
0x13d: {  	v48 =	vld [tilespmem:s10+$0x40];
	[tilespmem:s8+$0xFFFFFF40] =	vst v2  }
0x13e: {  	v2 =	vld [tilespmem:s4+$0xFFFFFED0]  }
0x13f: {  	v49 =	vld [tilespmem:s10+$0xFFFFFFC0];
	_ =	sdelay $0x2  }
0x140: {  	v6 =	vadd.f32 v48, v6;
	_ =	sdelay $0x1  }
0x141: {  	[tilespmem:s8+$0xFFFFFFD0] =	vst v6;
	v2 =	vadd.f32 v49, v2  }
0x142: {  	v6 =	vld [tilespmem:s4+$0xFFFFFFE0]  }
0x143: {  	v50 =	vld [tilespmem:s10+$0x50];
	[tilespmem:s8+$0xFFFFFF50] =	vst v2  }
0x144: {  	v2 =	vld [tilespmem:s4+$0xFFFFFEE0]  }
0x145: {  	v51 =	vld [tilespmem:s10+$0xFFFFFFD0]  }
0x146: {  	v3 =	vadd.f32 v4, v3;
	_ =	sdelay $0x1  }
0x147: {  	[tilespmem:s21+$0xFFFFFF60] =	vst v3;
	v52 =	vadd.f32 v50, v6  }
0x148: {  	v53 =	vld [tilespmem:s1+$0xFFFFFEF0]  }
0x149: {  	v54 =	vld [tilespmem:s0+$0xFFFFFFE0];
	[tilespmem:s8+$0xFFFFFFE0] =	vst v52;
	v2 =	vadd.f32 v51, v2  }
0x14a: {  	v3 =	vld [tilespmem:s4+$0xFFFFFFF0]  }
0x14b: {  	v55 =	vld [tilespmem:s10+$0x60];
	[tilespmem:s8+$0xFFFFFF60] =	vst v2  }
0x14c: {  	v2 =	vld [tilespmem:s4+$0xFFFFFEF0]  }
0x14d: {  	v56 =	vld [tilespmem:s10+$0xFFFFFFE0]  }
0x14e: {  	[tilespmem:s21+$0xFFFFFFF0] =	vst v5;
	v4 =	vadd.f32 v54, v53  }
0x14f: {  	v5 =	vld [tilespmem:s1+$0x0]  }
0x150: {  	v57 =	vld [tilespmem:s0+$0x70];
	[tilespmem:s21+$0xFFFFFF70] =	vst v4;
	v3 =	vadd.f32 v55, v3  }
0x151: {  	v4 =	vld [tilespmem:s1+$0xFFFFFF00]  }
0x152: {  	v58 =	vld [tilespmem:s0+$0xFFFFFFF0];
	[tilespmem:s8+$0xFFFFFFF0] =	vst v3;
	v2 =	vadd.f32 v56, v2  }
0x153: {  	v3 =	vld [tilespmem:s4+$0x0]  }
0x154: {  	v59 =	vld [tilespmem:s10+$0x70];
	[tilespmem:s8+$0xFFFFFF70] =	vst v2  }
0x155: {  	v2 =	vld [tilespmem:s4+$0xFFFFFF00]  }
0x156: {  	v9 =	vld [tilespmem:s10+$0xFFFFFFF0]  }
0x157: {  	v0 =	vadd.f32 v1, v0  }
0x158: {  	v60 =	vadd.f32 v57, v5  }
0x159: {  	[tilespmem:s19+$0xFFFFFF80] =	vst v0;
	v61 =	vadd.f32 v58, v4  }
0x15a: {  	[tilespmem:s21+$0x0] =	vst v60;
	v62 =	vadd.f32 v59, v3  }
0x15b: {  	[tilespmem:s21+$0xFFFFFF80] =	vst v61;
	v63 =	vadd.f32 v9, v2  }
0x15c: {  	[tilespmem:s8+$0x0] =	vst v62  }
0x15d: {  	[tilespmem:s8+$0xFFFFFF80] =	vst v63  }
0x15e: {  	s19 =	simm.s32 $0x1;
	s26 =	rddreg [dreg:$0x5]  }
0x15f: {  	[hbm4b:s26+s2] =	stream.linear.scatter [tilespmem:s29], [sflag:$0x4], $0x3200, $0x38;
	[tilespmem:$0x1C800] =	vst v63  }
.LBB2_6:
0x160: {  	s21 =	sshllo.u32 s19, $0x1  }
0x161: {  	s0 =	smul.u32 $0x320, s21;
	_ =	sdelay $0x1  }
0x162: {  	s0 =	sshra.s32 s0, $0x2  }
0x163: {  	[tilespmem:s20], [sflag:$0x2] =	stream.indirect.gather [hbm4b:s3+s15], $0x80, s0, s15, $0xb8;
	[tilespmem:$0x1C800] =	vst v63  }
0x164: {  	s0 =	sadd.s32 $0x80, s0  }
0x165: {  	[tilespmem:s22], [sflag:$0x2] =	stream.indirect.gather [hbm4b:s3+s17], $0x80, s0, s17, $0xb8;
	[tilespmem:$0x1C800] =	vst v63  }
0x166: {  	_ =	swait.ge [sflag:s30], $0x3200  }
0x167: {  	[sflag:s30] =	ssyncset.done $0x0  }
0x168: {  	[sflag:s30] =	ssyncadd.s32 $0xFFFFCE00  }
0x169: {  	_ =	swait.ge [sflag:s23], $0x6400  }
0x16a: {  	[sflag:s23] =	ssyncset.done $0x0  }
0x16b: {  	s11 =	simm.s32 $0x6500;
	[sflag:s23] =	ssyncadd.s32 $0xFFFF9C00  }
0x16c: {  	s10 =	simm.s32 $0x19480;
	v0 =	vld [tilespmem:s11+$0x0]  }
0x16d: {  	v1 =	vld [tilespmem:s10+$0x0];
	_ =	sdelay $0x4  }
0x16e: {  	v0 =	vadd.f32 v1, v0  }
0x16f: {  	s25 =	simm.s32 $0x12C80  }
0x170: {  	[tilespmem:s25+$0x0] =	vst v0  }
0x171: {  	v0 =	vld [tilespmem:s11+$0x10]  }
0x172: {  	v1 =	vld [tilespmem:s10+$0x10]  }
0x173: {  	v2 =	vld [tilespmem:s10+$0xFFFFFF80]  }
0x174: {  	v3 =	vld [tilespmem:s11+$0xFFFFFF00];
	_ =	sdelay $0x2  }
0x175: {  	v0 =	vadd.f32 v1, v0;
	_ =	sdelay $0x1  }
0x176: {  	[tilespmem:s25+$0x10] =	vst v0;
	v0 =	vadd.f32 v2, v3  }
0x177: {  	v1 =	vld [tilespmem:s11+$0x20]  }
0x178: {  	v2 =	vld [tilespmem:s10+$0x20];
	[tilespmem:s25+$0xFFFFFF80] =	vst v0  }
0x179: {  	v0 =	vld [tilespmem:s11+$0xFFFFFF10]  }
0x17a: {  	v3 =	vld [tilespmem:s10+$0xFFFFFF90];
	_ =	sdelay $0x2  }
0x17b: {  	v1 =	vadd.f32 v2, v1;
	_ =	sdelay $0x1  }
0x17c: {  	[tilespmem:s25+$0x20] =	vst v1;
	v0 =	vadd.f32 v3, v0  }
0x17d: {  	v1 =	vld [tilespmem:s11+$0x30]  }
0x17e: {  	v2 =	vld [tilespmem:s10+$0x30];
	[tilespmem:s25+$0xFFFFFF90] =	vst v0  }
0x17f: {  	v0 =	vld [tilespmem:s11+$0xFFFFFF20]  }
0x180: {  	s1 =	simm.s32 $0x6700;
	v3 =	vld [tilespmem:s10+$0xFFFFFFA0]  }
0x181: {  	s0 =	simm.s32 $0x19580;
	v4 =	vld [tilespmem:s1+$0x0]  }
0x182: {  	v5 =	vld [tilespmem:s0+$0x0]  }
0x183: {  	v6 =	vld [tilespmem:s1+$0xFFFFFF00];
	v1 =	vadd.f32 v2, v1  }
0x184: {  	v2 =	vld [tilespmem:s0+$0xFFFFFF80]  }
0x185: {  	[tilespmem:s25+$0x30] =	vst v1;
	v0 =	vadd.f32 v3, v0  }
0x186: {  	v1 =	vld [tilespmem:s11+$0x80]  }
0x187: {  	v3 =	vld [tilespmem:s10+$0x40];
	[tilespmem:s25+$0xFFFFFFA0] =	vst v0;
	v0 =	vadd.f32 v5, v4  }
0x188: {  	s26 =	simm.s32 $0x12D80;
	v4 =	vld [tilespmem:s11+$0xFFFFFF30]  }
0x189: {  	v5 =	vld [tilespmem:s10+$0xFFFFFFB0];
	v2 =	vadd.f32 v2, v6;
	[tilespmem:s26+$0x0] =	vst v0  }
0x18a: {  	v0 =	vld [tilespmem:s1+$0x10]  }
0x18b: {  	[tilespmem:s26+$0xFFFFFF80] =	vst v2;
	v2 =	vld [tilespmem:s0+$0x10]  }
0x18c: {  	v1 =	vadd.f32 v3, v1;
	v3 =	vld [tilespmem:s1+$0xFFFFFF10]  }
0x18d: {  	v6 =	vld [tilespmem:s0+$0xFFFFFF90]  }
0x18e: {  	[tilespmem:s25+$0x40] =	vst v1;
	v1 =	vadd.f32 v5, v4  }
0x18f: {  	v4 =	vld [tilespmem:s11+$0x90]  }
0x190: {  	v5 =	vld [tilespmem:s10+$0x50];
	[tilespmem:s25+$0xFFFFFFB0] =	vst v1;
	v0 =	vadd.f32 v2, v0  }
0x191: {  	v1 =	vld [tilespmem:s11+$0xFFFFFF80]  }
0x192: {  	v2 =	vld [tilespmem:s10+$0xFFFFFFC0];
	v3 =	vadd.f32 v6, v3;
	[tilespmem:s26+$0x10] =	vst v0  }
0x193: {  	v0 =	vld [tilespmem:s1+$0x20]  }
0x194: {  	[tilespmem:s26+$0xFFFFFF90] =	vst v3;
	v3 =	vld [tilespmem:s0+$0x20]  }
0x195: {  	v4 =	vadd.f32 v5, v4;
	v5 =	vld [tilespmem:s1+$0xFFFFFF20]  }
0x196: {  	v6 =	vld [tilespmem:s0+$0xFFFFFFA0]  }
0x197: {  	s9 =	simm.s32 $0x19680  }
0x198: {  	v8 =	vld [tilespmem:s9+$0x0];
	[tilespmem:s25+$0x50] =	vst v4  }
0x199: {  	v1 =	vadd.f32 v2, v1;
	v2 =	vld [tilespmem:s11+$0xA0];
	v0 =	vadd.f32 v3, v0  }
0x19a: {  	s4 =	simm.s32 $0x6900;
	v4 =	vld [tilespmem:s10+$0x60]  }
0x19b: {  	v9 =	vld [tilespmem:s4+$0xFFFFFF00];
	v5 =	vadd.f32 v6, v5;
	[tilespmem:s26+$0x20] =	vst v0  }
0x19c: {  	[tilespmem:s25+$0xFFFFFFC0] =	vst v1;
	v0 =	vld [tilespmem:s1+$0x30]  }
0x19d: {  	[tilespmem:s26+$0xFFFFFFA0] =	vst v5;
	v5 =	vld [tilespmem:s0+$0x30]  }
0x19e: {  	v1 =	vld [tilespmem:s11+$0xFFFFFF90]  }
0x19f: {  	v3 =	vld [tilespmem:s10+$0xFFFFFFD0];
	v2 =	vadd.f32 v4, v2  }
0x1a0: {  	v6 =	vld [tilespmem:s4+$0x0]  }
0x1a1: {  	v4 =	vld [tilespmem:s1+$0xFFFFFF30];
	[tilespmem:s25+$0x60] =	vst v2  }
0x1a2: {  	v2 =	vld [tilespmem:s11+$0xB0];
	v0 =	vadd.f32 v5, v0  }
0x1a3: {  	v7 =	vld [tilespmem:s10+$0x70]  }
0x1a4: {  	v5 =	vld [tilespmem:s9+$0xFFFFFF80];
	[tilespmem:s26+$0x30] =	vst v0  }
0x1a5: {  	v0 =	vadd.f32 v3, v1;
	v1 =	vld [tilespmem:s1+$0x80]  }
0x1a6: {  	v3 =	vld [tilespmem:s0+$0x40]  }
0x1a7: {  	[tilespmem:s25+$0xFFFFFFD0] =	vst v0;
	v0 =	vadd.f32 v8, v6;
	v6 =	vld [tilespmem:s0+$0xFFFFFFB0]  }
0x1a8: {  	s8 =	simm.s32 $0x12E80;
	v8 =	vld [tilespmem:s11+$0xFFFFFFA0]  }
0x1a9: {  	v5 =	vadd.f32 v5, v9;
	[tilespmem:s8+$0x0] =	vst v0;
	v0 =	vld [tilespmem:s10+$0xFFFFFFE0]  }
0x1aa: {  	v61 =	vld [tilespmem:s4+$0x10]  }
0x1ab: {  	[tilespmem:s8+$0xFFFFFF80] =	vst v5;
	v5 =	vld [tilespmem:s9+$0x10];
	v1 =	vadd.f32 v3, v1  }
0x1ac: {  	v3 =	vld [tilespmem:s4+$0xFFFFFF10]  }
0x1ad: {  	v4 =	vadd.f32 v6, v4;
	v6 =	vld [tilespmem:s9+$0xFFFFFF90];
	[tilespmem:s26+$0x40] =	vst v1  }
0x1ae: {  	v1 =	vld [tilespmem:s1+$0x90]  }
0x1af: {  	[tilespmem:s26+$0xFFFFFFB0] =	vst v4;
	v0 =	vadd.f32 v0, v8;
	v4 =	vld [tilespmem:s0+$0x50]  }
0x1b0: {  	v5 =	vadd.f32 v5, v61;
	v8 =	vld [tilespmem:s1+$0xFFFFFF80]  }
0x1b1: {  	v62 =	vld [tilespmem:s0+$0xFFFFFFC0];
	[tilespmem:s25+$0xFFFFFFE0] =	vst v0  }
0x1b2: {  	v3 =	vadd.f32 v6, v3;
	[tilespmem:s8+$0x10] =	vst v5;
	v0 =	vld [tilespmem:s11+$0xFFFFFFB0]  }
0x1b3: {  	v5 =	vld [tilespmem:s4+$0x20]  }
0x1b4: {  	[tilespmem:s8+$0xFFFFFF90] =	vst v3;
	v3 =	vld [tilespmem:s9+$0x20];
	v1 =	vadd.f32 v4, v1  }
0x1b5: {  	v6 =	vld [tilespmem:s4+$0xFFFFFF20]  }
0x1b6: {  	v10 =	vld [tilespmem:s9+$0xFFFFFFA0];
	v4 =	vadd.f32 v62, v8;
	[tilespmem:s26+$0x50] =	vst v1  }
0x1b7: {  	v8 =	vld [tilespmem:s1+$0xA0]  }
0x1b8: {  	[tilespmem:s26+$0xFFFFFFC0] =	vst v4;
	v63 =	vld [tilespmem:s0+$0x60]  }
0x1b9: {  	v4 =	vld [tilespmem:s0+$0xFFFFFFD0];
	v1 =	vadd.f32 v3, v5  }
0x1ba: {  	v3 =	vld [tilespmem:s1+$0xFFFFFF90]  }
0x1bb: {  	v5 =	vadd.f32 v10, v6;
	[tilespmem:s8+$0x20] =	vst v1;
	v1 =	vld [tilespmem:s10+$0xFFFFFFF0]  }
0x1bc: {  	v2 =	vadd.f32 v7, v2;
	v6 =	vld [tilespmem:s4+$0x30]  }
0x1bd: {  	s12 =	simm.s32 $0x4;
	[tilespmem:s8+$0xFFFFFFA0] =	vst v5;
	v7 =	vld [tilespmem:s9+$0x30];
	v5 =	vadd.f32 v63, v8  }
0x1be: {  	s7 =	simm.s32 $0x6B00;
	[tilespmem:s25+$0x70] =	vst v2;
	s11 =	simm.s32 $0x19680;
	s10 =	sshll.u32 s19, $0x1;
	v2 =	vld [tilespmem:s4+$0xFFFFFF30]  }
.LBB2_7:
0x1bf: {  	v8 =	vld [tilespmem:s7+$0x0];
	v3 =	vadd.f32 v4, v3;
	[tilespmem:s26+$0x60] =	vst v5  }
0x1c0: {  	v4 =	vld [tilespmem:s1+$0xB0];
	v0 =	vadd.f32 v1, v0  }
0x1c1: {  	s9 =	sadd.s32 $0x100, s9;
	[tilespmem:s26+$0xFFFFFFD0] =	vst v3;
	v1 =	vld [tilespmem:s0+$0x70]  }
0x1c2: {  	v3 =	vld [tilespmem:s9+$0x0];
	v5 =	vadd.f32 v7, v6;
	[tilespmem:s25+$0xFFFFFFF0] =	vst v0;
	s25 =	smov.u32 s26;
	s26 =	smov.u32 s8  }
0x1c3: {  	v0 =	vld [tilespmem:s9+$0xFFFFFF80]  }
0x1c4: {  	v6 =	vld [tilespmem:s7+$0xFFFFFF00];
	[tilespmem:s8+$0x30] =	vst v5  }
0x1c5: {  	v5 =	vld [tilespmem:s4+$0x80]  }
0x1c6: {  	v7 =	vld [tilespmem:s11+$0x40];
	v1 =	vadd.f32 v1, v4  }
0x1c7: {  	v3 =	vadd.f32 v3, v8;
	v4 =	vld [tilespmem:s11+$0xFFFFFFB0]  }
0x1c8: {  	s8 =	sadd.s32 $0x100, s8;
	v8 =	vld [tilespmem:s1+$0xFFFFFFA0];
	[tilespmem:s25+$0x70] =	vst v1  }
0x1c9: {  	s12 =	sadd.s32 $0x2, s12;
	v0 =	vadd.f32 v0, v6;
	[tilespmem:s8+$0x0] =	vst v3;
	v1 =	vld [tilespmem:s0+$0xFFFFFFE0]  }
0x1ca: {  	p0 =	slt.u32 s12, $0x62;
	v3 =	vld [tilespmem:s7+$0x10]  }
0x1cb: {  	[tilespmem:s8+$0xFFFFFF80] =	vst v0;
	v0 =	vld [tilespmem:s9+$0x10];
	v5 =	vadd.f32 v7, v5  }
0x1cc: {  	v6 =	vld [tilespmem:s7+$0xFFFFFF10];
	v2 =	vadd.f32 v4, v2  }
0x1cd: {  	v4 =	vld [tilespmem:s9+$0xFFFFFF90];
	[tilespmem:s26+$0x40] =	vst v5  }
0x1ce: {  	[tilespmem:s26+$0xFFFFFFB0] =	vst v2;
	v2 =	vld [tilespmem:s4+$0x90];
	v1 =	vadd.f32 v1, v8  }
0x1cf: {  	v5 =	vld [tilespmem:s11+$0x50]  }
0x1d0: {  	v0 =	vadd.f32 v0, v3;
	v3 =	vld [tilespmem:s4+$0xFFFFFF80];
	[tilespmem:s25+$0xFFFFFFE0] =	vst v1  }
0x1d1: {  	v1 =	vld [tilespmem:s11+$0xFFFFFFC0]  }
0x1d2: {  	v4 =	vadd.f32 v4, v6;
	[tilespmem:s8+$0x10] =	vst v0;
	v0 =	vld [tilespmem:s1+$0xFFFFFFB0];
	s1 =	smov.u32 s4;
	s4 =	smov.u32 s7  }
0x1d3: {  	v6 =	vld [tilespmem:s7+$0x20]  }
0x1d4: {  	[tilespmem:s8+$0xFFFFFF90] =	vst v4;
	v4 =	vld [tilespmem:s9+$0x20];
	v2 =	vadd.f32 v5, v2  }
0x1d5: {  	v5 =	vld [tilespmem:s7+$0xFFFFFF20]  }
0x1d6: {  	v7 =	vld [tilespmem:s9+$0xFFFFFFA0];
	v1 =	vadd.f32 v1, v3;
	[tilespmem:s26+$0x50] =	vst v2  }
0x1d7: {  	v2 =	vld [tilespmem:s1+$0xA0]  }
0x1d8: {  	[tilespmem:s26+$0xFFFFFFC0] =	vst v1;
	v8 =	vld [tilespmem:s11+$0x60]  }
0x1d9: {  	v1 =	vadd.f32 v4, v6;
	v3 =	vld [tilespmem:s1+$0xFFFFFF90]  }
.Ltmp2:
0x1da: {  	v4 =	vld [tilespmem:s11+$0xFFFFFFD0];
	(pc) =	sbr.rel @p0 .LBB2_7-.Ltmp2, $4  }
0x1db: {  	v5 =	vadd.f32 v7, v5;
	[tilespmem:s8+$0x20] =	vst v1;
	v1 =	vld [tilespmem:s0+$0xFFFFFFF0];
	s0 =	smov.u32 s11;
	s11 =	smov.u32 s9  }
0x1dc: {  	v6 =	vld [tilespmem:s7+$0x30]  }
0x1dd: {  	[tilespmem:s8+$0xFFFFFFA0] =	vst v5;
	v7 =	vld [tilespmem:s9+$0x30];
	v5 =	vadd.f32 v8, v2  }
0x1de: {  	s7 =	sadd.s32 $0x200, s7;
	v2 =	vld [tilespmem:s4+$0xFFFFFF30]  }
0x1df: {  	v8 =	vld [tilespmem:s11+$0xFFFFFFB0];
	_ =	sdelay $0x2  }
0x1e0: {  	v6 =	vadd.f32 v7, v6;
	_ =	sdelay $0x1  }
0x1e1: {  	[tilespmem:s8+$0x30] =	vst v6;
	v2 =	vadd.f32 v8, v2  }
0x1e2: {  	v6 =	vld [tilespmem:s4+$0x80]  }
0x1e3: {  	v7 =	vld [tilespmem:s11+$0x40];
	[tilespmem:s8+$0xFFFFFFB0] =	vst v2  }
0x1e4: {  	v2 =	vld [tilespmem:s4+$0xFFFFFF80]  }
0x1e5: {  	v8 =	vld [tilespmem:s11+$0xFFFFFFC0];
	_ =	sdelay $0x2  }
0x1e6: {  	v6 =	vadd.f32 v7, v6;
	_ =	sdelay $0x1  }
0x1e7: {  	[tilespmem:s8+$0x40] =	vst v6;
	v2 =	vadd.f32 v8, v2  }
0x1e8: {  	v6 =	vld [tilespmem:s4+$0x90]  }
0x1e9: {  	v7 =	vld [tilespmem:s11+$0x50];
	[tilespmem:s8+$0xFFFFFFC0] =	vst v2  }
0x1ea: {  	v2 =	vld [tilespmem:s4+$0xFFFFFF90]  }
0x1eb: {  	v8 =	vld [tilespmem:s11+$0xFFFFFFD0]  }
0x1ec: {  	v3 =	vadd.f32 v4, v3;
	_ =	sdelay $0x1  }
0x1ed: {  	[tilespmem:s26+$0xFFFFFFD0] =	vst v3;
	v3 =	vadd.f32 v7, v6  }
0x1ee: {  	v4 =	vld [tilespmem:s1+$0xFFFFFFA0]  }
0x1ef: {  	v6 =	vld [tilespmem:s0+$0xFFFFFFE0];
	[tilespmem:s8+$0x50] =	vst v3;
	v2 =	vadd.f32 v8, v2  }
0x1f0: {  	v3 =	vld [tilespmem:s4+$0xA0]  }
0x1f1: {  	v7 =	vld [tilespmem:s11+$0x60];
	[tilespmem:s8+$0xFFFFFFD0] =	vst v2  }
0x1f2: {  	v2 =	vld [tilespmem:s4+$0xFFFFFFA0]  }
0x1f3: {  	v8 =	vld [tilespmem:s11+$0xFFFFFFE0]  }
0x1f4: {  	[tilespmem:s26+$0x60] =	vst v5;
	v4 =	vadd.f32 v6, v4  }
0x1f5: {  	v5 =	vld [tilespmem:s1+$0xB0]  }
0x1f6: {  	v6 =	vld [tilespmem:s0+$0x70];
	[tilespmem:s26+$0xFFFFFFE0] =	vst v4;
	v3 =	vadd.f32 v7, v3  }
0x1f7: {  	v4 =	vld [tilespmem:s1+$0xFFFFFFB0]  }
0x1f8: {  	v7 =	vld [tilespmem:s0+$0xFFFFFFF0];
	[tilespmem:s8+$0x60] =	vst v3;
	v2 =	vadd.f32 v8, v2  }
0x1f9: {  	v3 =	vld [tilespmem:s4+$0xB0]  }
0x1fa: {  	v8 =	vld [tilespmem:s11+$0x70];
	[tilespmem:s8+$0xFFFFFFE0] =	vst v2  }
0x1fb: {  	v2 =	vld [tilespmem:s4+$0xFFFFFFB0]  }
0x1fc: {  	v9 =	vld [tilespmem:s11+$0xFFFFFFF0]  }
0x1fd: {  	v0 =	vadd.f32 v1, v0  }
0x1fe: {  	v1 =	vadd.f32 v6, v5  }
0x1ff: {  	[tilespmem:s25+$0xFFFFFFF0] =	vst v0;
	v0 =	vadd.f32 v7, v4  }
0x200: {  	s7 =	sadd.s32 s6, s10;
	[tilespmem:s26+$0x70] =	vst v1;
	v1 =	vadd.f32 v8, v3  }
0x201: {  	s0 =	smul.u32 $0x680, s7;
	[tilespmem:s26+$0xFFFFFFF0] =	vst v0;
	v0 =	vadd.f32 v9, v2  }
0x202: {  	[tilespmem:s8+$0x70] =	vst v1  }
0x203: {  	s0 =	sadd.s32 s5, s0;
	[tilespmem:s8+$0xFFFFFFF0] =	vst v0;
	s8 =	smul.u32 $0x640, s19  }
0x204: {  	[hbm4b:s0+s2] =	stream.linear.scatter [tilespmem:s24], [sflag:$0x3], $0x3200, $0x38;
	[tilespmem:$0x1C800] =	vst v63  }
0x205: {  	s9 =	sshra.s32 s8, $0x2  }
0x206: {  	s1 =	sadd.s32 $0x190, s9  }
0x207: {  	[tilespmem:s16], [sflag:$0x1] =	stream.indirect.gather [hbm4b:s3+s15], $0x80, s1, s15, $0xb8;
	[tilespmem:$0x1C800] =	vst v63  }
0x208: {  	s0 =	sadd.s32 $0x210, s9  }
0x209: {  	[tilespmem:s18], [sflag:$0x1] =	stream.indirect.gather [hbm4b:s3+s17], $0x80, s0, s17, $0xb8;
	[tilespmem:$0x1C800] =	vst v63  }
0x20a: {  	_ =	swait.ge [sflag:s31], $0x3200  }
0x20b: {  	[sflag:s31] =	ssyncset.done $0x0  }
0x20c: {  	[sflag:s31] =	ssyncadd.s32 $0xFFFFCE00  }
0x20d: {  	_ =	swait.ge [sflag:s28], $0x6400  }
0x20e: {  	[sflag:s28] =	ssyncset.done $0x0  }
0x20f: {  	s10 =	simm.s32 $0xC9B0;
	[sflag:s28] =	ssyncadd.s32 $0xFFFF9C00  }
0x210: {  	s12 =	simm.s32 $0x19480;
	v0 =	vld [tilespmem:s10+$0xFFFFFF50]  }
0x211: {  	v1 =	vld [tilespmem:s12+$0x0];
	_ =	sdelay $0x4  }
0x212: {  	v0 =	vadd.f32 v1, v0  }
0x213: {  	s25 =	simm.s32 $0x160F0  }
0x214: {  	[tilespmem:s25+$0xFFFFFF90] =	vst v0  }
0x215: {  	v0 =	vld [tilespmem:s10+$0xFFFFFF60]  }
0x216: {  	v1 =	vld [tilespmem:s12+$0x10]  }
0x217: {  	v2 =	vld [tilespmem:s12+$0xFFFFFF80]  }
0x218: {  	v3 =	vld [tilespmem:s10+$0xFFFFFE50];
	_ =	sdelay $0x2  }
0x219: {  	v0 =	vadd.f32 v1, v0;
	_ =	sdelay $0x1  }
0x21a: {  	[tilespmem:s25+$0xFFFFFFA0] =	vst v0;
	v0 =	vadd.f32 v2, v3  }
0x21b: {  	v1 =	vld [tilespmem:s10+$0xFFFFFF70]  }
0x21c: {  	v2 =	vld [tilespmem:s12+$0x20];
	[tilespmem:s25+$0xFFFFFF10] =	vst v0  }
0x21d: {  	v0 =	vld [tilespmem:s10+$0xFFFFFE60]  }
0x21e: {  	v3 =	vld [tilespmem:s12+$0xFFFFFF90];
	_ =	sdelay $0x2  }
0x21f: {  	v1 =	vadd.f32 v2, v1;
	_ =	sdelay $0x1  }
0x220: {  	[tilespmem:s25+$0xFFFFFFB0] =	vst v1;
	v0 =	vadd.f32 v3, v0  }
0x221: {  	v1 =	vld [tilespmem:s10+$0xFFFFFF80]  }
0x222: {  	v2 =	vld [tilespmem:s12+$0x30];
	[tilespmem:s25+$0xFFFFFF20] =	vst v0  }
0x223: {  	v0 =	vld [tilespmem:s10+$0xFFFFFE70]  }
0x224: {  	s0 =	simm.s32 $0xCBB0;
	v3 =	vld [tilespmem:s12+$0xFFFFFFA0]  }
0x225: {  	s1 =	simm.s32 $0x19580;
	v4 =	vld [tilespmem:s0+$0xFFFFFF50]  }
0x226: {  	v5 =	vld [tilespmem:s1+$0x0]  }
0x227: {  	v6 =	vld [tilespmem:s0+$0xFFFFFE50];
	v1 =	vadd.f32 v2, v1  }
0x228: {  	v2 =	vld [tilespmem:s1+$0xFFFFFF80]  }
0x229: {  	[tilespmem:s25+$0xFFFFFFC0] =	vst v1;
	v0 =	vadd.f32 v3, v0  }
0x22a: {  	v1 =	vld [tilespmem:s10+$0xFFFFFFD0]  }
0x22b: {  	v3 =	vld [tilespmem:s12+$0x40];
	[tilespmem:s25+$0xFFFFFF30] =	vst v0;
	v0 =	vadd.f32 v5, v4  }
0x22c: {  	s26 =	simm.s32 $0x161F0;
	v4 =	vld [tilespmem:s10+$0xFFFFFE80]  }
0x22d: {  	v5 =	vld [tilespmem:s12+$0xFFFFFFB0];
	v2 =	vadd.f32 v2, v6;
	[tilespmem:s26+$0xFFFFFF90] =	vst v0  }
0x22e: {  	v0 =	vld [tilespmem:s0+$0xFFFFFF60]  }
0x22f: {  	[tilespmem:s26+$0xFFFFFF10] =	vst v2;
	v2 =	vld [tilespmem:s1+$0x10]  }
0x230: {  	v1 =	vadd.f32 v3, v1;
	v3 =	vld [tilespmem:s0+$0xFFFFFE60]  }
0x231: {  	v6 =	vld [tilespmem:s1+$0xFFFFFF90]  }
0x232: {  	[tilespmem:s25+$0xFFFFFFD0] =	vst v1;
	v1 =	vadd.f32 v5, v4  }
0x233: {  	v4 =	vld [tilespmem:s10+$0xFFFFFFE0]  }
0x234: {  	v5 =	vld [tilespmem:s12+$0x50];
	[tilespmem:s25+$0xFFFFFF40] =	vst v1;
	v0 =	vadd.f32 v2, v0  }
0x235: {  	v1 =	vld [tilespmem:s10+$0xFFFFFED0]  }
0x236: {  	v2 =	vld [tilespmem:s12+$0xFFFFFFC0];
	v3 =	vadd.f32 v6, v3;
	[tilespmem:s26+$0xFFFFFFA0] =	vst v0  }
0x237: {  	v0 =	vld [tilespmem:s0+$0xFFFFFF70]  }
0x238: {  	[tilespmem:s26+$0xFFFFFF20] =	vst v3;
	v3 =	vld [tilespmem:s1+$0x20]  }
0x239: {  	v4 =	vadd.f32 v5, v4;
	v5 =	vld [tilespmem:s0+$0xFFFFFE70]  }
0x23a: {  	v6 =	vld [tilespmem:s1+$0xFFFFFFA0]  }
0x23b: {  	s9 =	simm.s32 $0x19680  }
0x23c: {  	v8 =	vld [tilespmem:s9+$0x0];
	[tilespmem:s25+$0xFFFFFFE0] =	vst v4  }
0x23d: {  	v1 =	vadd.f32 v2, v1;
	v2 =	vld [tilespmem:s10+$0xFFFFFFF0];
	v0 =	vadd.f32 v3, v0  }
0x23e: {  	s4 =	simm.s32 $0xCDB0;
	v4 =	vld [tilespmem:s12+$0x60]  }
0x23f: {  	v60 =	vld [tilespmem:s4+$0xFFFFFE50];
	v5 =	vadd.f32 v6, v5;
	[tilespmem:s26+$0xFFFFFFB0] =	vst v0  }
0x240: {  	[tilespmem:s25+$0xFFFFFF50] =	vst v1;
	v0 =	vld [tilespmem:s0+$0xFFFFFF80]  }
0x241: {  	[tilespmem:s26+$0xFFFFFF30] =	vst v5;
	v5 =	vld [tilespmem:s1+$0x30]  }
0x242: {  	v1 =	vld [tilespmem:s10+$0xFFFFFEE0]  }
0x243: {  	v3 =	vld [tilespmem:s12+$0xFFFFFFD0];
	v2 =	vadd.f32 v4, v2  }
0x244: {  	v6 =	vld [tilespmem:s4+$0xFFFFFF50]  }
0x245: {  	v4 =	vld [tilespmem:s0+$0xFFFFFE80];
	[tilespmem:s25+$0xFFFFFFF0] =	vst v2  }
0x246: {  	v2 =	vld [tilespmem:s10+$0x0];
	v0 =	vadd.f32 v5, v0  }
0x247: {  	v7 =	vld [tilespmem:s12+$0x70]  }
0x248: {  	v5 =	vld [tilespmem:s9+$0xFFFFFF80];
	[tilespmem:s26+$0xFFFFFFC0] =	vst v0  }
0x249: {  	v0 =	vadd.f32 v3, v1;
	v1 =	vld [tilespmem:s0+$0xFFFFFFD0]  }
0x24a: {  	v3 =	vld [tilespmem:s1+$0x40]  }
0x24b: {  	[tilespmem:s25+$0xFFFFFF60] =	vst v0;
	v0 =	vadd.f32 v8, v6;
	v6 =	vld [tilespmem:s1+$0xFFFFFFB0]  }
0x24c: {  	s8 =	simm.s32 $0x162F0;
	v8 =	vld [tilespmem:s10+$0xFFFFFEF0]  }
0x24d: {  	v5 =	vadd.f32 v5, v60;
	[tilespmem:s8+$0xFFFFFF90] =	vst v0;
	v0 =	vld [tilespmem:s12+$0xFFFFFFE0]  }
0x24e: {  	v61 =	vld [tilespmem:s4+$0xFFFFFF60]  }
0x24f: {  	[tilespmem:s8+$0xFFFFFF10] =	vst v5;
	v5 =	vld [tilespmem:s9+$0x10];
	v1 =	vadd.f32 v3, v1  }
0x250: {  	v3 =	vld [tilespmem:s4+$0xFFFFFE60]  }
0x251: {  	v4 =	vadd.f32 v6, v4;
	v6 =	vld [tilespmem:s9+$0xFFFFFF90];
	[tilespmem:s26+$0xFFFFFFD0] =	vst v1  }
0x252: {  	v1 =	vld [tilespmem:s0+$0xFFFFFFE0]  }
0x253: {  	[tilespmem:s26+$0xFFFFFF40] =	vst v4;
	v0 =	vadd.f32 v0, v8;
	v4 =	vld [tilespmem:s1+$0x50]  }
0x254: {  	v5 =	vadd.f32 v5, v61;
	v8 =	vld [tilespmem:s0+$0xFFFFFED0]  }
0x255: {  	v62 =	vld [tilespmem:s1+$0xFFFFFFC0];
	[tilespmem:s25+$0xFFFFFF70] =	vst v0  }
0x256: {  	v3 =	vadd.f32 v6, v3;
	[tilespmem:s8+$0xFFFFFFA0] =	vst v5;
	v0 =	vld [tilespmem:s10+$0xFFFFFF00]  }
0x257: {  	v5 =	vld [tilespmem:s4+$0xFFFFFF70]  }
0x258: {  	[tilespmem:s8+$0xFFFFFF20] =	vst v3;
	v3 =	vld [tilespmem:s9+$0x20];
	v1 =	vadd.f32 v4, v1  }
0x259: {  	v6 =	vld [tilespmem:s4+$0xFFFFFE70]  }
0x25a: {  	v10 =	vld [tilespmem:s9+$0xFFFFFFA0];
	v4 =	vadd.f32 v62, v8;
	[tilespmem:s26+$0xFFFFFFE0] =	vst v1  }
0x25b: {  	v8 =	vld [tilespmem:s0+$0xFFFFFFF0]  }
0x25c: {  	[tilespmem:s26+$0xFFFFFF50] =	vst v4;
	v63 =	vld [tilespmem:s1+$0x60]  }
0x25d: {  	v4 =	vld [tilespmem:s1+$0xFFFFFFD0];
	v1 =	vadd.f32 v3, v5  }
0x25e: {  	v3 =	vld [tilespmem:s0+$0xFFFFFEE0]  }
0x25f: {  	v5 =	vadd.f32 v10, v6;
	[tilespmem:s8+$0xFFFFFFB0] =	vst v1;
	v1 =	vld [tilespmem:s12+$0xFFFFFFF0]  }
0x260: {  	v2 =	vadd.f32 v7, v2;
	v6 =	vld [tilespmem:s4+$0xFFFFFF80]  }
0x261: {  	[tilespmem:s8+$0xFFFFFF30] =	vst v5;
	v7 =	vld [tilespmem:s9+$0x30];
	v5 =	vadd.f32 v63, v8  }
0x262: {  	s7 =	simm.s32 $0xCFB0;
	s11 =	simm.s32 $0x4;
	[tilespmem:s25+$0x0] =	vst v2;
	s10 =	simm.s32 $0x19680;
	v2 =	vld [tilespmem:s4+$0xFFFFFE80]  }
.LBB2_9:
0x263: {  	v8 =	vld [tilespmem:s7+$0xFFFFFF50];
	v3 =	vadd.f32 v4, v3;
	[tilespmem:s26+$0xFFFFFFF0] =	vst v5  }
0x264: {  	v4 =	vld [tilespmem:s0+$0x0];
	v0 =	vadd.f32 v1, v0  }
0x265: {  	s9 =	sadd.s32 $0x100, s9;
	[tilespmem:s26+$0xFFFFFF60] =	vst v3;
	v1 =	vld [tilespmem:s1+$0x70]  }
0x266: {  	v3 =	vld [tilespmem:s9+$0x0];
	v5 =	vadd.f32 v7, v6;
	[tilespmem:s25+$0xFFFFFF80] =	vst v0;
	s25 =	smov.u32 s26;
	s26 =	smov.u32 s8  }
0x267: {  	v0 =	vld [tilespmem:s9+$0xFFFFFF80]  }
0x268: {  	v6 =	vld [tilespmem:s7+$0xFFFFFE50];
	[tilespmem:s8+$0xFFFFFFC0] =	vst v5  }
0x269: {  	v5 =	vld [tilespmem:s4+$0xFFFFFFD0]  }
0x26a: {  	v7 =	vld [tilespmem:s10+$0x40];
	v1 =	vadd.f32 v1, v4  }
0x26b: {  	v3 =	vadd.f32 v3, v8;
	v4 =	vld [tilespmem:s10+$0xFFFFFFB0]  }
0x26c: {  	s8 =	sadd.s32 $0x100, s8;
	v8 =	vld [tilespmem:s0+$0xFFFFFEF0];
	[tilespmem:s25+$0x0] =	vst v1  }
0x26d: {  	s11 =	sadd.s32 $0x2, s11;
	v0 =	vadd.f32 v0, v6;
	[tilespmem:s8+$0xFFFFFF90] =	vst v3;
	v1 =	vld [tilespmem:s1+$0xFFFFFFE0]  }
0x26e: {  	p0 =	slt.u32 s11, $0x62;
	v3 =	vld [tilespmem:s7+$0xFFFFFF60]  }
0x26f: {  	[tilespmem:s8+$0xFFFFFF10] =	vst v0;
	v0 =	vld [tilespmem:s9+$0x10];
	v5 =	vadd.f32 v7, v5  }
0x270: {  	v6 =	vld [tilespmem:s7+$0xFFFFFE60];
	v2 =	vadd.f32 v4, v2  }
0x271: {  	v4 =	vld [tilespmem:s9+$0xFFFFFF90];
	[tilespmem:s26+$0xFFFFFFD0] =	vst v5  }
0x272: {  	[tilespmem:s26+$0xFFFFFF40] =	vst v2;
	v2 =	vld [tilespmem:s4+$0xFFFFFFE0];
	v1 =	vadd.f32 v1, v8  }
0x273: {  	v5 =	vld [tilespmem:s10+$0x50]  }
0x274: {  	v0 =	vadd.f32 v0, v3;
	v3 =	vld [tilespmem:s4+$0xFFFFFED0];
	[tilespmem:s25+$0xFFFFFF70] =	vst v1  }
0x275: {  	v1 =	vld [tilespmem:s10+$0xFFFFFFC0]  }
0x276: {  	v4 =	vadd.f32 v4, v6;
	[tilespmem:s8+$0xFFFFFFA0] =	vst v0;
	v0 =	vld [tilespmem:s0+$0xFFFFFF00];
	s0 =	smov.u32 s4;
	s4 =	smov.u32 s7  }
0x277: {  	v6 =	vld [tilespmem:s7+$0xFFFFFF70]  }
0x278: {  	[tilespmem:s8+$0xFFFFFF20] =	vst v4;
	v4 =	vld [tilespmem:s9+$0x20];
	v2 =	vadd.f32 v5, v2  }
0x279: {  	v5 =	vld [tilespmem:s7+$0xFFFFFE70]  }
0x27a: {  	v7 =	vld [tilespmem:s9+$0xFFFFFFA0];
	v1 =	vadd.f32 v1, v3;
	[tilespmem:s26+$0xFFFFFFE0] =	vst v2  }
0x27b: {  	v2 =	vld [tilespmem:s0+$0xFFFFFFF0]  }
0x27c: {  	[tilespmem:s26+$0xFFFFFF50] =	vst v1;
	v8 =	vld [tilespmem:s10+$0x60]  }
0x27d: {  	v1 =	vadd.f32 v4, v6;
	v3 =	vld [tilespmem:s0+$0xFFFFFEE0]  }
.Ltmp3:
0x27e: {  	v4 =	vld [tilespmem:s10+$0xFFFFFFD0];
	(pc) =	sbr.rel @p0 .LBB2_9-.Ltmp3, $4  }
0x27f: {  	v5 =	vadd.f32 v7, v5;
	[tilespmem:s8+$0xFFFFFFB0] =	vst v1;
	v1 =	vld [tilespmem:s1+$0xFFFFFFF0];
	s1 =	smov.u32 s10;
	s10 =	smov.u32 s9  }
0x280: {  	v6 =	vld [tilespmem:s7+$0xFFFFFF80]  }
0x281: {  	[tilespmem:s8+$0xFFFFFF30] =	vst v5;
	v7 =	vld [tilespmem:s9+$0x30];
	v5 =	vadd.f32 v8, v2  }
0x282: {  	s7 =	sadd.s32 $0x200, s7;
	v2 =	vld [tilespmem:s4+$0xFFFFFE80]  }
0x283: {  	v8 =	vld [tilespmem:s10+$0xFFFFFFB0];
	_ =	sdelay $0x2  }
0x284: {  	v6 =	vadd.f32 v7, v6;
	_ =	sdelay $0x1  }
0x285: {  	[tilespmem:s8+$0xFFFFFFC0] =	vst v6;
	v2 =	vadd.f32 v8, v2  }
0x286: {  	v6 =	vld [tilespmem:s4+$0xFFFFFFD0]  }
0x287: {  	v48 =	vld [tilespmem:s10+$0x40];
	[tilespmem:s8+$0xFFFFFF40] =	vst v2  }
0x288: {  	v2 =	vld [tilespmem:s4+$0xFFFFFED0]  }
0x289: {  	v49 =	vld [tilespmem:s10+$0xFFFFFFC0];
	_ =	sdelay $0x2  }
0x28a: {  	v6 =	vadd.f32 v48, v6;
	_ =	sdelay $0x1  }
0x28b: {  	[tilespmem:s8+$0xFFFFFFD0] =	vst v6;
	v2 =	vadd.f32 v49, v2  }
0x28c: {  	v6 =	vld [tilespmem:s4+$0xFFFFFFE0]  }
0x28d: {  	v50 =	vld [tilespmem:s10+$0x50];
	[tilespmem:s8+$0xFFFFFF50] =	vst v2  }
0x28e: {  	v2 =	vld [tilespmem:s4+$0xFFFFFEE0]  }
0x28f: {  	v51 =	vld [tilespmem:s10+$0xFFFFFFD0]  }
0x290: {  	v3 =	vadd.f32 v4, v3;
	_ =	sdelay $0x1  }
0x291: {  	[tilespmem:s26+$0xFFFFFF60] =	vst v3;
	v52 =	vadd.f32 v50, v6  }
0x292: {  	v53 =	vld [tilespmem:s0+$0xFFFFFEF0]  }
0x293: {  	v54 =	vld [tilespmem:s1+$0xFFFFFFE0];
	[tilespmem:s8+$0xFFFFFFE0] =	vst v52;
	v2 =	vadd.f32 v51, v2  }
0x294: {  	v3 =	vld [tilespmem:s4+$0xFFFFFFF0]  }
0x295: {  	v55 =	vld [tilespmem:s10+$0x60];
	[tilespmem:s8+$0xFFFFFF60] =	vst v2  }
0x296: {  	v2 =	vld [tilespmem:s4+$0xFFFFFEF0]  }
0x297: {  	v56 =	vld [tilespmem:s10+$0xFFFFFFE0]  }
0x298: {  	[tilespmem:s26+$0xFFFFFFF0] =	vst v5;
	v4 =	vadd.f32 v54, v53  }
0x299: {  	v5 =	vld [tilespmem:s0+$0x0]  }
0x29a: {  	v57 =	vld [tilespmem:s1+$0x70];
	[tilespmem:s26+$0xFFFFFF70] =	vst v4;
	v3 =	vadd.f32 v55, v3  }
0x29b: {  	v4 =	vld [tilespmem:s0+$0xFFFFFF00]  }
0x29c: {  	v58 =	vld [tilespmem:s1+$0xFFFFFFF0];
	[tilespmem:s8+$0xFFFFFFF0] =	vst v3;
	v2 =	vadd.f32 v56, v2  }
0x29d: {  	v3 =	vld [tilespmem:s4+$0x0]  }
0x29e: {  	v59 =	vld [tilespmem:s10+$0x70];
	[tilespmem:s8+$0xFFFFFF70] =	vst v2  }
0x29f: {  	v2 =	vld [tilespmem:s4+$0xFFFFFF00]  }
0x2a0: {  	v9 =	vld [tilespmem:s10+$0xFFFFFFF0]  }
0x2a1: {  	v0 =	vadd.f32 v1, v0  }
0x2a2: {  	s19 =	sadd.s32 $0x1, s19;
	v60 =	vadd.f32 v57, v5  }
0x2a3: {  	p0 =	sne.s32 s19, $0x3F;
	[tilespmem:s25+$0xFFFFFF80] =	vst v0;
	v61 =	vadd.f32 v58, v4  }
.Ltmp4:
0x2a4: {  	s25 =	sadd.s32 s6, s21;
	[tilespmem:s26+$0x0] =	vst v60;
	v62 =	vadd.f32 v59, v3;
	(pc) =	sbr.rel @p0 .LBB2_6-.Ltmp4, $4  }
0x2a5: {  	s0 =	smul.u32 $0x680, s25;
	[tilespmem:s26+$0xFFFFFF80] =	vst v61;
	v63 =	vadd.f32 v9, v2  }
0x2a6: {  	[tilespmem:s8+$0x0] =	vst v62  }
0x2a7: {  	s0 =	sadd.s32 s5, s0;
	[tilespmem:s8+$0xFFFFFF80] =	vst v63  }
0x2a8: {  	[hbm4b:s0+s2] =	stream.linear.scatter [tilespmem:s29], [sflag:$0x4], $0x3200, $0x38;
	[tilespmem:$0x1C800] =	vst v63  }
0x2a9: {  	s0 =	simm.s32 $0x6338  }
0x2aa: {  	[tilespmem:s20], [sflag:$0x2] =	stream.indirect.gather [hbm4b:s3+s15], $0x80, s0, s15, $0xb8;
	[tilespmem:$0x1C800] =	vst v63  }
0x2ab: {  	s26 =	simm.s32 $0x63B8  }
0x2ac: {  	[tilespmem:s22], [sflag:$0x2] =	stream.indirect.gather [hbm4b:s3+s17], $0x80, s26, s17, $0xb8;
	[tilespmem:$0x1C800] =	vst v63  }
0x2ad: {  	_ =	swait.ge [sflag:s30], $0x3200  }
0x2ae: {  	[sflag:s30] =	ssyncset.done $0x0  }
0x2af: {  	[sflag:s30] =	ssyncadd.s32 $0xFFFFCE00  }
0x2b0: {  	_ =	swait.ge [sflag:s23], $0x6400  }
0x2b1: {  	[sflag:s23] =	ssyncset.done $0x0  }
0x2b2: {  	s11 =	simm.s32 $0x6500;
	[sflag:s23] =	ssyncadd.s32 $0xFFFF9C00  }
0x2b3: {  	s10 =	simm.s32 $0x19480;
	v0 =	vld [tilespmem:s11+$0x0]  }
0x2b4: {  	v1 =	vld [tilespmem:s10+$0x0];
	_ =	sdelay $0x4  }
0x2b5: {  	v0 =	vadd.f32 v1, v0  }
0x2b6: {  	s19 =	simm.s32 $0x12C80  }
0x2b7: {  	[tilespmem:s19+$0x0] =	vst v0  }
0x2b8: {  	v0 =	vld [tilespmem:s11+$0x10]  }
0x2b9: {  	v1 =	vld [tilespmem:s10+$0x10]  }
0x2ba: {  	v2 =	vld [tilespmem:s10+$0xFFFFFF80]  }
0x2bb: {  	v3 =	vld [tilespmem:s11+$0xFFFFFF00];
	_ =	sdelay $0x2  }
0x2bc: {  	v0 =	vadd.f32 v1, v0;
	_ =	sdelay $0x1  }
0x2bd: {  	[tilespmem:s19+$0x10] =	vst v0;
	v0 =	vadd.f32 v2, v3  }
0x2be: {  	v1 =	vld [tilespmem:s11+$0x20]  }
0x2bf: {  	v2 =	vld [tilespmem:s10+$0x20];
	[tilespmem:s19+$0xFFFFFF80] =	vst v0  }
0x2c0: {  	v0 =	vld [tilespmem:s11+$0xFFFFFF10]  }
0x2c1: {  	v3 =	vld [tilespmem:s10+$0xFFFFFF90];
	_ =	sdelay $0x2  }
0x2c2: {  	v1 =	vadd.f32 v2, v1;
	_ =	sdelay $0x1  }
0x2c3: {  	[tilespmem:s19+$0x20] =	vst v1;
	v0 =	vadd.f32 v3, v0  }
0x2c4: {  	v1 =	vld [tilespmem:s11+$0x30]  }
0x2c5: {  	v2 =	vld [tilespmem:s10+$0x30];
	[tilespmem:s19+$0xFFFFFF90] =	vst v0  }
0x2c6: {  	v0 =	vld [tilespmem:s11+$0xFFFFFF20]  }
0x2c7: {  	s0 =	simm.s32 $0x6700;
	v3 =	vld [tilespmem:s10+$0xFFFFFFA0]  }
0x2c8: {  	s21 =	simm.s32 $0x19580;
	v4 =	vld [tilespmem:s0+$0x0]  }
0x2c9: {  	v5 =	vld [tilespmem:s21+$0x0]  }
0x2ca: {  	v6 =	vld [tilespmem:s0+$0xFFFFFF00];
	v1 =	vadd.f32 v2, v1  }
0x2cb: {  	v2 =	vld [tilespmem:s21+$0xFFFFFF80]  }
0x2cc: {  	[tilespmem:s19+$0x30] =	vst v1;
	v0 =	vadd.f32 v3, v0  }
0x2cd: {  	v1 =	vld [tilespmem:s11+$0x80]  }
0x2ce: {  	v3 =	vld [tilespmem:s10+$0x40];
	[tilespmem:s19+$0xFFFFFFA0] =	vst v0;
	v0 =	vadd.f32 v5, v4  }
0x2cf: {  	s1 =	simm.s32 $0x12D80;
	v4 =	vld [tilespmem:s11+$0xFFFFFF30]  }
0x2d0: {  	v5 =	vld [tilespmem:s10+$0xFFFFFFB0];
	v2 =	vadd.f32 v2, v6;
	[tilespmem:s1+$0x0] =	vst v0  }
0x2d1: {  	v0 =	vld [tilespmem:s0+$0x10]  }
0x2d2: {  	[tilespmem:s1+$0xFFFFFF80] =	vst v2;
	v2 =	vld [tilespmem:s21+$0x10]  }
0x2d3: {  	v1 =	vadd.f32 v3, v1;
	v3 =	vld [tilespmem:s0+$0xFFFFFF10]  }
0x2d4: {  	v6 =	vld [tilespmem:s21+$0xFFFFFF90]  }
0x2d5: {  	[tilespmem:s19+$0x40] =	vst v1;
	v1 =	vadd.f32 v5, v4  }
0x2d6: {  	v4 =	vld [tilespmem:s11+$0x90]  }
0x2d7: {  	v5 =	vld [tilespmem:s10+$0x50];
	[tilespmem:s19+$0xFFFFFFB0] =	vst v1;
	v0 =	vadd.f32 v2, v0  }
0x2d8: {  	v1 =	vld [tilespmem:s11+$0xFFFFFF80]  }
0x2d9: {  	v2 =	vld [tilespmem:s10+$0xFFFFFFC0];
	v3 =	vadd.f32 v6, v3;
	[tilespmem:s1+$0x10] =	vst v0  }
0x2da: {  	v0 =	vld [tilespmem:s0+$0x20]  }
0x2db: {  	[tilespmem:s1+$0xFFFFFF90] =	vst v3;
	v3 =	vld [tilespmem:s21+$0x20]  }
0x2dc: {  	v4 =	vadd.f32 v5, v4;
	v5 =	vld [tilespmem:s0+$0xFFFFFF20]  }
0x2dd: {  	v6 =	vld [tilespmem:s21+$0xFFFFFFA0]  }
0x2de: {  	s9 =	simm.s32 $0x19680  }
0x2df: {  	v8 =	vld [tilespmem:s9+$0x0];
	[tilespmem:s19+$0x50] =	vst v4  }
0x2e0: {  	v1 =	vadd.f32 v2, v1;
	v2 =	vld [tilespmem:s11+$0xA0];
	v0 =	vadd.f32 v3, v0  }
0x2e1: {  	s4 =	simm.s32 $0x6900;
	v4 =	vld [tilespmem:s10+$0x60]  }
0x2e2: {  	v9 =	vld [tilespmem:s4+$0xFFFFFF00];
	v5 =	vadd.f32 v6, v5;
	[tilespmem:s1+$0x20] =	vst v0  }
0x2e3: {  	[tilespmem:s19+$0xFFFFFFC0] =	vst v1;
	v0 =	vld [tilespmem:s0+$0x30]  }
0x2e4: {  	[tilespmem:s1+$0xFFFFFFA0] =	vst v5;
	v5 =	vld [tilespmem:s21+$0x30]  }
0x2e5: {  	v1 =	vld [tilespmem:s11+$0xFFFFFF90]  }
0x2e6: {  	v3 =	vld [tilespmem:s10+$0xFFFFFFD0];
	v2 =	vadd.f32 v4, v2  }
0x2e7: {  	v6 =	vld [tilespmem:s4+$0x0]  }
0x2e8: {  	v4 =	vld [tilespmem:s0+$0xFFFFFF30];
	[tilespmem:s19+$0x60] =	vst v2  }
0x2e9: {  	v2 =	vld [tilespmem:s11+$0xB0];
	v0 =	vadd.f32 v5, v0  }
0x2ea: {  	v7 =	vld [tilespmem:s10+$0x70]  }
0x2eb: {  	v5 =	vld [tilespmem:s9+$0xFFFFFF80];
	[tilespmem:s1+$0x30] =	vst v0  }
0x2ec: {  	v0 =	vadd.f32 v3, v1;
	v1 =	vld [tilespmem:s0+$0x80]  }
0x2ed: {  	v3 =	vld [tilespmem:s21+$0x40]  }
0x2ee: {  	[tilespmem:s19+$0xFFFFFFD0] =	vst v0;
	v0 =	vadd.f32 v8, v6;
	v6 =	vld [tilespmem:s21+$0xFFFFFFB0]  }
0x2ef: {  	s8 =	simm.s32 $0x12E80;
	v8 =	vld [tilespmem:s11+$0xFFFFFFA0]  }
0x2f0: {  	v5 =	vadd.f32 v5, v9;
	[tilespmem:s8+$0x0] =	vst v0;
	v0 =	vld [tilespmem:s10+$0xFFFFFFE0]  }
0x2f1: {  	v61 =	vld [tilespmem:s4+$0x10]  }
0x2f2: {  	[tilespmem:s8+$0xFFFFFF80] =	vst v5;
	v5 =	vld [tilespmem:s9+$0x10];
	v1 =	vadd.f32 v3, v1  }
0x2f3: {  	v3 =	vld [tilespmem:s4+$0xFFFFFF10]  }
0x2f4: {  	v4 =	vadd.f32 v6, v4;
	v6 =	vld [tilespmem:s9+$0xFFFFFF90];
	[tilespmem:s1+$0x40] =	vst v1  }
0x2f5: {  	v1 =	vld [tilespmem:s0+$0x90]  }
0x2f6: {  	[tilespmem:s1+$0xFFFFFFB0] =	vst v4;
	v0 =	vadd.f32 v0, v8;
	v4 =	vld [tilespmem:s21+$0x50]  }
0x2f7: {  	v5 =	vadd.f32 v5, v61;
	v8 =	vld [tilespmem:s0+$0xFFFFFF80]  }
0x2f8: {  	v62 =	vld [tilespmem:s21+$0xFFFFFFC0];
	[tilespmem:s19+$0xFFFFFFE0] =	vst v0  }
0x2f9: {  	v3 =	vadd.f32 v6, v3;
	[tilespmem:s8+$0x10] =	vst v5;
	v0 =	vld [tilespmem:s11+$0xFFFFFFB0]  }
0x2fa: {  	v5 =	vld [tilespmem:s4+$0x20]  }
0x2fb: {  	[tilespmem:s8+$0xFFFFFF90] =	vst v3;
	v3 =	vld [tilespmem:s9+$0x20];
	v1 =	vadd.f32 v4, v1  }
0x2fc: {  	v6 =	vld [tilespmem:s4+$0xFFFFFF20]  }
0x2fd: {  	v10 =	vld [tilespmem:s9+$0xFFFFFFA0];
	v4 =	vadd.f32 v62, v8;
	[tilespmem:s1+$0x50] =	vst v1  }
0x2fe: {  	v8 =	vld [tilespmem:s0+$0xA0]  }
0x2ff: {  	[tilespmem:s1+$0xFFFFFFC0] =	vst v4;
	v63 =	vld [tilespmem:s21+$0x60]  }
0x300: {  	v4 =	vld [tilespmem:s21+$0xFFFFFFD0];
	v1 =	vadd.f32 v3, v5  }
0x301: {  	v3 =	vld [tilespmem:s0+$0xFFFFFF90]  }
0x302: {  	v5 =	vadd.f32 v10, v6;
	[tilespmem:s8+$0x20] =	vst v1;
	v1 =	vld [tilespmem:s10+$0xFFFFFFF0]  }
0x303: {  	v2 =	vadd.f32 v7, v2;
	v6 =	vld [tilespmem:s4+$0x30]  }
0x304: {  	[tilespmem:s8+$0xFFFFFFA0] =	vst v5;
	v7 =	vld [tilespmem:s9+$0x30];
	v5 =	vadd.f32 v63, v8  }
0x305: {  	s7 =	simm.s32 $0x6B00;
	[tilespmem:s19+$0x70] =	vst v2;
	s11 =	simm.s32 $0x4;
	s10 =	simm.s32 $0x19680;
	v2 =	vld [tilespmem:s4+$0xFFFFFF30]  }
.LBB2_12:
0x306: {  	v8 =	vld [tilespmem:s7+$0x0];
	v3 =	vadd.f32 v4, v3;
	[tilespmem:s1+$0x60] =	vst v5  }
0x307: {  	v4 =	vld [tilespmem:s0+$0xB0];
	v0 =	vadd.f32 v1, v0  }
0x308: {  	s9 =	sadd.s32 $0x100, s9;
	[tilespmem:s1+$0xFFFFFFD0] =	vst v3;
	v1 =	vld [tilespmem:s21+$0x70]  }
0x309: {  	v3 =	vld [tilespmem:s9+$0x0];
	v5 =	vadd.f32 v7, v6;
	[tilespmem:s19+$0xFFFFFFF0] =	vst v0;
	s19 =	smov.u32 s1;
	s1 =	smov.u32 s8  }
0x30a: {  	v0 =	vld [tilespmem:s9+$0xFFFFFF80]  }
0x30b: {  	v6 =	vld [tilespmem:s7+$0xFFFFFF00];
	[tilespmem:s8+$0x30] =	vst v5  }
0x30c: {  	v5 =	vld [tilespmem:s4+$0x80]  }
0x30d: {  	v7 =	vld [tilespmem:s10+$0x40];
	v1 =	vadd.f32 v1, v4  }
0x30e: {  	v3 =	vadd.f32 v3, v8;
	v4 =	vld [tilespmem:s10+$0xFFFFFFB0]  }
0x30f: {  	s8 =	sadd.s32 $0x100, s8;
	v8 =	vld [tilespmem:s0+$0xFFFFFFA0];
	[tilespmem:s19+$0x70] =	vst v1  }
0x310: {  	s11 =	sadd.s32 $0x2, s11;
	v0 =	vadd.f32 v0, v6;
	[tilespmem:s8+$0x0] =	vst v3;
	v1 =	vld [tilespmem:s21+$0xFFFFFFE0]  }
0x311: {  	p0 =	slt.u32 s11, $0x62;
	v3 =	vld [tilespmem:s7+$0x10]  }
0x312: {  	[tilespmem:s8+$0xFFFFFF80] =	vst v0;
	v0 =	vld [tilespmem:s9+$0x10];
	v5 =	vadd.f32 v7, v5  }
0x313: {  	v6 =	vld [tilespmem:s7+$0xFFFFFF10];
	v2 =	vadd.f32 v4, v2  }
0x314: {  	v4 =	vld [tilespmem:s9+$0xFFFFFF90];
	[tilespmem:s1+$0x40] =	vst v5  }
0x315: {  	[tilespmem:s1+$0xFFFFFFB0] =	vst v2;
	v2 =	vld [tilespmem:s4+$0x90];
	v1 =	vadd.f32 v1, v8  }
0x316: {  	v5 =	vld [tilespmem:s10+$0x50]  }
0x317: {  	v0 =	vadd.f32 v0, v3;
	v3 =	vld [tilespmem:s4+$0xFFFFFF80];
	[tilespmem:s19+$0xFFFFFFE0] =	vst v1  }
0x318: {  	v1 =	vld [tilespmem:s10+$0xFFFFFFC0]  }
0x319: {  	v4 =	vadd.f32 v4, v6;
	[tilespmem:s8+$0x10] =	vst v0;
	v0 =	vld [tilespmem:s0+$0xFFFFFFB0];
	s0 =	smov.u32 s4;
	s4 =	smov.u32 s7  }
0x31a: {  	v6 =	vld [tilespmem:s7+$0x20]  }
0x31b: {  	[tilespmem:s8+$0xFFFFFF90] =	vst v4;
	v4 =	vld [tilespmem:s9+$0x20];
	v2 =	vadd.f32 v5, v2  }
0x31c: {  	v5 =	vld [tilespmem:s7+$0xFFFFFF20]  }
0x31d: {  	v7 =	vld [tilespmem:s9+$0xFFFFFFA0];
	v1 =	vadd.f32 v1, v3;
	[tilespmem:s1+$0x50] =	vst v2  }
0x31e: {  	v2 =	vld [tilespmem:s0+$0xA0]  }
0x31f: {  	[tilespmem:s1+$0xFFFFFFC0] =	vst v1;
	v8 =	vld [tilespmem:s10+$0x60]  }
0x320: {  	v1 =	vadd.f32 v4, v6;
	v3 =	vld [tilespmem:s0+$0xFFFFFF90]  }
.Ltmp5:
0x321: {  	v4 =	vld [tilespmem:s10+$0xFFFFFFD0];
	(pc) =	sbr.rel @p0 .LBB2_12-.Ltmp5, $4  }
0x322: {  	v5 =	vadd.f32 v7, v5;
	[tilespmem:s8+$0x20] =	vst v1;
	v1 =	vld [tilespmem:s21+$0xFFFFFFF0];
	s21 =	smov.u32 s10;
	s10 =	smov.u32 s9  }
0x323: {  	v6 =	vld [tilespmem:s7+$0x30]  }
0x324: {  	[tilespmem:s8+$0xFFFFFFA0] =	vst v5;
	v7 =	vld [tilespmem:s9+$0x30];
	v5 =	vadd.f32 v8, v2  }
0x325: {  	s7 =	sadd.s32 $0x200, s7;
	v2 =	vld [tilespmem:s4+$0xFFFFFF30]  }
0x326: {  	v8 =	vld [tilespmem:s10+$0xFFFFFFB0];
	_ =	sdelay $0x2  }
0x327: {  	v6 =	vadd.f32 v7, v6;
	_ =	sdelay $0x1  }
0x328: {  	[tilespmem:s8+$0x30] =	vst v6;
	v2 =	vadd.f32 v8, v2  }
0x329: {  	v6 =	vld [tilespmem:s4+$0x80]  }
0x32a: {  	v7 =	vld [tilespmem:s10+$0x40];
	[tilespmem:s8+$0xFFFFFFB0] =	vst v2  }
0x32b: {  	v2 =	vld [tilespmem:s4+$0xFFFFFF80]  }
0x32c: {  	v8 =	vld [tilespmem:s10+$0xFFFFFFC0];
	_ =	sdelay $0x2  }
0x32d: {  	v6 =	vadd.f32 v7, v6;
	_ =	sdelay $0x1  }
0x32e: {  	[tilespmem:s8+$0x40] =	vst v6;
	v2 =	vadd.f32 v8, v2  }
0x32f: {  	v6 =	vld [tilespmem:s4+$0x90]  }
0x330: {  	v7 =	vld [tilespmem:s10+$0x50];
	[tilespmem:s8+$0xFFFFFFC0] =	vst v2  }
0x331: {  	v2 =	vld [tilespmem:s4+$0xFFFFFF90]  }
0x332: {  	v8 =	vld [tilespmem:s10+$0xFFFFFFD0]  }
0x333: {  	v3 =	vadd.f32 v4, v3;
	_ =	sdelay $0x1  }
0x334: {  	[tilespmem:s1+$0xFFFFFFD0] =	vst v3;
	v3 =	vadd.f32 v7, v6  }
0x335: {  	v4 =	vld [tilespmem:s0+$0xFFFFFFA0]  }
0x336: {  	v6 =	vld [tilespmem:s21+$0xFFFFFFE0];
	[tilespmem:s8+$0x50] =	vst v3;
	v2 =	vadd.f32 v8, v2  }
0x337: {  	v3 =	vld [tilespmem:s4+$0xA0]  }
0x338: {  	v7 =	vld [tilespmem:s10+$0x60];
	[tilespmem:s8+$0xFFFFFFD0] =	vst v2  }
0x339: {  	v2 =	vld [tilespmem:s4+$0xFFFFFFA0]  }
0x33a: {  	v8 =	vld [tilespmem:s10+$0xFFFFFFE0]  }
0x33b: {  	[tilespmem:s1+$0x60] =	vst v5;
	v4 =	vadd.f32 v6, v4  }
0x33c: {  	v5 =	vld [tilespmem:s0+$0xB0]  }
0x33d: {  	v6 =	vld [tilespmem:s21+$0x70];
	[tilespmem:s1+$0xFFFFFFE0] =	vst v4;
	v3 =	vadd.f32 v7, v3  }
0x33e: {  	v4 =	vld [tilespmem:s0+$0xFFFFFFB0]  }
0x33f: {  	v7 =	vld [tilespmem:s21+$0xFFFFFFF0];
	[tilespmem:s8+$0x60] =	vst v3;
	v2 =	vadd.f32 v8, v2  }
0x340: {  	v3 =	vld [tilespmem:s4+$0xB0]  }
0x341: {  	v8 =	vld [tilespmem:s10+$0x70];
	[tilespmem:s8+$0xFFFFFFE0] =	vst v2  }
0x342: {  	v2 =	vld [tilespmem:s4+$0xFFFFFFB0]  }
0x343: {  	v9 =	vld [tilespmem:s10+$0xFFFFFFF0]  }
0x344: {  	v0 =	vadd.f32 v1, v0  }
0x345: {  	v1 =	vadd.f32 v6, v5  }
0x346: {  	[tilespmem:s19+$0xFFFFFFF0] =	vst v0;
	v0 =	vadd.f32 v7, v4  }
0x347: {  	[tilespmem:s1+$0x70] =	vst v1;
	v1 =	vadd.f32 v8, v3  }
0x348: {  	[tilespmem:s1+$0xFFFFFFF0] =	vst v0;
	v0 =	vadd.f32 v9, v2  }
0x349: {  	[tilespmem:s8+$0x70] =	vst v1  }
0x34a: {  	[tilespmem:s8+$0xFFFFFFF0] =	vst v0  }
0x34b: {  	s25 =	rddreg [dreg:$0x6]  }
0x34c: {  	[hbm4b:s25+s2] =	stream.linear.scatter [tilespmem:s24], [sflag:$0x3], $0x3200, $0x38;
	[tilespmem:$0x1C800] =	vst v63  }
0x34d: {  	_ =	swait.ge [sflag:s31], $0x3200  }
0x34e: {  	[sflag:s31] =	ssyncset.done $0x0  }
0x34f: {  	[sflag:s31] =	ssyncadd.s32 $0xFFFFCE00  }
0x350: {  	_ =	swait.ge [sflag:s28], $0x6400  }
0x351: {  	[sflag:s28] =	ssyncset.done $0x0  }
0x352: {  	s11 =	simm.s32 $0xC9B0;
	[sflag:s28] =	ssyncadd.s32 $0xFFFF9C00  }
0x353: {  	s26 =	simm.s32 $0x19480;
	v0 =	vld [tilespmem:s11+$0xFFFFFF50]  }
0x354: {  	v1 =	vld [tilespmem:s26+$0x0];
	_ =	sdelay $0x4  }
0x355: {  	v0 =	vadd.f32 v1, v0  }
0x356: {  	s19 =	simm.s32 $0x160F0  }
0x357: {  	[tilespmem:s19+$0xFFFFFF90] =	vst v0  }
0x358: {  	v0 =	vld [tilespmem:s11+$0xFFFFFF60]  }
0x359: {  	v1 =	vld [tilespmem:s26+$0x10]  }
0x35a: {  	v2 =	vld [tilespmem:s26+$0xFFFFFF80]  }
0x35b: {  	v3 =	vld [tilespmem:s11+$0xFFFFFE50];
	_ =	sdelay $0x2  }
0x35c: {  	v0 =	vadd.f32 v1, v0;
	_ =	sdelay $0x1  }
0x35d: {  	[tilespmem:s19+$0xFFFFFFA0] =	vst v0;
	v0 =	vadd.f32 v2, v3  }
0x35e: {  	v1 =	vld [tilespmem:s11+$0xFFFFFF70]  }
0x35f: {  	v2 =	vld [tilespmem:s26+$0x20];
	[tilespmem:s19+$0xFFFFFF10] =	vst v0  }
0x360: {  	v0 =	vld [tilespmem:s11+$0xFFFFFE60]  }
0x361: {  	v3 =	vld [tilespmem:s26+$0xFFFFFF90];
	_ =	sdelay $0x2  }
0x362: {  	v1 =	vadd.f32 v2, v1;
	_ =	sdelay $0x1  }
0x363: {  	[tilespmem:s19+$0xFFFFFFB0] =	vst v1;
	v0 =	vadd.f32 v3, v0  }
0x364: {  	v1 =	vld [tilespmem:s11+$0xFFFFFF80]  }
0x365: {  	v2 =	vld [tilespmem:s26+$0x30];
	[tilespmem:s19+$0xFFFFFF20] =	vst v0  }
0x366: {  	v0 =	vld [tilespmem:s11+$0xFFFFFE70]  }
0x367: {  	s0 =	simm.s32 $0xCBB0;
	v3 =	vld [tilespmem:s26+$0xFFFFFFA0]  }
0x368: {  	s21 =	simm.s32 $0x19580;
	v4 =	vld [tilespmem:s0+$0xFFFFFF50]  }
0x369: {  	v5 =	vld [tilespmem:s21+$0x0]  }
0x36a: {  	v6 =	vld [tilespmem:s0+$0xFFFFFE50];
	v1 =	vadd.f32 v2, v1  }
0x36b: {  	v2 =	vld [tilespmem:s21+$0xFFFFFF80]  }
0x36c: {  	[tilespmem:s19+$0xFFFFFFC0] =	vst v1;
	v0 =	vadd.f32 v3, v0  }
0x36d: {  	v1 =	vld [tilespmem:s11+$0xFFFFFFD0]  }
0x36e: {  	v3 =	vld [tilespmem:s26+$0x40];
	[tilespmem:s19+$0xFFFFFF30] =	vst v0;
	v0 =	vadd.f32 v5, v4  }
0x36f: {  	s1 =	simm.s32 $0x161F0;
	v4 =	vld [tilespmem:s11+$0xFFFFFE80]  }
0x370: {  	v5 =	vld [tilespmem:s26+$0xFFFFFFB0];
	v2 =	vadd.f32 v2, v6;
	[tilespmem:s1+$0xFFFFFF90] =	vst v0  }
0x371: {  	v0 =	vld [tilespmem:s0+$0xFFFFFF60]  }
0x372: {  	[tilespmem:s1+$0xFFFFFF10] =	vst v2;
	v2 =	vld [tilespmem:s21+$0x10]  }
0x373: {  	v1 =	vadd.f32 v3, v1;
	v3 =	vld [tilespmem:s0+$0xFFFFFE60]  }
0x374: {  	v6 =	vld [tilespmem:s21+$0xFFFFFF90]  }
0x375: {  	[tilespmem:s19+$0xFFFFFFD0] =	vst v1;
	v1 =	vadd.f32 v5, v4  }
0x376: {  	v4 =	vld [tilespmem:s11+$0xFFFFFFE0]  }
0x377: {  	v5 =	vld [tilespmem:s26+$0x50];
	[tilespmem:s19+$0xFFFFFF40] =	vst v1;
	v0 =	vadd.f32 v2, v0  }
0x378: {  	v1 =	vld [tilespmem:s11+$0xFFFFFED0]  }
0x379: {  	v2 =	vld [tilespmem:s26+$0xFFFFFFC0];
	v3 =	vadd.f32 v6, v3;
	[tilespmem:s1+$0xFFFFFFA0] =	vst v0  }
0x37a: {  	v0 =	vld [tilespmem:s0+$0xFFFFFF70]  }
0x37b: {  	[tilespmem:s1+$0xFFFFFF20] =	vst v3;
	v3 =	vld [tilespmem:s21+$0x20]  }
0x37c: {  	v4 =	vadd.f32 v5, v4;
	v5 =	vld [tilespmem:s0+$0xFFFFFE70]  }
0x37d: {  	v6 =	vld [tilespmem:s21+$0xFFFFFFA0]  }
0x37e: {  	s9 =	simm.s32 $0x19680  }
0x37f: {  	v8 =	vld [tilespmem:s9+$0x0];
	[tilespmem:s19+$0xFFFFFFE0] =	vst v4  }
0x380: {  	v1 =	vadd.f32 v2, v1;
	v2 =	vld [tilespmem:s11+$0xFFFFFFF0];
	v0 =	vadd.f32 v3, v0  }
0x381: {  	s4 =	simm.s32 $0xCDB0;
	v4 =	vld [tilespmem:s26+$0x60]  }
0x382: {  	v60 =	vld [tilespmem:s4+$0xFFFFFE50];
	v5 =	vadd.f32 v6, v5;
	[tilespmem:s1+$0xFFFFFFB0] =	vst v0  }
0x383: {  	[tilespmem:s19+$0xFFFFFF50] =	vst v1;
	v0 =	vld [tilespmem:s0+$0xFFFFFF80]  }
0x384: {  	[tilespmem:s1+$0xFFFFFF30] =	vst v5;
	v5 =	vld [tilespmem:s21+$0x30]  }
0x385: {  	v1 =	vld [tilespmem:s11+$0xFFFFFEE0]  }
0x386: {  	v3 =	vld [tilespmem:s26+$0xFFFFFFD0];
	v2 =	vadd.f32 v4, v2  }
0x387: {  	v6 =	vld [tilespmem:s4+$0xFFFFFF50]  }
0x388: {  	v4 =	vld [tilespmem:s0+$0xFFFFFE80];
	[tilespmem:s19+$0xFFFFFFF0] =	vst v2  }
0x389: {  	v2 =	vld [tilespmem:s11+$0x0];
	v0 =	vadd.f32 v5, v0  }
0x38a: {  	v7 =	vld [tilespmem:s26+$0x70]  }
0x38b: {  	v5 =	vld [tilespmem:s9+$0xFFFFFF80];
	[tilespmem:s1+$0xFFFFFFC0] =	vst v0  }
0x38c: {  	v0 =	vadd.f32 v3, v1;
	v1 =	vld [tilespmem:s0+$0xFFFFFFD0]  }
0x38d: {  	v3 =	vld [tilespmem:s21+$0x40]  }
0x38e: {  	[tilespmem:s19+$0xFFFFFF60] =	vst v0;
	v0 =	vadd.f32 v8, v6;
	v6 =	vld [tilespmem:s21+$0xFFFFFFB0]  }
0x38f: {  	s8 =	simm.s32 $0x162F0;
	v8 =	vld [tilespmem:s11+$0xFFFFFEF0]  }
0x390: {  	v5 =	vadd.f32 v5, v60;
	[tilespmem:s8+$0xFFFFFF90] =	vst v0;
	v0 =	vld [tilespmem:s26+$0xFFFFFFE0]  }
0x391: {  	v61 =	vld [tilespmem:s4+$0xFFFFFF60]  }
0x392: {  	[tilespmem:s8+$0xFFFFFF10] =	vst v5;
	v5 =	vld [tilespmem:s9+$0x10];
	v1 =	vadd.f32 v3, v1  }
0x393: {  	v3 =	vld [tilespmem:s4+$0xFFFFFE60]  }
0x394: {  	v4 =	vadd.f32 v6, v4;
	v6 =	vld [tilespmem:s9+$0xFFFFFF90];
	[tilespmem:s1+$0xFFFFFFD0] =	vst v1  }
0x395: {  	v1 =	vld [tilespmem:s0+$0xFFFFFFE0]  }
0x396: {  	[tilespmem:s1+$0xFFFFFF40] =	vst v4;
	v0 =	vadd.f32 v0, v8;
	v4 =	vld [tilespmem:s21+$0x50]  }
0x397: {  	v5 =	vadd.f32 v5, v61;
	v8 =	vld [tilespmem:s0+$0xFFFFFED0]  }
0x398: {  	v62 =	vld [tilespmem:s21+$0xFFFFFFC0];
	[tilespmem:s19+$0xFFFFFF70] =	vst v0  }
0x399: {  	v3 =	vadd.f32 v6, v3;
	[tilespmem:s8+$0xFFFFFFA0] =	vst v5;
	v0 =	vld [tilespmem:s11+$0xFFFFFF00]  }
0x39a: {  	v5 =	vld [tilespmem:s4+$0xFFFFFF70]  }
0x39b: {  	[tilespmem:s8+$0xFFFFFF20] =	vst v3;
	v3 =	vld [tilespmem:s9+$0x20];
	v1 =	vadd.f32 v4, v1  }
0x39c: {  	v6 =	vld [tilespmem:s4+$0xFFFFFE70]  }
0x39d: {  	v10 =	vld [tilespmem:s9+$0xFFFFFFA0];
	v4 =	vadd.f32 v62, v8;
	[tilespmem:s1+$0xFFFFFFE0] =	vst v1  }
0x39e: {  	v8 =	vld [tilespmem:s0+$0xFFFFFFF0]  }
0x39f: {  	[tilespmem:s1+$0xFFFFFF50] =	vst v4;
	v63 =	vld [tilespmem:s21+$0x60]  }
0x3a0: {  	v4 =	vld [tilespmem:s21+$0xFFFFFFD0];
	v1 =	vadd.f32 v3, v5  }
0x3a1: {  	v3 =	vld [tilespmem:s0+$0xFFFFFEE0]  }
0x3a2: {  	v5 =	vadd.f32 v10, v6;
	[tilespmem:s8+$0xFFFFFFB0] =	vst v1;
	v1 =	vld [tilespmem:s26+$0xFFFFFFF0]  }
0x3a3: {  	v2 =	vadd.f32 v7, v2;
	v6 =	vld [tilespmem:s4+$0xFFFFFF80]  }
0x3a4: {  	[tilespmem:s8+$0xFFFFFF30] =	vst v5;
	v7 =	vld [tilespmem:s9+$0x30];
	v5 =	vadd.f32 v63, v8  }
0x3a5: {  	s7 =	simm.s32 $0xCFB0;
	s10 =	simm.s32 $0x19680;
	[tilespmem:s19+$0x0] =	vst v2;
	s11 =	simm.s32 $0x4;
	v2 =	vld [tilespmem:s4+$0xFFFFFE80]  }
.LBB2_14:
0x3a6: {  	v8 =	vld [tilespmem:s7+$0xFFFFFF50];
	v3 =	vadd.f32 v4, v3;
	[tilespmem:s1+$0xFFFFFFF0] =	vst v5  }
0x3a7: {  	v4 =	vld [tilespmem:s0+$0x0];
	v0 =	vadd.f32 v1, v0  }
0x3a8: {  	s9 =	sadd.s32 $0x100, s9;
	[tilespmem:s1+$0xFFFFFF60] =	vst v3;
	v1 =	vld [tilespmem:s21+$0x70]  }
0x3a9: {  	v3 =	vld [tilespmem:s9+$0x0];
	v5 =	vadd.f32 v7, v6;
	[tilespmem:s19+$0xFFFFFF80] =	vst v0;
	s19 =	smov.u32 s1;
	s1 =	smov.u32 s8  }
0x3aa: {  	v0 =	vld [tilespmem:s9+$0xFFFFFF80]  }
0x3ab: {  	v6 =	vld [tilespmem:s7+$0xFFFFFE50];
	[tilespmem:s8+$0xFFFFFFC0] =	vst v5  }
0x3ac: {  	v5 =	vld [tilespmem:s4+$0xFFFFFFD0]  }
0x3ad: {  	v7 =	vld [tilespmem:s10+$0x40];
	v1 =	vadd.f32 v1, v4  }
0x3ae: {  	v3 =	vadd.f32 v3, v8;
	v4 =	vld [tilespmem:s10+$0xFFFFFFB0]  }
0x3af: {  	s8 =	sadd.s32 $0x100, s8;
	v8 =	vld [tilespmem:s0+$0xFFFFFEF0];
	[tilespmem:s19+$0x0] =	vst v1  }
0x3b0: {  	s11 =	sadd.s32 $0x2, s11;
	v0 =	vadd.f32 v0, v6;
	[tilespmem:s8+$0xFFFFFF90] =	vst v3;
	v1 =	vld [tilespmem:s21+$0xFFFFFFE0]  }
0x3b1: {  	p0 =	slt.u32 s11, $0x62;
	v3 =	vld [tilespmem:s7+$0xFFFFFF60]  }
0x3b2: {  	[tilespmem:s8+$0xFFFFFF10] =	vst v0;
	v0 =	vld [tilespmem:s9+$0x10];
	v5 =	vadd.f32 v7, v5  }
0x3b3: {  	v6 =	vld [tilespmem:s7+$0xFFFFFE60];
	v2 =	vadd.f32 v4, v2  }
0x3b4: {  	v4 =	vld [tilespmem:s9+$0xFFFFFF90];
	[tilespmem:s1+$0xFFFFFFD0] =	vst v5  }
0x3b5: {  	[tilespmem:s1+$0xFFFFFF40] =	vst v2;
	v2 =	vld [tilespmem:s4+$0xFFFFFFE0];
	v1 =	vadd.f32 v1, v8  }
0x3b6: {  	v5 =	vld [tilespmem:s10+$0x50]  }
0x3b7: {  	v0 =	vadd.f32 v0, v3;
	v3 =	vld [tilespmem:s4+$0xFFFFFED0];
	[tilespmem:s19+$0xFFFFFF70] =	vst v1  }
0x3b8: {  	v1 =	vld [tilespmem:s10+$0xFFFFFFC0]  }
0x3b9: {  	v4 =	vadd.f32 v4, v6;
	[tilespmem:s8+$0xFFFFFFA0] =	vst v0;
	v0 =	vld [tilespmem:s0+$0xFFFFFF00];
	s0 =	smov.u32 s4;
	s4 =	smov.u32 s7  }
0x3ba: {  	v6 =	vld [tilespmem:s7+$0xFFFFFF70]  }
0x3bb: {  	[tilespmem:s8+$0xFFFFFF20] =	vst v4;
	v4 =	vld [tilespmem:s9+$0x20];
	v2 =	vadd.f32 v5, v2  }
0x3bc: {  	v5 =	vld [tilespmem:s7+$0xFFFFFE70]  }
0x3bd: {  	v7 =	vld [tilespmem:s9+$0xFFFFFFA0];
	v1 =	vadd.f32 v1, v3;
	[tilespmem:s1+$0xFFFFFFE0] =	vst v2  }
0x3be: {  	v2 =	vld [tilespmem:s0+$0xFFFFFFF0]  }
0x3bf: {  	[tilespmem:s1+$0xFFFFFF50] =	vst v1;
	v8 =	vld [tilespmem:s10+$0x60]  }
0x3c0: {  	v1 =	vadd.f32 v4, v6;
	v3 =	vld [tilespmem:s0+$0xFFFFFEE0]  }
.Ltmp6:
0x3c1: {  	v4 =	vld [tilespmem:s10+$0xFFFFFFD0];
	(pc) =	sbr.rel @p0 .LBB2_14-.Ltmp6, $4  }
0x3c2: {  	v5 =	vadd.f32 v7, v5;
	[tilespmem:s8+$0xFFFFFFB0] =	vst v1;
	v1 =	vld [tilespmem:s21+$0xFFFFFFF0];
	s21 =	smov.u32 s10;
	s10 =	smov.u32 s9  }
0x3c3: {  	v6 =	vld [tilespmem:s7+$0xFFFFFF80]  }
0x3c4: {  	[tilespmem:s8+$0xFFFFFF30] =	vst v5;
	v7 =	vld [tilespmem:s9+$0x30];
	v5 =	vadd.f32 v8, v2  }
0x3c5: {  	s7 =	sadd.s32 $0x200, s7;
	v2 =	vld [tilespmem:s4+$0xFFFFFE80]  }
0x3c6: {  	v8 =	vld [tilespmem:s10+$0xFFFFFFB0];
	_ =	sdelay $0x2  }
0x3c7: {  	v6 =	vadd.f32 v7, v6;
	_ =	sdelay $0x1  }
0x3c8: {  	[tilespmem:s8+$0xFFFFFFC0] =	vst v6;
	v2 =	vadd.f32 v8, v2  }
0x3c9: {  	v6 =	vld [tilespmem:s4+$0xFFFFFFD0]  }
0x3ca: {  	v48 =	vld [tilespmem:s10+$0x40];
	[tilespmem:s8+$0xFFFFFF40] =	vst v2  }
0x3cb: {  	v2 =	vld [tilespmem:s4+$0xFFFFFED0]  }
0x3cc: {  	v49 =	vld [tilespmem:s10+$0xFFFFFFC0];
	_ =	sdelay $0x2  }
0x3cd: {  	v6 =	vadd.f32 v48, v6;
	_ =	sdelay $0x1  }
0x3ce: {  	[tilespmem:s8+$0xFFFFFFD0] =	vst v6;
	v2 =	vadd.f32 v49, v2  }
0x3cf: {  	v6 =	vld [tilespmem:s4+$0xFFFFFFE0]  }
0x3d0: {  	v50 =	vld [tilespmem:s10+$0x50];
	[tilespmem:s8+$0xFFFFFF50] =	vst v2  }
0x3d1: {  	v2 =	vld [tilespmem:s4+$0xFFFFFEE0]  }
0x3d2: {  	v51 =	vld [tilespmem:s10+$0xFFFFFFD0]  }
0x3d3: {  	v3 =	vadd.f32 v4, v3;
	_ =	sdelay $0x1  }
0x3d4: {  	[tilespmem:s1+$0xFFFFFF60] =	vst v3;
	v52 =	vadd.f32 v50, v6  }
0x3d5: {  	v53 =	vld [tilespmem:s0+$0xFFFFFEF0]  }
0x3d6: {  	v54 =	vld [tilespmem:s21+$0xFFFFFFE0];
	[tilespmem:s8+$0xFFFFFFE0] =	vst v52;
	v2 =	vadd.f32 v51, v2  }
0x3d7: {  	v3 =	vld [tilespmem:s4+$0xFFFFFFF0]  }
0x3d8: {  	v55 =	vld [tilespmem:s10+$0x60];
	[tilespmem:s8+$0xFFFFFF60] =	vst v2  }
0x3d9: {  	v2 =	vld [tilespmem:s4+$0xFFFFFEF0]  }
0x3da: {  	v56 =	vld [tilespmem:s10+$0xFFFFFFE0]  }
0x3db: {  	[tilespmem:s1+$0xFFFFFFF0] =	vst v5;
	v4 =	vadd.f32 v54, v53  }
0x3dc: {  	v5 =	vld [tilespmem:s0+$0x0]  }
0x3dd: {  	v57 =	vld [tilespmem:s21+$0x70];
	[tilespmem:s1+$0xFFFFFF70] =	vst v4;
	v3 =	vadd.f32 v55, v3  }
0x3de: {  	v4 =	vld [tilespmem:s0+$0xFFFFFF00]  }
0x3df: {  	v58 =	vld [tilespmem:s21+$0xFFFFFFF0];
	[tilespmem:s8+$0xFFFFFFF0] =	vst v3;
	v2 =	vadd.f32 v56, v2  }
0x3e0: {  	v3 =	vld [tilespmem:s4+$0x0]  }
0x3e1: {  	v59 =	vld [tilespmem:s10+$0x70];
	[tilespmem:s8+$0xFFFFFF70] =	vst v2  }
0x3e2: {  	v2 =	vld [tilespmem:s4+$0xFFFFFF00]  }
0x3e3: {  	v9 =	vld [tilespmem:s10+$0xFFFFFFF0]  }
0x3e4: {  	v0 =	vadd.f32 v1, v0  }
0x3e5: {  	v60 =	vadd.f32 v57, v5  }
0x3e6: {  	[tilespmem:s19+$0xFFFFFF80] =	vst v0;
	v61 =	vadd.f32 v58, v4  }
0x3e7: {  	[tilespmem:s1+$0x0] =	vst v60;
	v62 =	vadd.f32 v59, v3  }
0x3e8: {  	[tilespmem:s1+$0xFFFFFF80] =	vst v61;
	v63 =	vadd.f32 v9, v2  }
0x3e9: {  	[tilespmem:s8+$0x0] =	vst v62  }
0x3ea: {  	[tilespmem:s8+$0xFFFFFF80] =	vst v63  }
0x3eb: {  	s25 =	rddreg [dreg:$0x7]  }
0x3ec: {  	[hbm4b:s25+s2] =	stream.linear.scatter [tilespmem:s29], [sflag:$0x4], $0x3200, $0x38;
	[tilespmem:$0x1C800] =	vst v63  }
0x3ed: {  	_ =	swait.ge [sflag:s30], $0x3200  }
0x3ee: {  	[sflag:s30] =	ssyncset.done $0x0  }
0x3ef: {  	[sflag:s30] =	ssyncadd.s32 $0xFFFFCE00  }
0x3f0: {  	_ =	swait.ge [sflag:s31], $0x3200  }
0x3f1: {  	s13 =	sadd.s32 $0x1, s13;
	s26 =	rddreg [dreg:$0x8]  }
0x3f2: {  	p0 =	sne.s32 s13, s26  }
.Ltmp7:
0x3f3: {  	_ = 	snop;
	(pc) =	sbr.rel @p0 .LBB2_1-.Ltmp7, $3  }
0x3f4: {  	_ =	sdelay $0x1  }
0x3f5: {  	[sflag:s31] =	ssyncset.done $0x0  }
0x3f6: {  	[sflag:s31] =	ssyncadd.s32 $0xFFFFCE00  }
0x3f7: {  	_ =	sfence.sel $0x180000  }
0x3f8: {  	[bflag:$0x0] =	sbarrier.arrive $0xFFFF  }
0x3f9: {  	_ =	strace $0x90000047  }
0x3fa: {  	s0 =	stileid.u32;
	[bflag:$0x2] =	sbarrier.arrive $0xFFFF  }
0x3fb: {  	p0 =	sne.s32 s0, $0x0;
	s0 =	rddreg [dreg:$0x1]  }
0x3fc: {  	s0 =	sadd.s32 @!p0 $0x100000, s0  }
0x3fd: {  	[sflag:s0] =	ssyncadd.tile.s32 @!p0 $0x1;
	_ =	shalt  }
.Lfunc_end2:
_tile_overlayer_lowered:
.L_overlay_start_2:
0x3fe: {  	(tag) =	ssettag $0x2  }
0x3ff: {  	s0 =	rddreg [dreg:$0x0];
	s2 =	stileid.u32  }
0x400: {  	s1 =	rddreg [dreg:$0x1];
	p0 =	sne.s32 s2, $0x0  }
0x401: {  	s3 =	rddreg [dreg:$0x2];
	[bflag:$0x3] =	sbarrier.arrive $0xFFFF;
	s2 =	simm.s32 @!p0 $0x1C05  }
0x402: {  	[timem:s3], [sflag:s2] =	dma.local @!p0 [hbm:s0], s1  }
0x403: {  	s0 =	simm.s32 @!p0 $0x5  }
0x404: {  	_ =	swait.ge @!p0 [sflag:s0], s1  }
0x405: {  	s1 =	ssub.s32 @!p0 $0x0, s1;
	[sflag:s0] =	ssyncset.done @!p0 $0x0  }
0x406: {  	[sflag:s0] =	ssyncadd.s32 @!p0 s1  }
0x407: {  	[bflag:$0x3] =	sbarrier.arrive $0xFFFF  }
0x408: {  	_ =	shalt  }

</sc_bundles>
